<compile_context>
chip_gen: v7x
topology: tpu7x:2x2x1
jax: 0.10.2.dev20260603
libtpu: 0.0.44.dev20260713+nightly
codegen_flags: <defaults>
</compile_context>

<pallas_src>
import functools

import jax
import jax.numpy as jnp
from jax import lax
from jax.experimental import pallas as pl
from jax.experimental.pallas import tpu as pltpu
from jax.experimental.pallas import tpu_sc as plsc

_N = 10000
_E = 320000
_D = 128
_DH = 64
_EPS = 1e-5

_NC = 2
_NS = 16
_RP = 10240
_CW = 128
_CHUNKS = 160
_EPT = _CHUNKS * _CW
_EPAD = _NS * _EPT
_STRIPE = _RP // _NS
_DW = 16

_sc_mesh = plsc.VectorSubcoreMesh(
    core_axis_name="c", subcore_axis_name="s", num_cores=_NC, num_subcores=_NS
)


def _fill_vmem(ref, rows, width, value):
    def body(i, _):
        for k in range(width // 16):
            ref[i, pl.ds(k * 16, 16)] = jnp.full((16,), value, jnp.float32)
        return 0
    lax.fori_loop(0, rows, body, 0)


@functools.partial(
    pl.kernel,
    out_type=jax.ShapeDtypeStruct((_NC, _RP, _DW), jnp.float32),
    mesh=_sc_mesh,
    compiler_params=pltpu.CompilerParams(use_tc_tiling_on_sc=False),
    scratch_types=[
        pltpu.VMEM((_CHUNKS // 2, _CW), jnp.int32),
        pltpu.VMEM((_CW, _DW), jnp.float32),
        pltpu.VMEM_SHARED((_RP, _DW), jnp.float32),
    ],
)
def _sc_degree(dst_hbm, out_hbm, dst_v, buf_v, deg_sh):
    c = lax.axis_index("c")
    s = lax.axis_index("s")
    _fill_vmem(buf_v, _CW, _DW, 0.0)
    for i in range(_STRIPE // _CW):
        pltpu.sync_copy(buf_v, deg_sh.at[pl.ds(s * _STRIPE + i * _CW, _CW)])
    plsc.subcore_barrier()
    pltpu.sync_copy(dst_hbm.at[s, pl.ds(c * (_CHUNKS // 2), _CHUNKS // 2)],
                    dst_v)
    _fill_vmem(buf_v, _CW, _DW, 1.0)

    def body(j, _):
        pltpu.sync_copy(buf_v, deg_sh.at[dst_v.at[j]], add=True)
        return 0
    lax.fori_loop(0, _CHUNKS // 2, body, 0)
    plsc.subcore_barrier()
    for i in range(_STRIPE // _CW):
        pltpu.sync_copy(deg_sh.at[pl.ds(s * _STRIPE + i * _CW, _CW)], buf_v)
        pltpu.sync_copy(buf_v, out_hbm.at[c, pl.ds(s * _STRIPE + i * _CW, _CW)])


@functools.partial(
    pl.kernel,
    out_type=jax.ShapeDtypeStruct((_NC, _RP, _DH), jnp.float32),
    mesh=_sc_mesh,
    compiler_params=pltpu.CompilerParams(use_tc_tiling_on_sc=False),
    scratch_types=[
        pltpu.VMEM((_CHUNKS, _CW), jnp.int32),
        pltpu.VMEM((_CHUNKS, _CW), jnp.int32),
        [pltpu.VMEM((_CW, _DH), jnp.float32)] * 4,
        pltpu.VMEM((_CW, _DH), jnp.float32),
        pltpu.VMEM_SHARED((_RP, _DH), jnp.float32),
        [pltpu.SemaphoreType.DMA] * 4,
        [pltpu.SemaphoreType.DMA] * 4,
    ],
)
def _sc_scatter(pre_hbm, src_hbm, dst_hbm, out_hbm,
                src_v, dst_v, rows, buf_v, acc_sh, gsem, ssem):
    c = lax.axis_index("c")
    s = lax.axis_index("s")
    _fill_vmem(buf_v, _CW, _DH, 0.0)
    for i in range(_STRIPE // _CW):
        pltpu.sync_copy(buf_v, acc_sh.at[pl.ds(s * _STRIPE + i * _CW, _CW)])
    plsc.subcore_barrier()
    pltpu.sync_copy(src_hbm.at[s], src_v)
    pltpu.sync_copy(dst_hbm.at[s], dst_v)

    _NB = 4
    for b in range(_NB):
        pltpu.async_copy(pre_hbm.at[c].at[src_v.at[b]], rows[b], gsem[b])

    def body(jo, _):
        for b in range(_NB):
            j = jo * _NB + b
            pltpu.make_async_copy(pre_hbm.at[c].at[src_v.at[j]],
                                  rows[b], gsem[b]).wait()
            pltpu.async_copy(rows[b], acc_sh.at[dst_v.at[j]], ssem[b],
                             add=True)
        for b in range(_NB):
            j = jo * _NB + b
            pltpu.make_async_copy(rows[b], acc_sh.at[dst_v.at[j]],
                                  ssem[b]).wait()

            @pl.when(j + _NB < _CHUNKS)
            def _():
                pltpu.async_copy(pre_hbm.at[c].at[src_v.at[j + _NB]],
                                 rows[b], gsem[b])
        return 0
    lax.fori_loop(0, _CHUNKS // _NB, body, 0)
    plsc.subcore_barrier()
    for i in range(_STRIPE // _CW):
        pltpu.sync_copy(acc_sh.at[pl.ds(s * _STRIPE + i * _CW, _CW)], buf_v)
        pltpu.sync_copy(buf_v, out_hbm.at[c, pl.ds(s * _STRIPE + i * _CW, _CW)])


def _tc1_body(x_ref, w1_ref, deg_ref, pre_ref, dinv_ref):
    deg = deg_ref[0] + deg_ref[1] + 1.0
    dinv = lax.rsqrt(deg)
    h = jnp.dot(x_ref[...], w1_ref[...], preferred_element_type=jnp.float32)
    pre = h * dinv[:, 0:1]
    pre_ref[0] = pre[:, :_DH]
    pre_ref[1] = pre[:, _DH:]
    dinv_ref[...] = dinv


_tc1 = pl.pallas_call(
    _tc1_body,
    out_shape=[
        jax.ShapeDtypeStruct((_NC, _RP, _DH), jnp.float32),
        jax.ShapeDtypeStruct((_RP, _DW), jnp.float32),
    ],
)


def _tc2_body(pre_ref, agg_ref, dinv_ref, b1_ref, w2_ref, pre2_ref):
    dinv = dinv_ref[...][:, 0:1]
    tot = jnp.concatenate([agg_ref[0] + pre_ref[0], agg_ref[1] + pre_ref[1]],
                          axis=-1)
    z = tot * dinv + b1_ref[...]
    hr = jnp.maximum(z, 0.0)
    h2 = jnp.dot(hr, w2_ref[...], preferred_element_type=jnp.float32)
    pre2 = h2 * dinv
    pre2_ref[0] = pre2[:, :_DH]
    pre2_ref[1] = pre2[:, _DH:]


_tc2 = pl.pallas_call(
    _tc2_body,
    out_shape=jax.ShapeDtypeStruct((_NC, _RP, _DH), jnp.float32),
)


def _tc3_body(pre_ref, agg_ref, dinv_ref, b2_ref, g_ref, bt_ref, out_ref):
    dinv = dinv_ref[...][:, 0:1]
    tot = jnp.concatenate([agg_ref[0] + pre_ref[0], agg_ref[1] + pre_ref[1]],
                          axis=-1)
    z = tot * dinv + b2_ref[...]
    r = jnp.maximum(z, 0.0)
    rowid = lax.broadcasted_iota(jnp.int32, (_RP, 1), 0)
    mask = rowid < _N
    rm = jnp.where(mask, r, 0.0)
    mean = jnp.sum(rm, axis=0, keepdims=True) * (1.0 / _N)
    dev = jnp.where(mask, r - mean, 0.0)
    var = jnp.sum(dev * dev, axis=0, keepdims=True) * (1.0 / _N)
    out_ref[...] = (r - mean) * lax.rsqrt(var + _EPS) * g_ref[...] + bt_ref[...]


_tc3 = pl.pallas_call(
    _tc3_body,
    out_shape=jax.ShapeDtypeStruct((_RP, _D), jnp.float32),
)


def kernel(x, edge_index, W1, b1, W2, b2, gamma, beta):
    src = edge_index[0]
    dst = edge_index[1]
    npad = _EPAD - _E
    src_p = jnp.concatenate(
        [src, jnp.zeros((npad,), jnp.int32)]).reshape(_NS, _CHUNKS, _CW)
    dst_p = jnp.concatenate(
        [dst, jnp.full((npad,), _N, jnp.int32)]).reshape(_NS, _CHUNKS, _CW)
    x_pad = jnp.zeros((_RP, _D), jnp.float32).at[:_N].set(x)

    deg = _sc_degree(dst_p)
    pre1, dinv = _tc1(x_pad, W1, deg)
    agg1 = _sc_scatter(pre1, src_p, dst_p)
    pre2 = _tc2(pre1, agg1, dinv, b1.reshape(1, _D), W2)
    agg2 = _sc_scatter(pre2, src_p, dst_p)
    out = _tc3(pre2, agg2, dinv, b2.reshape(1, _D),
               gamma.reshape(1, _D), beta.reshape(1, _D))
    return out[:_N]

# --- scband reference (transcript-rebuilt; emitter-appended) ---
"""Pipeline reference for scband-gcnblock-62457414418469 (READ-ONLY COPY).

The authoritative reference and input builder live on the scoring server;
editing this copy changes nothing except your own understanding.
"""

import jax, jax.numpy as jnp
import numpy as np

N = 10000
E = 320000
D_IN = 128
D_OUT = 128
EPS = 1e-5


def gcn_conv(x, W, b, src, dst, n):
    # PyG-style GCNConv: add self-loops, symmetric normalization, scatter-add
    loop = jnp.arange(n, dtype=src.dtype)
    src2 = jnp.concatenate([src, loop])
    dst2 = jnp.concatenate([dst, loop])
    deg = jnp.zeros((n,), dtype=x.dtype).at[dst2].add(1.0)
    dinv = jnp.where(deg > 0, 1.0 / jnp.sqrt(deg), 0.0)
    norm = dinv[src2] * dinv[dst2]
    h = x @ W
    msgs = jnp.take(h, src2, axis=0) * norm[:, None]
    out = jax.ops.segment_sum(msgs, dst2, num_segments=n)
    return out + b


def batch_norm(x, gamma, beta):
    mean = jnp.mean(x, axis=0)
    var = jnp.mean((x - mean) ** 2, axis=0)
    return (x - mean) / jnp.sqrt(var + EPS) * gamma + beta


def setup_inputs(seed: int = 0) -> dict:
    key = jax.random.key(seed)
    ks = jax.random.split(key, 8)
    x = jax.random.normal(ks[0], (N, D_IN), dtype=jnp.float32)
    edge_index = jax.random.randint(ks[1], (2, E), 0, N, dtype=jnp.int32)
    s1 = 1.0 / np.sqrt(D_IN)
    s2 = 1.0 / np.sqrt(D_OUT)
    W1 = jax.random.uniform(ks[2], (D_IN, D_OUT), dtype=jnp.float32, minval=-s1, maxval=s1)
    b1 = jax.random.uniform(ks[3], (D_OUT,), dtype=jnp.float32, minval=-s1, maxval=s1)
    W2 = jax.random.uniform(ks[4], (D_OUT, D_OUT), dtype=jnp.float32, minval=-s2, maxval=s2)
    b2 = jax.random.uniform(ks[5], (D_OUT,), dtype=jnp.float32, minval=-s2, maxval=s2)
    gamma = jnp.ones((D_OUT,), dtype=jnp.float32)
    beta = jnp.zeros((D_OUT,), dtype=jnp.float32)
    return {"x": x, "edge_index": edge_index, "W1": W1, "b1": b1, "W2": W2, "b2": b2, "gamma": gamma, "beta": beta}


def reference(x, edge_index, W1, b1, W2, b2, gamma, beta):
    src = edge_index[0]
    dst = edge_index[1]
    h = gcn_conv(x, W1, b1, src, dst, N)
    h = jax.nn.relu(h)
    h = gcn_conv(h, W2, b2, src, dst, N)
    h = jax.nn.relu(h)
    return batch_norm(h, gamma, beta)

if __name__ == "__main__":
    import jax
    _d = setup_inputs()
    print(jax.jit(kernel)(*tuple(_d.values())))

</pallas_src>

<mosaic_0001>
#map = affine_map<(d0, d1) -> (0, 0, 0)>
module attributes {stable_mosaic.version = 14 : i64} {
  func.func @_sc_scatter(%arg0: i32, %arg1: i32, %arg2: memref<2x10240x64xf32, #tpu.memory_space<hbm>>, %arg3: memref<16x160x128xi32, #tpu.memory_space<hbm>>, %arg4: memref<16x160x128xi32, #tpu.memory_space<hbm>>, %arg5: memref<2x10240x64xf32, #tpu.memory_space<hbm>>, %arg6: memref<160x128xi32, #tpu.memory_space<vmem>>, %arg7: memref<160x128xi32, #tpu.memory_space<vmem>>, %arg8: memref<128x64xf32, #tpu.memory_space<vmem>>, %arg9: memref<128x64xf32, #tpu.memory_space<vmem>>, %arg10: memref<128x64xf32, #tpu.memory_space<vmem>>, %arg11: memref<128x64xf32, #tpu.memory_space<vmem>>, %arg12: memref<128x64xf32, #tpu.memory_space<vmem>>, %arg13: memref<10240x64xf32, #tpu.memory_space<vmem_shared>>, %arg14: memref<!tpu.dma_semaphore, #tpu.memory_space<semaphore_mem>>, %arg15: memref<!tpu.dma_semaphore, #tpu.memory_space<semaphore_mem>>, %arg16: memref<!tpu.dma_semaphore, #tpu.memory_space<semaphore_mem>>, %arg17: memref<!tpu.dma_semaphore, #tpu.memory_space<semaphore_mem>>, %arg18: memref<!tpu.dma_semaphore, #tpu.memory_space<semaphore_mem>>, %arg19: memref<!tpu.dma_semaphore, #tpu.memory_space<semaphore_mem>>, %arg20: memref<!tpu.dma_semaphore, #tpu.memory_space<semaphore_mem>>, %arg21: memref<!tpu.dma_semaphore, #tpu.memory_space<semaphore_mem>>) attributes {dimension_semantics = [#tpu.dimension_semantics<core_parallel>, #tpu.dimension_semantics<subcore_parallel>], iteration_bounds = array<i64: 2, 16>, scalar_prefetch = 0 : i64, scratch_operands = 16 : i64, tpu.core_type = #tpu.core_type<sc_vector_subcore>, window_params = [{transform_indices = #map}, {transform_indices = #map}, {transform_indices = #map}, {transform_indices = #map}]} {
    %scan3A = arith.constant 0 : i32
    %scan3A_0 = arith.constant 0 : i32
    %scan3A_1 = arith.constant 128 : i32
    %scan3A_2 = arith.addi %scan3A_0, %scan3A_1 : i32
    %scan3A_3 = arith.constant 1 : i32
    %scan3A_4 = scf.for %scan3A_115 = %scan3A_0 to %scan3A_2 step %scan3A_3 iter_args(%scan3A_116 = %scan3A) -> (i32)  : i32 {
      %broadcast_in_dim3A = arith.constant 0.000000e+00 : f32
      %broadcast_in_dim3A_117 = vector.broadcast %broadcast_in_dim3A : f32 to vector<16xf32>
      %swap3A = arith.index_cast %scan3A_115 : i32 to index
      %swap3A_118 = arith.constant 0 : index
      %swap3A_119 = tpu.vector_load %arg12[%swap3A, %swap3A_118] {strides = array<i32>} : memref<128x64xf32, #tpu.memory_space<vmem>>, vector<1x16xf32>,
      %swap3A_120 = vector.shape_cast %swap3A_119 : vector<1x16xf32> to vector<16xf32>
      %swap3A_121 = vector.shape_cast %broadcast_in_dim3A_117 : vector<16xf32> to vector<1x16xf32>
      tpu.vector_store %arg12[%swap3A, %swap3A_118], %swap3A_121 {strides = array<i32>} : memref<128x64xf32, #tpu.memory_space<vmem>>, vector<1x16xf32>,
      %broadcast_in_dim3A_122 = arith.constant 0.000000e+00 : f32
      %broadcast_in_dim3A_123 = vector.broadcast %broadcast_in_dim3A_122 : f32 to vector<16xf32>
      %swap3A_124 = arith.index_cast %scan3A_115 : i32 to index
      %swap3A_125 = arith.constant 16 : index
      %swap3A_126 = tpu.vector_load %arg12[%swap3A_124, %swap3A_125] {strides = array<i32>} : memref<128x64xf32, #tpu.memory_space<vmem>>, vector<1x16xf32>,
      %swap3A_127 = vector.shape_cast %swap3A_126 : vector<1x16xf32> to vector<16xf32>
      %swap3A_128 = vector.shape_cast %broadcast_in_dim3A_123 : vector<16xf32> to vector<1x16xf32>
      tpu.vector_store %arg12[%swap3A_124, %swap3A_125], %swap3A_128 {strides = array<i32>} : memref<128x64xf32, #tpu.memory_space<vmem>>, vector<1x16xf32>,
      %broadcast_in_dim3A_129 = arith.constant 0.000000e+00 : f32
      %broadcast_in_dim3A_130 = vector.broadcast %broadcast_in_dim3A_129 : f32 to vector<16xf32>
      %swap3A_131 = arith.index_cast %scan3A_115 : i32 to index
      %swap3A_132 = arith.constant 32 : index
      %swap3A_133 = tpu.vector_load %arg12[%swap3A_131, %swap3A_132] {strides = array<i32>} : memref<128x64xf32, #tpu.memory_space<vmem>>, vector<1x16xf32>,
      %swap3A_134 = vector.shape_cast %swap3A_133 : vector<1x16xf32> to vector<16xf32>
      %swap3A_135 = vector.shape_cast %broadcast_in_dim3A_130 : vector<16xf32> to vector<1x16xf32>
      tpu.vector_store %arg12[%swap3A_131, %swap3A_132], %swap3A_135 {strides = array<i32>} : memref<128x64xf32, #tpu.memory_space<vmem>>, vector<1x16xf32>,
      %broadcast_in_dim3A_136 = arith.constant 0.000000e+00 : f32
      %broadcast_in_dim3A_137 = vector.broadcast %broadcast_in_dim3A_136 : f32 to vector<16xf32>
      %swap3A_138 = arith.index_cast %scan3A_115 : i32 to index
      %swap3A_139 = arith.constant 48 : index
      %swap3A_140 = tpu.vector_load %arg12[%swap3A_138, %swap3A_139] {strides = array<i32>} : memref<128x64xf32, #tpu.memory_space<vmem>>, vector<1x16xf32>,
      %swap3A_141 = vector.shape_cast %swap3A_140 : vector<1x16xf32> to vector<16xf32>
      %swap3A_142 = vector.shape_cast %broadcast_in_dim3A_137 : vector<16xf32> to vector<1x16xf32>
      tpu.vector_store %arg12[%swap3A_138, %swap3A_139], %swap3A_142 {strides = array<i32>} : memref<128x64xf32, #tpu.memory_space<vmem>>, vector<1x16xf32>,
      %scan3A_143 = arith.constant 0 : i32
      scf.yield %scan3A_143 : i32
    }
    %scan3A_5 = arith.constant 128 : i32
    %mul3A = arith.constant 640 : i32
    %mul3A_6 = arith.muli %arg1, %mul3A : i32
    %add3A = arith.constant 0 : i32
    %add3A_7 = arith.addi %mul3A_6, %add3A : i32
    "tpu.region"() ({
      %run_scoped3A = tpu.sem_alloc : memref<!tpu.dma_semaphore, #tpu.memory_space<semaphore_mem>>
      %dma_start3A_115 = arith.constant 0 : i32
      %dma_start3A_116 = tpu.memref_slice %arg13[%add3A_7, %dma_start3A_115] : memref<10240x64xf32, #tpu.memory_space<vmem_shared>> -> memref<128x64xf32, #tpu.memory_space<vmem_shared>>
      %dma_start3A_117 = arith.constant 0 : i32
      %dma_start3A_118 = tpu.memref_slice %arg13[%add3A_7, %dma_start3A_117] : memref<10240x64xf32, #tpu.memory_space<vmem_shared>> -> memref<128x64xf32, #tpu.memory_space<vmem_shared>>
      tpu.enqueue_dma source(%arg12 : memref<128x64xf32, #tpu.memory_space<vmem>>) target(%dma_start3A_118 : memref<128x64xf32, #tpu.memory_space<vmem_shared>>) target_semaphore(%run_scoped3A : memref<!tpu.dma_semaphore, #tpu.memory_space<semaphore_mem>>)
      %dma_wait3A = arith.constant 0 : i32
      %dma_wait3A_119 = tpu.memref_slice %arg13[%add3A_7, %dma_wait3A] : memref<10240x64xf32, #tpu.memory_space<vmem_shared>> -> memref<128x64xf32, #tpu.memory_space<vmem_shared>>
      %dma_wait3A_120 = arith.constant 0 : i32
      %dma_wait3A_121 = tpu.memref_slice %arg13[%add3A_7, %dma_wait3A_120] : memref<10240x64xf32, #tpu.memory_space<vmem_shared>> -> memref<128x64xf32, #tpu.memory_space<vmem_shared>>
      tpu.wait_dma2 semaphore(%run_scoped3A : memref<!tpu.dma_semaphore, #tpu.memory_space<semaphore_mem>>) src(%arg12 : memref<128x64xf32, #tpu.memory_space<vmem>>) dst(%dma_wait3A_121 : memref<128x64xf32, #tpu.memory_space<vmem_shared>>)
      tpu.yield
    }) : () -> ()
    %mul3A_8 = arith.constant 640 : i32
    %mul3A_9 = arith.muli %arg1, %mul3A_8 : i32
    %add3A_10 = arith.constant 128 : i32
    %add3A_11 = arith.addi %mul3A_9, %add3A_10 : i32
    "tpu.region"() ({
      %run_scoped3A = tpu.sem_alloc : memref<!tpu.dma_semaphore, #tpu.memory_space<semaphore_mem>>
      %dma_start3A_115 = arith.constant 0 : i32
      %dma_start3A_116 = tpu.memref_slice %arg13[%add3A_11, %dma_start3A_115] : memref<10240x64xf32, #tpu.memory_space<vmem_shared>> -> memref<128x64xf32, #tpu.memory_space<vmem_shared>>
      %dma_start3A_117 = arith.constant 0 : i32
      %dma_start3A_118 = tpu.memref_slice %arg13[%add3A_11, %dma_start3A_117] : memref<10240x64xf32, #tpu.memory_space<vmem_shared>> -> memref<128x64xf32, #tpu.memory_space<vmem_shared>>
      tpu.enqueue_dma source(%arg12 : memref<128x64xf32, #tpu.memory_space<vmem>>) target(%dma_start3A_118 : memref<128x64xf32, #tpu.memory_space<vmem_shared>>) target_semaphore(%run_scoped3A : memref<!tpu.dma_semaphore, #tpu.memory_space<semaphore_mem>>)
      %dma_wait3A = arith.constant 0 : i32
      %dma_wait3A_119 = tpu.memref_slice %arg13[%add3A_11, %dma_wait3A] : memref<10240x64xf32, #tpu.memory_space<vmem_shared>> -> memref<128x64xf32, #tpu.memory_space<vmem_shared>>
      %dma_wait3A_120 = arith.constant 0 : i32
      %dma_wait3A_121 = tpu.memref_slice %arg13[%add3A_11, %dma_wait3A_120] : memref<10240x64xf32, #tpu.memory_space<vmem_shared>> -> memref<128x64xf32, #tpu.memory_space<vmem_shared>>
      tpu.wait_dma2 semaphore(%run_scoped3A : memref<!tpu.dma_semaphore, #tpu.memory_space<semaphore_mem>>) src(%arg12 : memref<128x64xf32, #tpu.memory_space<vmem>>) dst(%dma_wait3A_121 : memref<128x64xf32, #tpu.memory_space<vmem_shared>>)
      tpu.yield
    }) : () -> ()
    %mul3A_12 = arith.constant 640 : i32
    %mul3A_13 = arith.muli %arg1, %mul3A_12 : i32
    %add3A_14 = arith.constant 256 : i32
    %add3A_15 = arith.addi %mul3A_13, %add3A_14 : i32
    "tpu.region"() ({
      %run_scoped3A = tpu.sem_alloc : memref<!tpu.dma_semaphore, #tpu.memory_space<semaphore_mem>>
      %dma_start3A_115 = arith.constant 0 : i32
      %dma_start3A_116 = tpu.memref_slice %arg13[%add3A_15, %dma_start3A_115] : memref<10240x64xf32, #tpu.memory_space<vmem_shared>> -> memref<128x64xf32, #tpu.memory_space<vmem_shared>>
      %dma_start3A_117 = arith.constant 0 : i32
      %dma_start3A_118 = tpu.memref_slice %arg13[%add3A_15, %dma_start3A_117] : memref<10240x64xf32, #tpu.memory_space<vmem_shared>> -> memref<128x64xf32, #tpu.memory_space<vmem_shared>>
      tpu.enqueue_dma source(%arg12 : memref<128x64xf32, #tpu.memory_space<vmem>>) target(%dma_start3A_118 : memref<128x64xf32, #tpu.memory_space<vmem_shared>>) target_semaphore(%run_scoped3A : memref<!tpu.dma_semaphore, #tpu.memory_space<semaphore_mem>>)
      %dma_wait3A = arith.constant 0 : i32
      %dma_wait3A_119 = tpu.memref_slice %arg13[%add3A_15, %dma_wait3A] : memref<10240x64xf32, #tpu.memory_space<vmem_shared>> -> memref<128x64xf32, #tpu.memory_space<vmem_shared>>
      %dma_wait3A_120 = arith.constant 0 : i32
      %dma_wait3A_121 = tpu.memref_slice %arg13[%add3A_15, %dma_wait3A_120] : memref<10240x64xf32, #tpu.memory_space<vmem_shared>> -> memref<128x64xf32, #tpu.memory_space<vmem_shared>>
      tpu.wait_dma2 semaphore(%run_scoped3A : memref<!tpu.dma_semaphore, #tpu.memory_space<semaphore_mem>>) src(%arg12 : memref<128x64xf32, #tpu.memory_space<vmem>>) dst(%dma_wait3A_121 : memref<128x64xf32, #tpu.memory_space<vmem_shared>>)
      tpu.yield
    }) : () -> ()
    %mul3A_16 = arith.constant 640 : i32
    %mul3A_17 = arith.muli %arg1, %mul3A_16 : i32
    %add3A_18 = arith.constant 384 : i32
    %add3A_19 = arith.addi %mul3A_17, %add3A_18 : i32
    "tpu.region"() ({
      %run_scoped3A = tpu.sem_alloc : memref<!tpu.dma_semaphore, #tpu.memory_space<semaphore_mem>>
      %dma_start3A_115 = arith.constant 0 : i32
      %dma_start3A_116 = tpu.memref_slice %arg13[%add3A_19, %dma_start3A_115] : memref<10240x64xf32, #tpu.memory_space<vmem_shared>> -> memref<128x64xf32, #tpu.memory_space<vmem_shared>>
      %dma_start3A_117 = arith.constant 0 : i32
      %dma_start3A_118 = tpu.memref_slice %arg13[%add3A_19, %dma_start3A_117] : memref<10240x64xf32, #tpu.memory_space<vmem_shared>> -> memref<128x64xf32, #tpu.memory_space<vmem_shared>>
      tpu.enqueue_dma source(%arg12 : memref<128x64xf32, #tpu.memory_space<vmem>>) target(%dma_start3A_118 : memref<128x64xf32, #tpu.memory_space<vmem_shared>>) target_semaphore(%run_scoped3A : memref<!tpu.dma_semaphore, #tpu.memory_space<semaphore_mem>>)
      %dma_wait3A = arith.constant 0 : i32
      %dma_wait3A_119 = tpu.memref_slice %arg13[%add3A_19, %dma_wait3A] : memref<10240x64xf32, #tpu.memory_space<vmem_shared>> -> memref<128x64xf32, #tpu.memory_space<vmem_shared>>
      %dma_wait3A_120 = arith.constant 0 : i32
      %dma_wait3A_121 = tpu.memref_slice %arg13[%add3A_19, %dma_wait3A_120] : memref<10240x64xf32, #tpu.memory_space<vmem_shared>> -> memref<128x64xf32, #tpu.memory_space<vmem_shared>>
      tpu.wait_dma2 semaphore(%run_scoped3A : memref<!tpu.dma_semaphore, #tpu.memory_space<semaphore_mem>>) src(%arg12 : memref<128x64xf32, #tpu.memory_space<vmem>>) dst(%dma_wait3A_121 : memref<128x64xf32, #tpu.memory_space<vmem_shared>>)
      tpu.yield
    }) : () -> ()
    %mul3A_20 = arith.constant 640 : i32
    %mul3A_21 = arith.muli %arg1, %mul3A_20 : i32
    %add3A_22 = arith.constant 512 : i32
    %add3A_23 = arith.addi %mul3A_21, %add3A_22 : i32
    "tpu.region"() ({
      %run_scoped3A = tpu.sem_alloc : memref<!tpu.dma_semaphore, #tpu.memory_space<semaphore_mem>>
      %dma_start3A_115 = arith.constant 0 : i32
      %dma_start3A_116 = tpu.memref_slice %arg13[%add3A_23, %dma_start3A_115] : memref<10240x64xf32, #tpu.memory_space<vmem_shared>> -> memref<128x64xf32, #tpu.memory_space<vmem_shared>>
      %dma_start3A_117 = arith.constant 0 : i32
      %dma_start3A_118 = tpu.memref_slice %arg13[%add3A_23, %dma_start3A_117] : memref<10240x64xf32, #tpu.memory_space<vmem_shared>> -> memref<128x64xf32, #tpu.memory_space<vmem_shared>>
      tpu.enqueue_dma source(%arg12 : memref<128x64xf32, #tpu.memory_space<vmem>>) target(%dma_start3A_118 : memref<128x64xf32, #tpu.memory_space<vmem_shared>>) target_semaphore(%run_scoped3A : memref<!tpu.dma_semaphore, #tpu.memory_space<semaphore_mem>>)
      %dma_wait3A = arith.constant 0 : i32
      %dma_wait3A_119 = tpu.memref_slice %arg13[%add3A_23, %dma_wait3A] : memref<10240x64xf32, #tpu.memory_space<vmem_shared>> -> memref<128x64xf32, #tpu.memory_space<vmem_shared>>
      %dma_wait3A_120 = arith.constant 0 : i32
      %dma_wait3A_121 = tpu.memref_slice %arg13[%add3A_23, %dma_wait3A_120] : memref<10240x64xf32, #tpu.memory_space<vmem_shared>> -> memref<128x64xf32, #tpu.memory_space<vmem_shared>>
      tpu.wait_dma2 semaphore(%run_scoped3A : memref<!tpu.dma_semaphore, #tpu.memory_space<semaphore_mem>>) src(%arg12 : memref<128x64xf32, #tpu.memory_space<vmem>>) dst(%dma_wait3A_121 : memref<128x64xf32, #tpu.memory_space<vmem_shared>>)
      tpu.yield
    }) : () -> ()
    %barrier3A = arith.constant 0 : index
    tpu.barrier barrier_id(%barrier3A)
    "tpu.region"() ({
      %run_scoped3A = tpu.sem_alloc : memref<!tpu.dma_semaphore, #tpu.memory_space<semaphore_mem>>
      %dma_start3A_115 = arith.constant 0 : i32
      %dma_start3A_116 = arith.constant 0 : i32
      %dma_start3A_117 = tpu.memref_slice %arg3[%arg1, %dma_start3A_115, %dma_start3A_116] : memref<16x160x128xi32, #tpu.memory_space<hbm>> -> memref<1x160x128xi32, #tpu.memory_space<hbm>>
      %dma_start3A_118 = tpu.memref_squeeze %dma_start3A_117 : memref<1x160x128xi32, #tpu.memory_space<hbm>> -> memref<160x128xi32, #tpu.memory_space<hbm>>
      %dma_start3A_119 = arith.constant 0 : i32
      %dma_start3A_120 = arith.constant 0 : i32
      %dma_start3A_121 = tpu.memref_slice %arg3[%arg1, %dma_start3A_119, %dma_start3A_120] : memref<16x160x128xi32, #tpu.memory_space<hbm>> -> memref<1x160x128xi32, #tpu.memory_space<hbm>>
      %dma_start3A_122 = tpu.memref_squeeze %dma_start3A_121 : memref<1x160x128xi32, #tpu.memory_space<hbm>> -> memref<160x128xi32, #tpu.memory_space<hbm>>
      tpu.enqueue_dma source(%dma_start3A_122 : memref<160x128xi32, #tpu.memory_space<hbm>>) target(%arg6 : memref<160x128xi32, #tpu.memory_space<vmem>>) target_semaphore(%run_scoped3A : memref<!tpu.dma_semaphore, #tpu.memory_space<semaphore_mem>>)
      %dma_wait3A = arith.constant 0 : i32
      %dma_wait3A_123 = arith.constant 0 : i32
      %dma_wait3A_124 = tpu.memref_slice %arg3[%arg1, %dma_wait3A, %dma_wait3A_123] : memref<16x160x128xi32, #tpu.memory_space<hbm>> -> memref<1x160x128xi32, #tpu.memory_space<hbm>>
      %dma_wait3A_125 = tpu.memref_squeeze %dma_wait3A_124 : memref<1x160x128xi32, #tpu.memory_space<hbm>> -> memref<160x128xi32, #tpu.memory_space<hbm>>
      %dma_wait3A_126 = arith.constant 0 : i32
      %dma_wait3A_127 = arith.constant 0 : i32
      %dma_wait3A_128 = tpu.memref_slice %arg3[%arg1, %dma_wait3A_126, %dma_wait3A_127] : memref<16x160x128xi32, #tpu.memory_space<hbm>> -> memref<1x160x128xi32, #tpu.memory_space<hbm>>
      %dma_wait3A_129 = tpu.memref_squeeze %dma_wait3A_128 : memref<1x160x128xi32, #tpu.memory_space<hbm>> -> memref<160x128xi32, #tpu.memory_space<hbm>>
      tpu.wait_dma2 semaphore(%run_scoped3A : memref<!tpu.dma_semaphore, #tpu.memory_space<semaphore_mem>>) src(%dma_wait3A_129 : memref<160x128xi32, #tpu.memory_space<hbm>>) dst(%arg6 : memref<160x128xi32, #tpu.memory_space<vmem>>)
      tpu.yield
    }) : () -> ()
    "tpu.region"() ({
      %run_scoped3A = tpu.sem_alloc : memref<!tpu.dma_semaphore, #tpu.memory_space<semaphore_mem>>
      %dma_start3A_115 = arith.constant 0 : i32
      %dma_start3A_116 = arith.constant 0 : i32
      %dma_start3A_117 = tpu.memref_slice %arg4[%arg1, %dma_start3A_115, %dma_start3A_116] : memref<16x160x128xi32, #tpu.memory_space<hbm>> -> memref<1x160x128xi32, #tpu.memory_space<hbm>>
      %dma_start3A_118 = tpu.memref_squeeze %dma_start3A_117 : memref<1x160x128xi32, #tpu.memory_space<hbm>> -> memref<160x128xi32, #tpu.memory_space<hbm>>
      %dma_start3A_119 = arith.constant 0 : i32
      %dma_start3A_120 = arith.constant 0 : i32
      %dma_start3A_121 = tpu.memref_slice %arg4[%arg1, %dma_start3A_119, %dma_start3A_120] : memref<16x160x128xi32, #tpu.memory_space<hbm>> -> memref<1x160x128xi32, #tpu.memory_space<hbm>>
      %dma_start3A_122 = tpu.memref_squeeze %dma_start3A_121 : memref<1x160x128xi32, #tpu.memory_space<hbm>> -> memref<160x128xi32, #tpu.memory_space<hbm>>
      tpu.enqueue_dma source(%dma_start3A_122 : memref<160x128xi32, #tpu.memory_space<hbm>>) target(%arg7 : memref<160x128xi32, #tpu.memory_space<vmem>>) target_semaphore(%run_scoped3A : memref<!tpu.dma_semaphore, #tpu.memory_space<semaphore_mem>>)
      %dma_wait3A = arith.constant 0 : i32
      %dma_wait3A_123 = arith.constant 0 : i32
      %dma_wait3A_124 = tpu.memref_slice %arg4[%arg1, %dma_wait3A, %dma_wait3A_123] : memref<16x160x128xi32, #tpu.memory_space<hbm>> -> memref<1x160x128xi32, #tpu.memory_space<hbm>>
      %dma_wait3A_125 = tpu.memref_squeeze %dma_wait3A_124 : memref<1x160x128xi32, #tpu.memory_space<hbm>> -> memref<160x128xi32, #tpu.memory_space<hbm>>
      %dma_wait3A_126 = arith.constant 0 : i32
      %dma_wait3A_127 = arith.constant 0 : i32
      %dma_wait3A_128 = tpu.memref_slice %arg4[%arg1, %dma_wait3A_126, %dma_wait3A_127] : memref<16x160x128xi32, #tpu.memory_space<hbm>> -> memref<1x160x128xi32, #tpu.memory_space<hbm>>
      %dma_wait3A_129 = tpu.memref_squeeze %dma_wait3A_128 : memref<1x160x128xi32, #tpu.memory_space<hbm>> -> memref<160x128xi32, #tpu.memory_space<hbm>>
      tpu.wait_dma2 semaphore(%run_scoped3A : memref<!tpu.dma_semaphore, #tpu.memory_space<semaphore_mem>>) src(%dma_wait3A_129 : memref<160x128xi32, #tpu.memory_space<hbm>>) dst(%arg7 : memref<160x128xi32, #tpu.memory_space<vmem>>)
      tpu.yield
    }) : () -> ()
    %dma_start3A = arith.constant 0 : i32
    %dma_start3A_24 = arith.constant 0 : i32
    %dma_start3A_25 = tpu.memref_slice %arg6[%dma_start3A, %dma_start3A_24] : memref<160x128xi32, #tpu.memory_space<vmem>> -> memref<1x128xi32, #tpu.memory_space<vmem>>
    %dma_start3A_26 = tpu.memref_squeeze %dma_start3A_25 : memref<1x128xi32, #tpu.memory_space<vmem>> -> memref<128xi32, #tpu.memory_space<vmem>>
    %dma_start3A_27 = arith.constant 0 : i32
    %dma_start3A_28 = arith.constant 0 : i32
    %dma_start3A_29 = tpu.memref_slice %arg2[%arg0, %dma_start3A_27, %dma_start3A_28] : memref<2x10240x64xf32, #tpu.memory_space<hbm>> -> memref<1x10240x64xf32, #tpu.memory_space<hbm>>
    %dma_start3A_30 = tpu.memref_squeeze %dma_start3A_29 : memref<1x10240x64xf32, #tpu.memory_space<hbm>> -> memref<10240x64xf32, #tpu.memory_space<hbm>>
    %dma_start3A_31 = arith.constant 0 : i32
    %dma_start3A_32 = arith.constant 0 : i32
    %dma_start3A_33 = tpu.memref_slice %dma_start3A_30[%dma_start3A_31, %dma_start3A_32] : memref<10240x64xf32, #tpu.memory_space<hbm>> -> memref<10240x64xf32, #tpu.memory_space<hbm>>
    tpu.enqueue_indirect_dma source(%dma_start3A_33 : memref<10240x64xf32, #tpu.memory_space<hbm>>) target(%arg8 : memref<128x64xf32, #tpu.memory_space<vmem>>) offsets(%dma_start3A_26 : memref<128xi32, #tpu.memory_space<vmem>>) semaphore(%arg14 : memref<!tpu.dma_semaphore, #tpu.memory_space<semaphore_mem>>)
    %dma_start3A_34 = arith.constant 1 : i32
    %dma_start3A_35 = arith.constant 0 : i32
    %dma_start3A_36 = tpu.memref_slice %arg6[%dma_start3A_34, %dma_start3A_35] : memref<160x128xi32, #tpu.memory_space<vmem>> -> memref<1x128xi32, #tpu.memory_space<vmem>>
    %dma_start3A_37 = tpu.memref_squeeze %dma_start3A_36 : memref<1x128xi32, #tpu.memory_space<vmem>> -> memref<128xi32, #tpu.memory_space<vmem>>
    %dma_start3A_38 = arith.constant 0 : i32
    %dma_start3A_39 = arith.constant 0 : i32
    %dma_start3A_40 = tpu.memref_slice %arg2[%arg0, %dma_start3A_38, %dma_start3A_39] : memref<2x10240x64xf32, #tpu.memory_space<hbm>> -> memref<1x10240x64xf32, #tpu.memory_space<hbm>>
    %dma_start3A_41 = tpu.memref_squeeze %dma_start3A_40 : memref<1x10240x64xf32, #tpu.memory_space<hbm>> -> memref<10240x64xf32, #tpu.memory_space<hbm>>
    %dma_start3A_42 = arith.constant 0 : i32
    %dma_start3A_43 = arith.constant 0 : i32
    %dma_start3A_44 = tpu.memref_slice %dma_start3A_41[%dma_start3A_42, %dma_start3A_43] : memref<10240x64xf32, #tpu.memory_space<hbm>> -> memref<10240x64xf32, #tpu.memory_space<hbm>>
    tpu.enqueue_indirect_dma source(%dma_start3A_44 : memref<10240x64xf32, #tpu.memory_space<hbm>>) target(%arg9 : memref<128x64xf32, #tpu.memory_space<vmem>>) offsets(%dma_start3A_37 : memref<128xi32, #tpu.memory_space<vmem>>) semaphore(%arg15 : memref<!tpu.dma_semaphore, #tpu.memory_space<semaphore_mem>>)
    %dma_start3A_45 = arith.constant 2 : i32
    %dma_start3A_46 = arith.constant 0 : i32
    %dma_start3A_47 = tpu.memref_slice %arg6[%dma_start3A_45, %dma_start3A_46] : memref<160x128xi32, #tpu.memory_space<vmem>> -> memref<1x128xi32, #tpu.memory_space<vmem>>
    %dma_start3A_48 = tpu.memref_squeeze %dma_start3A_47 : memref<1x128xi32, #tpu.memory_space<vmem>> -> memref<128xi32, #tpu.memory_space<vmem>>
    %dma_start3A_49 = arith.constant 0 : i32
    %dma_start3A_50 = arith.constant 0 : i32
    %dma_start3A_51 = tpu.memref_slice %arg2[%arg0, %dma_start3A_49, %dma_start3A_50] : memref<2x10240x64xf32, #tpu.memory_space<hbm>> -> memref<1x10240x64xf32, #tpu.memory_space<hbm>>
    %dma_start3A_52 = tpu.memref_squeeze %dma_start3A_51 : memref<1x10240x64xf32, #tpu.memory_space<hbm>> -> memref<10240x64xf32, #tpu.memory_space<hbm>>
    %dma_start3A_53 = arith.constant 0 : i32
    %dma_start3A_54 = arith.constant 0 : i32
    %dma_start3A_55 = tpu.memref_slice %dma_start3A_52[%dma_start3A_53, %dma_start3A_54] : memref<10240x64xf32, #tpu.memory_space<hbm>> -> memref<10240x64xf32, #tpu.memory_space<hbm>>
    tpu.enqueue_indirect_dma source(%dma_start3A_55 : memref<10240x64xf32, #tpu.memory_space<hbm>>) target(%arg10 : memref<128x64xf32, #tpu.memory_space<vmem>>) offsets(%dma_start3A_48 : memref<128xi32, #tpu.memory_space<vmem>>) semaphore(%arg16 : memref<!tpu.dma_semaphore, #tpu.memory_space<semaphore_mem>>)
    %dma_start3A_56 = arith.constant 3 : i32
    %dma_start3A_57 = arith.constant 0 : i32
    %dma_start3A_58 = tpu.memref_slice %arg6[%dma_start3A_56, %dma_start3A_57] : memref<160x128xi32, #tpu.memory_space<vmem>> -> memref<1x128xi32, #tpu.memory_space<vmem>>
    %dma_start3A_59 = tpu.memref_squeeze %dma_start3A_58 : memref<1x128xi32, #tpu.memory_space<vmem>> -> memref<128xi32, #tpu.memory_space<vmem>>
    %dma_start3A_60 = arith.constant 0 : i32
    %dma_start3A_61 = arith.constant 0 : i32
    %dma_start3A_62 = tpu.memref_slice %arg2[%arg0, %dma_start3A_60, %dma_start3A_61] : memref<2x10240x64xf32, #tpu.memory_space<hbm>> -> memref<1x10240x64xf32, #tpu.memory_space<hbm>>
    %dma_start3A_63 = tpu.memref_squeeze %dma_start3A_62 : memref<1x10240x64xf32, #tpu.memory_space<hbm>> -> memref<10240x64xf32, #tpu.memory_space<hbm>>
    %dma_start3A_64 = arith.constant 0 : i32
    %dma_start3A_65 = arith.constant 0 : i32
    %dma_start3A_66 = tpu.memref_slice %dma_start3A_63[%dma_start3A_64, %dma_start3A_65] : memref<10240x64xf32, #tpu.memory_space<hbm>> -> memref<10240x64xf32, #tpu.memory_space<hbm>>
    tpu.enqueue_indirect_dma source(%dma_start3A_66 : memref<10240x64xf32, #tpu.memory_space<hbm>>) target(%arg11 : memref<128x64xf32, #tpu.memory_space<vmem>>) offsets(%dma_start3A_59 : memref<128xi32, #tpu.memory_space<vmem>>) semaphore(%arg17 : memref<!tpu.dma_semaphore, #tpu.memory_space<semaphore_mem>>)
    %scan3A_67 = arith.constant 0 : i32
    %scan3A_68 = arith.constant 0 : i32
    %scan3A_69 = arith.constant 40 : i32
    %scan3A_70 = arith.addi %scan3A_68, %scan3A_69 : i32
    %scan3A_71 = arith.constant 1 : i32
    %scan3A_72 = scf.for %scan3A_115 = %scan3A_68 to %scan3A_70 step %scan3A_71 iter_args(%scan3A_116 = %scan3A_67) -> (i32)  : i32 {
      %mul3A_117 = arith.constant 4 : i32
      %mul3A_118 = arith.muli %scan3A_115, %mul3A_117 : i32
      %add3A_119 = arith.constant 0 : i32
      %add3A_120 = arith.addi %mul3A_118, %add3A_119 : i32
      %dma_wait3A = arith.constant 0 : i32
      %dma_wait3A_121 = tpu.memref_slice %arg6[%add3A_120, %dma_wait3A] : memref<160x128xi32, #tpu.memory_space<vmem>> -> memref<1x128xi32, #tpu.memory_space<vmem>>
      %dma_wait3A_122 = tpu.memref_squeeze %dma_wait3A_121 : memref<1x128xi32, #tpu.memory_space<vmem>> -> memref<128xi32, #tpu.memory_space<vmem>>
      %dma_wait3A_123 = arith.constant 0 : i32
      %dma_wait3A_124 = arith.constant 0 : i32
      %dma_wait3A_125 = tpu.memref_slice %arg2[%arg0, %dma_wait3A_123, %dma_wait3A_124] : memref<2x10240x64xf32, #tpu.memory_space<hbm>> -> memref<1x10240x64xf32, #tpu.memory_space<hbm>>
      %dma_wait3A_126 = tpu.memref_squeeze %dma_wait3A_125 : memref<1x10240x64xf32, #tpu.memory_space<hbm>> -> memref<10240x64xf32, #tpu.memory_space<hbm>>
      %dma_wait3A_127 = arith.constant 0 : i32
      %dma_wait3A_128 = arith.constant 0 : i32
      %dma_wait3A_129 = tpu.memref_slice %dma_wait3A_126[%dma_wait3A_127, %dma_wait3A_128] : memref<10240x64xf32, #tpu.memory_space<hbm>> -> memref<10240x64xf32, #tpu.memory_space<hbm>>
      tpu.wait_indirect_dma semaphore(%arg14 : memref<!tpu.dma_semaphore, #tpu.memory_space<semaphore_mem>>) src(%dma_wait3A_129 : memref<10240x64xf32, #tpu.memory_space<hbm>>) dst(%arg8 : memref<128x64xf32, #tpu.memory_space<vmem>>)
      %dma_start3A_130 = arith.constant 0 : i32
      %dma_start3A_131 = tpu.memref_slice %arg7[%add3A_120, %dma_start3A_130] : memref<160x128xi32, #tpu.memory_space<vmem>> -> memref<1x128xi32, #tpu.memory_space<vmem>>
      %dma_start3A_132 = tpu.memref_squeeze %dma_start3A_131 : memref<1x128xi32, #tpu.memory_space<vmem>> -> memref<128xi32, #tpu.memory_space<vmem>>
      %dma_start3A_133 = arith.constant 0 : i32
      %dma_start3A_134 = arith.constant 0 : i32
      %dma_start3A_135 = tpu.memref_slice %arg13[%dma_start3A_133, %dma_start3A_134] : memref<10240x64xf32, #tpu.memory_space<vmem_shared>> -> memref<10240x64xf32, #tpu.memory_space<vmem_shared>>
      tpu.enqueue_indirect_dma source(%arg8 : memref<128x64xf32, #tpu.memory_space<vmem>>) target(%dma_start3A_135 : memref<10240x64xf32, #tpu.memory_space<vmem_shared>>) offsets(%dma_start3A_132 : memref<128xi32, #tpu.memory_space<vmem>>) semaphore(%arg18 : memref<!tpu.dma_semaphore, #tpu.memory_space<semaphore_mem>>) {add = true}
      %mul3A_136 = arith.constant 4 : i32
      %mul3A_137 = arith.muli %scan3A_115, %mul3A_136 : i32
      %add3A_138 = arith.constant 1 : i32
      %add3A_139 = arith.addi %mul3A_137, %add3A_138 : i32
      %dma_wait3A_140 = arith.constant 0 : i32
      %dma_wait3A_141 = tpu.memref_slice %arg6[%add3A_139, %dma_wait3A_140] : memref<160x128xi32, #tpu.memory_space<vmem>> -> memref<1x128xi32, #tpu.memory_space<vmem>>
      %dma_wait3A_142 = tpu.memref_squeeze %dma_wait3A_141 : memref<1x128xi32, #tpu.memory_space<vmem>> -> memref<128xi32, #tpu.memory_space<vmem>>
      %dma_wait3A_143 = arith.constant 0 : i32
      %dma_wait3A_144 = arith.constant 0 : i32
      %dma_wait3A_145 = tpu.memref_slice %arg2[%arg0, %dma_wait3A_143, %dma_wait3A_144] : memref<2x10240x64xf32, #tpu.memory_space<hbm>> -> memref<1x10240x64xf32, #tpu.memory_space<hbm>>
      %dma_wait3A_146 = tpu.memref_squeeze %dma_wait3A_145 : memref<1x10240x64xf32, #tpu.memory_space<hbm>> -> memref<10240x64xf32, #tpu.memory_space<hbm>>
      %dma_wait3A_147 = arith.constant 0 : i32
      %dma_wait3A_148 = arith.constant 0 : i32
      %dma_wait3A_149 = tpu.memref_slice %dma_wait3A_146[%dma_wait3A_147, %dma_wait3A_148] : memref<10240x64xf32, #tpu.memory_space<hbm>> -> memref<10240x64xf32, #tpu.memory_space<hbm>>
      tpu.wait_indirect_dma semaphore(%arg15 : memref<!tpu.dma_semaphore, #tpu.memory_space<semaphore_mem>>) src(%dma_wait3A_149 : memref<10240x64xf32, #tpu.memory_space<hbm>>) dst(%arg9 : memref<128x64xf32, #tpu.memory_space<vmem>>)
      %dma_start3A_150 = arith.constant 0 : i32
      %dma_start3A_151 = tpu.memref_slice %arg7[%add3A_139, %dma_start3A_150] : memref<160x128xi32, #tpu.memory_space<vmem>> -> memref<1x128xi32, #tpu.memory_space<vmem>>
      %dma_start3A_152 = tpu.memref_squeeze %dma_start3A_151 : memref<1x128xi32, #tpu.memory_space<vmem>> -> memref<128xi32, #tpu.memory_space<vmem>>
      %dma_start3A_153 = arith.constant 0 : i32
      %dma_start3A_154 = arith.constant 0 : i32
      %dma_start3A_155 = tpu.memref_slice %arg13[%dma_start3A_153, %dma_start3A_154] : memref<10240x64xf32, #tpu.memory_space<vmem_shared>> -> memref<10240x64xf32, #tpu.memory_space<vmem_shared>>
      tpu.enqueue_indirect_dma source(%arg9 : memref<128x64xf32, #tpu.memory_space<vmem>>) target(%dma_start3A_155 : memref<10240x64xf32, #tpu.memory_space<vmem_shared>>) offsets(%dma_start3A_152 : memref<128xi32, #tpu.memory_space<vmem>>) semaphore(%arg19 : memref<!tpu.dma_semaphore, #tpu.memory_space<semaphore_mem>>) {add = true}
      %mul3A_156 = arith.constant 4 : i32
      %mul3A_157 = arith.muli %scan3A_115, %mul3A_156 : i32
      %add3A_158 = arith.constant 2 : i32
      %add3A_159 = arith.addi %mul3A_157, %add3A_158 : i32
      %dma_wait3A_160 = arith.constant 0 : i32
      %dma_wait3A_161 = tpu.memref_slice %arg6[%add3A_159, %dma_wait3A_160] : memref<160x128xi32, #tpu.memory_space<vmem>> -> memref<1x128xi32, #tpu.memory_space<vmem>>
      %dma_wait3A_162 = tpu.memref_squeeze %dma_wait3A_161 : memref<1x128xi32, #tpu.memory_space<vmem>> -> memref<128xi32, #tpu.memory_space<vmem>>
      %dma_wait3A_163 = arith.constant 0 : i32
      %dma_wait3A_164 = arith.constant 0 : i32
      %dma_wait3A_165 = tpu.memref_slice %arg2[%arg0, %dma_wait3A_163, %dma_wait3A_164] : memref<2x10240x64xf32, #tpu.memory_space<hbm>> -> memref<1x10240x64xf32, #tpu.memory_space<hbm>>
      %dma_wait3A_166 = tpu.memref_squeeze %dma_wait3A_165 : memref<1x10240x64xf32, #tpu.memory_space<hbm>> -> memref<10240x64xf32, #tpu.memory_space<hbm>>
      %dma_wait3A_167 = arith.constant 0 : i32
      %dma_wait3A_168 = arith.constant 0 : i32
      %dma_wait3A_169 = tpu.memref_slice %dma_wait3A_166[%dma_wait3A_167, %dma_wait3A_168] : memref<10240x64xf32, #tpu.memory_space<hbm>> -> memref<10240x64xf32, #tpu.memory_space<hbm>>
      tpu.wait_indirect_dma semaphore(%arg16 : memref<!tpu.dma_semaphore, #tpu.memory_space<semaphore_mem>>) src(%dma_wait3A_169 : memref<10240x64xf32, #tpu.memory_space<hbm>>) dst(%arg10 : memref<128x64xf32, #tpu.memory_space<vmem>>)
      %dma_start3A_170 = arith.constant 0 : i32
      %dma_start3A_171 = tpu.memref_slice %arg7[%add3A_159, %dma_start3A_170] : memref<160x128xi32, #tpu.memory_space<vmem>> -> memref<1x128xi32, #tpu.memory_space<vmem>>
      %dma_start3A_172 = tpu.memref_squeeze %dma_start3A_171 : memref<1x128xi32, #tpu.memory_space<vmem>> -> memref<128xi32, #tpu.memory_space<vmem>>
      %dma_start3A_173 = arith.constant 0 : i32
      %dma_start3A_174 = arith.constant 0 : i32
      %dma_start3A_175 = tpu.memref_slice %arg13[%dma_start3A_173, %dma_start3A_174] : memref<10240x64xf32, #tpu.memory_space<vmem_shared>> -> memref<10240x64xf32, #tpu.memory_space<vmem_shared>>
      tpu.enqueue_indirect_dma source(%arg10 : memref<128x64xf32, #tpu.memory_space<vmem>>) target(%dma_start3A_175 : memref<10240x64xf32, #tpu.memory_space<vmem_shared>>) offsets(%dma_start3A_172 : memref<128xi32, #tpu.memory_space<vmem>>) semaphore(%arg20 : memref<!tpu.dma_semaphore, #tpu.memory_space<semaphore_mem>>) {add = true}
      %mul3A_176 = arith.constant 4 : i32
      %mul3A_177 = arith.muli %scan3A_115, %mul3A_176 : i32
      %add3A_178 = arith.constant 3 : i32
      %add3A_179 = arith.addi %mul3A_177, %add3A_178 : i32
      %dma_wait3A_180 = arith.constant 0 : i32
      %dma_wait3A_181 = tpu.memref_slice %arg6[%add3A_179, %dma_wait3A_180] : memref<160x128xi32, #tpu.memory_space<vmem>> -> memref<1x128xi32, #tpu.memory_space<vmem>>
      %dma_wait3A_182 = tpu.memref_squeeze %dma_wait3A_181 : memref<1x128xi32, #tpu.memory_space<vmem>> -> memref<128xi32, #tpu.memory_space<vmem>>
      %dma_wait3A_183 = arith.constant 0 : i32
      %dma_wait3A_184 = arith.constant 0 : i32
      %dma_wait3A_185 = tpu.memref_slice %arg2[%arg0, %dma_wait3A_183, %dma_wait3A_184] : memref<2x10240x64xf32, #tpu.memory_space<hbm>> -> memref<1x10240x64xf32, #tpu.memory_space<hbm>>
      %dma_wait3A_186 = tpu.memref_squeeze %dma_wait3A_185 : memref<1x10240x64xf32, #tpu.memory_space<hbm>> -> memref<10240x64xf32, #tpu.memory_space<hbm>>
      %dma_wait3A_187 = arith.constant 0 : i32
      %dma_wait3A_188 = arith.constant 0 : i32
      %dma_wait3A_189 = tpu.memref_slice %dma_wait3A_186[%dma_wait3A_187, %dma_wait3A_188] : memref<10240x64xf32, #tpu.memory_space<hbm>> -> memref<10240x64xf32, #tpu.memory_space<hbm>>
      tpu.wait_indirect_dma semaphore(%arg17 : memref<!tpu.dma_semaphore, #tpu.memory_space<semaphore_mem>>) src(%dma_wait3A_189 : memref<10240x64xf32, #tpu.memory_space<hbm>>) dst(%arg11 : memref<128x64xf32, #tpu.memory_space<vmem>>)
      %dma_start3A_190 = arith.constant 0 : i32
      %dma_start3A_191 = tpu.memref_slice %arg7[%add3A_179, %dma_start3A_190] : memref<160x128xi32, #tpu.memory_space<vmem>> -> memref<1x128xi32, #tpu.memory_space<vmem>>
      %dma_start3A_192 = tpu.memref_squeeze %dma_start3A_191 : memref<1x128xi32, #tpu.memory_space<vmem>> -> memref<128xi32, #tpu.memory_space<vmem>>
      %dma_start3A_193 = arith.constant 0 : i32
      %dma_start3A_194 = arith.constant 0 : i32
      %dma_start3A_195 = tpu.memref_slice %arg13[%dma_start3A_193, %dma_start3A_194] : memref<10240x64xf32, #tpu.memory_space<vmem_shared>> -> memref<10240x64xf32, #tpu.memory_space<vmem_shared>>
      tpu.enqueue_indirect_dma source(%arg11 : memref<128x64xf32, #tpu.memory_space<vmem>>) target(%dma_start3A_195 : memref<10240x64xf32, #tpu.memory_space<vmem_shared>>) offsets(%dma_start3A_192 : memref<128xi32, #tpu.memory_space<vmem>>) semaphore(%arg21 : memref<!tpu.dma_semaphore, #tpu.memory_space<semaphore_mem>>) {add = true}
      %mul3A_196 = arith.constant 4 : i32
      %mul3A_197 = arith.muli %scan3A_115, %mul3A_196 : i32
      %add3A_198 = arith.constant 0 : i32
      %add3A_199 = arith.addi %mul3A_197, %add3A_198 : i32
      %dma_wait3A_200 = arith.constant 0 : i32
      %dma_wait3A_201 = tpu.memref_slice %arg7[%add3A_199, %dma_wait3A_200] : memref<160x128xi32, #tpu.memory_space<vmem>> -> memref<1x128xi32, #tpu.memory_space<vmem>>
      %dma_wait3A_202 = tpu.memref_squeeze %dma_wait3A_201 : memref<1x128xi32, #tpu.memory_space<vmem>> -> memref<128xi32, #tpu.memory_space<vmem>>
      %dma_wait3A_203 = arith.constant 0 : i32
      %dma_wait3A_204 = arith.constant 0 : i32
      %dma_wait3A_205 = tpu.memref_slice %arg13[%dma_wait3A_203, %dma_wait3A_204] : memref<10240x64xf32, #tpu.memory_space<vmem_shared>> -> memref<10240x64xf32, #tpu.memory_space<vmem_shared>>
      tpu.wait_indirect_dma semaphore(%arg18 : memref<!tpu.dma_semaphore, #tpu.memory_space<semaphore_mem>>) src(%arg8 : memref<128x64xf32, #tpu.memory_space<vmem>>) dst(%dma_wait3A_205 : memref<10240x64xf32, #tpu.memory_space<vmem_shared>>)
      %add3A_206 = arith.constant 4 : i32
      %add3A_207 = arith.addi %add3A_199, %add3A_206 : i32
      %lt3A = arith.constant 160 : i32
      %lt3A_208 = arith.cmpi slt, %add3A_207, %lt3A : i32
      %convert_element_type3A = arith.extui %lt3A_208 : i1 to i32
      %cond3A = arith.constant 0 : i32
      %cond3A_209 = arith.cmpi ne, %convert_element_type3A, %cond3A : i32
      scf.if %cond3A_209 {
        %add3A_262 = arith.constant 4 : i32
        %add3A_263 = arith.addi %add3A_199, %add3A_262 : i32
        %dma_start3A_264 = arith.constant 0 : i32
        %dma_start3A_265 = tpu.memref_slice %arg6[%add3A_263, %dma_start3A_264] : memref<160x128xi32, #tpu.memory_space<vmem>> -> memref<1x128xi32, #tpu.memory_space<vmem>>
        %dma_start3A_266 = tpu.memref_squeeze %dma_start3A_265 : memref<1x128xi32, #tpu.memory_space<vmem>> -> memref<128xi32, #tpu.memory_space<vmem>>
        %dma_start3A_267 = arith.constant 0 : i32
        %dma_start3A_268 = arith.constant 0 : i32
        %dma_start3A_269 = tpu.memref_slice %arg2[%arg0, %dma_start3A_267, %dma_start3A_268] : memref<2x10240x64xf32, #tpu.memory_space<hbm>> -> memref<1x10240x64xf32, #tpu.memory_space<hbm>>
        %dma_start3A_270 = tpu.memref_squeeze %dma_start3A_269 : memref<1x10240x64xf32, #tpu.memory_space<hbm>> -> memref<10240x64xf32, #tpu.memory_space<hbm>>
        %dma_start3A_271 = arith.constant 0 : i32
        %dma_start3A_272 = arith.constant 0 : i32
        %dma_start3A_273 = tpu.memref_slice %dma_start3A_270[%dma_start3A_271, %dma_start3A_272] : memref<10240x64xf32, #tpu.memory_space<hbm>> -> memref<10240x64xf32, #tpu.memory_space<hbm>>
        tpu.enqueue_indirect_dma source(%dma_start3A_273 : memref<10240x64xf32, #tpu.memory_space<hbm>>) target(%arg8 : memref<128x64xf32, #tpu.memory_space<vmem>>) offsets(%dma_start3A_266 : memref<128xi32, #tpu.memory_space<vmem>>) semaphore(%arg14 : memref<!tpu.dma_semaphore, #tpu.memory_space<semaphore_mem>>)
      } else {
      }
      %mul3A_210 = arith.constant 4 : i32
      %mul3A_211 = arith.muli %scan3A_115, %mul3A_210 : i32
      %add3A_212 = arith.constant 1 : i32
      %add3A_213 = arith.addi %mul3A_211, %add3A_212 : i32
      %dma_wait3A_214 = arith.constant 0 : i32
      %dma_wait3A_215 = tpu.memref_slice %arg7[%add3A_213, %dma_wait3A_214] : memref<160x128xi32, #tpu.memory_space<vmem>> -> memref<1x128xi32, #tpu.memory_space<vmem>>
      %dma_wait3A_216 = tpu.memref_squeeze %dma_wait3A_215 : memref<1x128xi32, #tpu.memory_space<vmem>> -> memref<128xi32, #tpu.memory_space<vmem>>
      %dma_wait3A_217 = arith.constant 0 : i32
      %dma_wait3A_218 = arith.constant 0 : i32
      %dma_wait3A_219 = tpu.memref_slice %arg13[%dma_wait3A_217, %dma_wait3A_218] : memref<10240x64xf32, #tpu.memory_space<vmem_shared>> -> memref<10240x64xf32, #tpu.memory_space<vmem_shared>>
      tpu.wait_indirect_dma semaphore(%arg19 : memref<!tpu.dma_semaphore, #tpu.memory_space<semaphore_mem>>) src(%arg9 : memref<128x64xf32, #tpu.memory_space<vmem>>) dst(%dma_wait3A_219 : memref<10240x64xf32, #tpu.memory_space<vmem_shared>>)
      %add3A_220 = arith.constant 4 : i32
      %add3A_221 = arith.addi %add3A_213, %add3A_220 : i32
      %lt3A_222 = arith.constant 160 : i32
      %lt3A_223 = arith.cmpi slt, %add3A_221, %lt3A_222 : i32
      %convert_element_type3A_224 = arith.extui %lt3A_223 : i1 to i32
      %cond3A_225 = arith.constant 0 : i32
      %cond3A_226 = arith.cmpi ne, %convert_element_type3A_224, %cond3A_225 : i32
      scf.if %cond3A_226 {
        %add3A_262 = arith.constant 4 : i32
        %add3A_263 = arith.addi %add3A_213, %add3A_262 : i32
        %dma_start3A_264 = arith.constant 0 : i32
        %dma_start3A_265 = tpu.memref_slice %arg6[%add3A_263, %dma_start3A_264] : memref<160x128xi32, #tpu.memory_space<vmem>> -> memref<1x128xi32, #tpu.memory_space<vmem>>
        %dma_start3A_266 = tpu.memref_squeeze %dma_start3A_265 : memref<1x128xi32, #tpu.memory_space<vmem>> -> memref<128xi32, #tpu.memory_space<vmem>>
        %dma_start3A_267 = arith.constant 0 : i32
        %dma_start3A_268 = arith.constant 0 : i32
        %dma_start3A_269 = tpu.memref_slice %arg2[%arg0, %dma_start3A_267, %dma_start3A_268] : memref<2x10240x64xf32, #tpu.memory_space<hbm>> -> memref<1x10240x64xf32, #tpu.memory_space<hbm>>
        %dma_start3A_270 = tpu.memref_squeeze %dma_start3A_269 : memref<1x10240x64xf32, #tpu.memory_space<hbm>> -> memref<10240x64xf32, #tpu.memory_space<hbm>>
        %dma_start3A_271 = arith.constant 0 : i32
        %dma_start3A_272 = arith.constant 0 : i32
        %dma_start3A_273 = tpu.memref_slice %dma_start3A_270[%dma_start3A_271, %dma_start3A_272] : memref<10240x64xf32, #tpu.memory_space<hbm>> -> memref<10240x64xf32, #tpu.memory_space<hbm>>
        tpu.enqueue_indirect_dma source(%dma_start3A_273 : memref<10240x64xf32, #tpu.memory_space<hbm>>) target(%arg9 : memref<128x64xf32, #tpu.memory_space<vmem>>) offsets(%dma_start3A_266 : memref<128xi32, #tpu.memory_space<vmem>>) semaphore(%arg15 : memref<!tpu.dma_semaphore, #tpu.memory_space<semaphore_mem>>)
      } else {
      }
      %mul3A_227 = arith.constant 4 : i32
      %mul3A_228 = arith.muli %scan3A_115, %mul3A_227 : i32
      %add3A_229 = arith.constant 2 : i32
      %add3A_230 = arith.addi %mul3A_228, %add3A_229 : i32
      %dma_wait3A_231 = arith.constant 0 : i32
      %dma_wait3A_232 = tpu.memref_slice %arg7[%add3A_230, %dma_wait3A_231] : memref<160x128xi32, #tpu.memory_space<vmem>> -> memref<1x128xi32, #tpu.memory_space<vmem>>
      %dma_wait3A_233 = tpu.memref_squeeze %dma_wait3A_232 : memref<1x128xi32, #tpu.memory_space<vmem>> -> memref<128xi32, #tpu.memory_space<vmem>>
      %dma_wait3A_234 = arith.constant 0 : i32
      %dma_wait3A_235 = arith.constant 0 : i32
      %dma_wait3A_236 = tpu.memref_slice %arg13[%dma_wait3A_234, %dma_wait3A_235] : memref<10240x64xf32, #tpu.memory_space<vmem_shared>> -> memref<10240x64xf32, #tpu.memory_space<vmem_shared>>
      tpu.wait_indirect_dma semaphore(%arg20 : memref<!tpu.dma_semaphore, #tpu.memory_space<semaphore_mem>>) src(%arg10 : memref<128x64xf32, #tpu.memory_space<vmem>>) dst(%dma_wait3A_236 : memref<10240x64xf32, #tpu.memory_space<vmem_shared>>)
      %add3A_237 = arith.constant 4 : i32
      %add3A_238 = arith.addi %add3A_230, %add3A_237 : i32
      %lt3A_239 = arith.constant 160 : i32
      %lt3A_240 = arith.cmpi slt, %add3A_238, %lt3A_239 : i32
      %convert_element_type3A_241 = arith.extui %lt3A_240 : i1 to i32
      %cond3A_242 = arith.constant 0 : i32
      %cond3A_243 = arith.cmpi ne, %convert_element_type3A_241, %cond3A_242 : i32
      scf.if %cond3A_243 {
        %add3A_262 = arith.constant 4 : i32
        %add3A_263 = arith.addi %add3A_230, %add3A_262 : i32
        %dma_start3A_264 = arith.constant 0 : i32
        %dma_start3A_265 = tpu.memref_slice %arg6[%add3A_263, %dma_start3A_264] : memref<160x128xi32, #tpu.memory_space<vmem>> -> memref<1x128xi32, #tpu.memory_space<vmem>>
        %dma_start3A_266 = tpu.memref_squeeze %dma_start3A_265 : memref<1x128xi32, #tpu.memory_space<vmem>> -> memref<128xi32, #tpu.memory_space<vmem>>
        %dma_start3A_267 = arith.constant 0 : i32
        %dma_start3A_268 = arith.constant 0 : i32
        %dma_start3A_269 = tpu.memref_slice %arg2[%arg0, %dma_start3A_267, %dma_start3A_268] : memref<2x10240x64xf32, #tpu.memory_space<hbm>> -> memref<1x10240x64xf32, #tpu.memory_space<hbm>>
        %dma_start3A_270 = tpu.memref_squeeze %dma_start3A_269 : memref<1x10240x64xf32, #tpu.memory_space<hbm>> -> memref<10240x64xf32, #tpu.memory_space<hbm>>
        %dma_start3A_271 = arith.constant 0 : i32
        %dma_start3A_272 = arith.constant 0 : i32
        %dma_start3A_273 = tpu.memref_slice %dma_start3A_270[%dma_start3A_271, %dma_start3A_272] : memref<10240x64xf32, #tpu.memory_space<hbm>> -> memref<10240x64xf32, #tpu.memory_space<hbm>>
        tpu.enqueue_indirect_dma source(%dma_start3A_273 : memref<10240x64xf32, #tpu.memory_space<hbm>>) target(%arg10 : memref<128x64xf32, #tpu.memory_space<vmem>>) offsets(%dma_start3A_266 : memref<128xi32, #tpu.memory_space<vmem>>) semaphore(%arg16 : memref<!tpu.dma_semaphore, #tpu.memory_space<semaphore_mem>>)
      } else {
      }
      %mul3A_244 = arith.constant 4 : i32
      %mul3A_245 = arith.muli %scan3A_115, %mul3A_244 : i32
      %add3A_246 = arith.constant 3 : i32
      %add3A_247 = arith.addi %mul3A_245, %add3A_246 : i32
      %dma_wait3A_248 = arith.constant 0 : i32
      %dma_wait3A_249 = tpu.memref_slice %arg7[%add3A_247, %dma_wait3A_248] : memref<160x128xi32, #tpu.memory_space<vmem>> -> memref<1x128xi32, #tpu.memory_space<vmem>>
      %dma_wait3A_250 = tpu.memref_squeeze %dma_wait3A_249 : memref<1x128xi32, #tpu.memory_space<vmem>> -> memref<128xi32, #tpu.memory_space<vmem>>
      %dma_wait3A_251 = arith.constant 0 : i32
      %dma_wait3A_252 = arith.constant 0 : i32
      %dma_wait3A_253 = tpu.memref_slice %arg13[%dma_wait3A_251, %dma_wait3A_252] : memref<10240x64xf32, #tpu.memory_space<vmem_shared>> -> memref<10240x64xf32, #tpu.memory_space<vmem_shared>>
      tpu.wait_indirect_dma semaphore(%arg21 : memref<!tpu.dma_semaphore, #tpu.memory_space<semaphore_mem>>) src(%arg11 : memref<128x64xf32, #tpu.memory_space<vmem>>) dst(%dma_wait3A_253 : memref<10240x64xf32, #tpu.memory_space<vmem_shared>>)
      %add3A_254 = arith.constant 4 : i32
      %add3A_255 = arith.addi %add3A_247, %add3A_254 : i32
      %lt3A_256 = arith.constant 160 : i32
      %lt3A_257 = arith.cmpi slt, %add3A_255, %lt3A_256 : i32
      %convert_element_type3A_258 = arith.extui %lt3A_257 : i1 to i32
      %cond3A_259 = arith.constant 0 : i32
      %cond3A_260 = arith.cmpi ne, %convert_element_type3A_258, %cond3A_259 : i32
      scf.if %cond3A_260 {
        %add3A_262 = arith.constant 4 : i32
        %add3A_263 = arith.addi %add3A_247, %add3A_262 : i32
        %dma_start3A_264 = arith.constant 0 : i32
        %dma_start3A_265 = tpu.memref_slice %arg6[%add3A_263, %dma_start3A_264] : memref<160x128xi32, #tpu.memory_space<vmem>> -> memref<1x128xi32, #tpu.memory_space<vmem>>
        %dma_start3A_266 = tpu.memref_squeeze %dma_start3A_265 : memref<1x128xi32, #tpu.memory_space<vmem>> -> memref<128xi32, #tpu.memory_space<vmem>>
        %dma_start3A_267 = arith.constant 0 : i32
        %dma_start3A_268 = arith.constant 0 : i32
        %dma_start3A_269 = tpu.memref_slice %arg2[%arg0, %dma_start3A_267, %dma_start3A_268] : memref<2x10240x64xf32, #tpu.memory_space<hbm>> -> memref<1x10240x64xf32, #tpu.memory_space<hbm>>
        %dma_start3A_270 = tpu.memref_squeeze %dma_start3A_269 : memref<1x10240x64xf32, #tpu.memory_space<hbm>> -> memref<10240x64xf32, #tpu.memory_space<hbm>>
        %dma_start3A_271 = arith.constant 0 : i32
        %dma_start3A_272 = arith.constant 0 : i32
        %dma_start3A_273 = tpu.memref_slice %dma_start3A_270[%dma_start3A_271, %dma_start3A_272] : memref<10240x64xf32, #tpu.memory_space<hbm>> -> memref<10240x64xf32, #tpu.memory_space<hbm>>
        tpu.enqueue_indirect_dma source(%dma_start3A_273 : memref<10240x64xf32, #tpu.memory_space<hbm>>) target(%arg11 : memref<128x64xf32, #tpu.memory_space<vmem>>) offsets(%dma_start3A_266 : memref<128xi32, #tpu.memory_space<vmem>>) semaphore(%arg17 : memref<!tpu.dma_semaphore, #tpu.memory_space<semaphore_mem>>)
      } else {
      }
      %scan3A_261 = arith.constant 0 : i32
      scf.yield %scan3A_261 : i32
    }
    %scan3A_73 = arith.constant 40 : i32
    %barrier3A_74 = arith.constant 0 : index
    tpu.barrier barrier_id(%barrier3A_74)
    %mul3A_75 = arith.constant 640 : i32
    %mul3A_76 = arith.muli %arg1, %mul3A_75 : i32
    %add3A_77 = arith.constant 0 : i32
    %add3A_78 = arith.addi %mul3A_76, %add3A_77 : i32
    "tpu.region"() ({
      %run_scoped3A = tpu.sem_alloc : memref<!tpu.dma_semaphore, #tpu.memory_space<semaphore_mem>>
      %dma_start3A_115 = arith.constant 0 : i32
      %dma_start3A_116 = tpu.memref_slice %arg13[%add3A_78, %dma_start3A_115] : memref<10240x64xf32, #tpu.memory_space<vmem_shared>> -> memref<128x64xf32, #tpu.memory_space<vmem_shared>>
      %dma_start3A_117 = arith.constant 0 : i32
      %dma_start3A_118 = tpu.memref_slice %arg13[%add3A_78, %dma_start3A_117] : memref<10240x64xf32, #tpu.memory_space<vmem_shared>> -> memref<128x64xf32, #tpu.memory_space<vmem_shared>>
      tpu.enqueue_dma source(%dma_start3A_118 : memref<128x64xf32, #tpu.memory_space<vmem_shared>>) target(%arg12 : memref<128x64xf32, #tpu.memory_space<vmem>>) target_semaphore(%run_scoped3A : memref<!tpu.dma_semaphore, #tpu.memory_space<semaphore_mem>>)
      %dma_wait3A = arith.constant 0 : i32
      %dma_wait3A_119 = tpu.memref_slice %arg13[%add3A_78, %dma_wait3A] : memref<10240x64xf32, #tpu.memory_space<vmem_shared>> -> memref<128x64xf32, #tpu.memory_space<vmem_shared>>
      %dma_wait3A_120 = arith.constant 0 : i32
      %dma_wait3A_121 = tpu.memref_slice %arg13[%add3A_78, %dma_wait3A_120] : memref<10240x64xf32, #tpu.memory_space<vmem_shared>> -> memref<128x64xf32, #tpu.memory_space<vmem_shared>>
      tpu.wait_dma2 semaphore(%run_scoped3A : memref<!tpu.dma_semaphore, #tpu.memory_space<semaphore_mem>>) src(%dma_wait3A_121 : memref<128x64xf32, #tpu.memory_space<vmem_shared>>) dst(%arg12 : memref<128x64xf32, #tpu.memory_space<vmem>>)
      tpu.yield
    }) : () -> ()
    %mul3A_79 = arith.constant 640 : i32
    %mul3A_80 = arith.muli %arg1, %mul3A_79 : i32
    %add3A_81 = arith.constant 0 : i32
    %add3A_82 = arith.addi %mul3A_80, %add3A_81 : i32
    "tpu.region"() ({
      %run_scoped3A = tpu.sem_alloc : memref<!tpu.dma_semaphore, #tpu.memory_space<semaphore_mem>>
      %dma_start3A_115 = arith.constant 0 : i32
      %dma_start3A_116 = tpu.memref_slice %arg5[%arg0, %add3A_82, %dma_start3A_115] : memref<2x10240x64xf32, #tpu.memory_space<hbm>> -> memref<1x128x64xf32, #tpu.memory_space<hbm>>
      %dma_start3A_117 = tpu.memref_squeeze %dma_start3A_116 : memref<1x128x64xf32, #tpu.memory_space<hbm>> -> memref<128x64xf32, #tpu.memory_space<hbm>>
      %dma_start3A_118 = arith.constant 0 : i32
      %dma_start3A_119 = tpu.memref_slice %arg5[%arg0, %add3A_82, %dma_start3A_118] : memref<2x10240x64xf32, #tpu.memory_space<hbm>> -> memref<1x128x64xf32, #tpu.memory_space<hbm>>
      %dma_start3A_120 = tpu.memref_squeeze %dma_start3A_119 : memref<1x128x64xf32, #tpu.memory_space<hbm>> -> memref<128x64xf32, #tpu.memory_space<hbm>>
      tpu.enqueue_dma source(%arg12 : memref<128x64xf32, #tpu.memory_space<vmem>>) target(%dma_start3A_120 : memref<128x64xf32, #tpu.memory_space<hbm>>) target_semaphore(%run_scoped3A : memref<!tpu.dma_semaphore, #tpu.memory_space<semaphore_mem>>)
      %dma_wait3A = arith.constant 0 : i32
      %dma_wait3A_121 = tpu.memref_slice %arg5[%arg0, %add3A_82, %dma_wait3A] : memref<2x10240x64xf32, #tpu.memory_space<hbm>> -> memref<1x128x64xf32, #tpu.memory_space<hbm>>
      %dma_wait3A_122 = tpu.memref_squeeze %dma_wait3A_121 : memref<1x128x64xf32, #tpu.memory_space<hbm>> -> memref<128x64xf32, #tpu.memory_space<hbm>>
      %dma_wait3A_123 = arith.constant 0 : i32
      %dma_wait3A_124 = tpu.memref_slice %arg5[%arg0, %add3A_82, %dma_wait3A_123] : memref<2x10240x64xf32, #tpu.memory_space<hbm>> -> memref<1x128x64xf32, #tpu.memory_space<hbm>>
      %dma_wait3A_125 = tpu.memref_squeeze %dma_wait3A_124 : memref<1x128x64xf32, #tpu.memory_space<hbm>> -> memref<128x64xf32, #tpu.memory_space<hbm>>
      tpu.wait_dma2 semaphore(%run_scoped3A : memref<!tpu.dma_semaphore, #tpu.memory_space<semaphore_mem>>) src(%arg12 : memref<128x64xf32, #tpu.memory_space<vmem>>) dst(%dma_wait3A_125 : memref<128x64xf32, #tpu.memory_space<hbm>>)
      tpu.yield
    }) : () -> ()
    %mul3A_83 = arith.constant 640 : i32
    %mul3A_84 = arith.muli %arg1, %mul3A_83 : i32
    %add3A_85 = arith.constant 128 : i32
    %add3A_86 = arith.addi %mul3A_84, %add3A_85 : i32
    "tpu.region"() ({
      %run_scoped3A = tpu.sem_alloc : memref<!tpu.dma_semaphore, #tpu.memory_space<semaphore_mem>>
      %dma_start3A_115 = arith.constant 0 : i32
      %dma_start3A_116 = tpu.memref_slice %arg13[%add3A_86, %dma_start3A_115] : memref<10240x64xf32, #tpu.memory_space<vmem_shared>> -> memref<128x64xf32, #tpu.memory_space<vmem_shared>>
      %dma_start3A_117 = arith.constant 0 : i32
      %dma_start3A_118 = tpu.memref_slice %arg13[%add3A_86, %dma_start3A_117] : memref<10240x64xf32, #tpu.memory_space<vmem_shared>> -> memref<128x64xf32, #tpu.memory_space<vmem_shared>>
      tpu.enqueue_dma source(%dma_start3A_118 : memref<128x64xf32, #tpu.memory_space<vmem_shared>>) target(%arg12 : memref<128x64xf32, #tpu.memory_space<vmem>>) target_semaphore(%run_scoped3A : memref<!tpu.dma_semaphore, #tpu.memory_space<semaphore_mem>>)
      %dma_wait3A = arith.constant 0 : i32
      %dma_wait3A_119 = tpu.memref_slice %arg13[%add3A_86, %dma_wait3A] : memref<10240x64xf32, #tpu.memory_space<vmem_shared>> -> memref<128x64xf32, #tpu.memory_space<vmem_shared>>
      %dma_wait3A_120 = arith.constant 0 : i32
      %dma_wait3A_121 = tpu.memref_slice %arg13[%add3A_86, %dma_wait3A_120] : memref<10240x64xf32, #tpu.memory_space<vmem_shared>> -> memref<128x64xf32, #tpu.memory_space<vmem_shared>>
      tpu.wait_dma2 semaphore(%run_scoped3A : memref<!tpu.dma_semaphore, #tpu.memory_space<semaphore_mem>>) src(%dma_wait3A_121 : memref<128x64xf32, #tpu.memory_space<vmem_shared>>) dst(%arg12 : memref<128x64xf32, #tpu.memory_space<vmem>>)
      tpu.yield
    }) : () -> ()
    %mul3A_87 = arith.constant 640 : i32
    %mul3A_88 = arith.muli %arg1, %mul3A_87 : i32
    %add3A_89 = arith.constant 128 : i32
    %add3A_90 = arith.addi %mul3A_88, %add3A_89 : i32
    "tpu.region"() ({
      %run_scoped3A = tpu.sem_alloc : memref<!tpu.dma_semaphore, #tpu.memory_space<semaphore_mem>>
      %dma_start3A_115 = arith.constant 0 : i32
      %dma_start3A_116 = tpu.memref_slice %arg5[%arg0, %add3A_90, %dma_start3A_115] : memref<2x10240x64xf32, #tpu.memory_space<hbm>> -> memref<1x128x64xf32, #tpu.memory_space<hbm>>
      %dma_start3A_117 = tpu.memref_squeeze %dma_start3A_116 : memref<1x128x64xf32, #tpu.memory_space<hbm>> -> memref<128x64xf32, #tpu.memory_space<hbm>>
      %dma_start3A_118 = arith.constant 0 : i32
      %dma_start3A_119 = tpu.memref_slice %arg5[%arg0, %add3A_90, %dma_start3A_118] : memref<2x10240x64xf32, #tpu.memory_space<hbm>> -> memref<1x128x64xf32, #tpu.memory_space<hbm>>
      %dma_start3A_120 = tpu.memref_squeeze %dma_start3A_119 : memref<1x128x64xf32, #tpu.memory_space<hbm>> -> memref<128x64xf32, #tpu.memory_space<hbm>>
      tpu.enqueue_dma source(%arg12 : memref<128x64xf32, #tpu.memory_space<vmem>>) target(%dma_start3A_120 : memref<128x64xf32, #tpu.memory_space<hbm>>) target_semaphore(%run_scoped3A : memref<!tpu.dma_semaphore, #tpu.memory_space<semaphore_mem>>)
      %dma_wait3A = arith.constant 0 : i32
      %dma_wait3A_121 = tpu.memref_slice %arg5[%arg0, %add3A_90, %dma_wait3A] : memref<2x10240x64xf32, #tpu.memory_space<hbm>> -> memref<1x128x64xf32, #tpu.memory_space<hbm>>
      %dma_wait3A_122 = tpu.memref_squeeze %dma_wait3A_121 : memref<1x128x64xf32, #tpu.memory_space<hbm>> -> memref<128x64xf32, #tpu.memory_space<hbm>>
      %dma_wait3A_123 = arith.constant 0 : i32
      %dma_wait3A_124 = tpu.memref_slice %arg5[%arg0, %add3A_90, %dma_wait3A_123] : memref<2x10240x64xf32, #tpu.memory_space<hbm>> -> memref<1x128x64xf32, #tpu.memory_space<hbm>>
      %dma_wait3A_125 = tpu.memref_squeeze %dma_wait3A_124 : memref<1x128x64xf32, #tpu.memory_space<hbm>> -> memref<128x64xf32, #tpu.memory_space<hbm>>
      tpu.wait_dma2 semaphore(%run_scoped3A : memref<!tpu.dma_semaphore, #tpu.memory_space<semaphore_mem>>) src(%arg12 : memref<128x64xf32, #tpu.memory_space<vmem>>) dst(%dma_wait3A_125 : memref<128x64xf32, #tpu.memory_space<hbm>>)
      tpu.yield
    }) : () -> ()
    %mul3A_91 = arith.constant 640 : i32
    %mul3A_92 = arith.muli %arg1, %mul3A_91 : i32
    %add3A_93 = arith.constant 256 : i32
    %add3A_94 = arith.addi %mul3A_92, %add3A_93 : i32
    "tpu.region"() ({
      %run_scoped3A = tpu.sem_alloc : memref<!tpu.dma_semaphore, #tpu.memory_space<semaphore_mem>>
      %dma_start3A_115 = arith.constant 0 : i32
      %dma_start3A_116 = tpu.memref_slice %arg13[%add3A_94, %dma_start3A_115] : memref<10240x64xf32, #tpu.memory_space<vmem_shared>> -> memref<128x64xf32, #tpu.memory_space<vmem_shared>>
      %dma_start3A_117 = arith.constant 0 : i32
      %dma_start3A_118 = tpu.memref_slice %arg13[%add3A_94, %dma_start3A_117] : memref<10240x64xf32, #tpu.memory_space<vmem_shared>> -> memref<128x64xf32, #tpu.memory_space<vmem_shared>>
      tpu.enqueue_dma source(%dma_start3A_118 : memref<128x64xf32, #tpu.memory_space<vmem_shared>>) target(%arg12 : memref<128x64xf32, #tpu.memory_space<vmem>>) target_semaphore(%run_scoped3A : memref<!tpu.dma_semaphore, #tpu.memory_space<semaphore_mem>>)
      %dma_wait3A = arith.constant 0 : i32
      %dma_wait3A_119 = tpu.memref_slice %arg13[%add3A_94, %dma_wait3A] : memref<10240x64xf32, #tpu.memory_space<vmem_shared>> -> memref<128x64xf32, #tpu.memory_space<vmem_shared>>
      %dma_wait3A_120 = arith.constant 0 : i32
      %dma_wait3A_121 = tpu.memref_slice %arg13[%add3A_94, %dma_wait3A_120] : memref<10240x64xf32, #tpu.memory_space<vmem_shared>> -> memref<128x64xf32, #tpu.memory_space<vmem_shared>>
      tpu.wait_dma2 semaphore(%run_scoped3A : memref<!tpu.dma_semaphore, #tpu.memory_space<semaphore_mem>>) src(%dma_wait3A_121 : memref<128x64xf32, #tpu.memory_space<vmem_shared>>) dst(%arg12 : memref<128x64xf32, #tpu.memory_space<vmem>>)
      tpu.yield
    }) : () -> ()
    %mul3A_95 = arith.constant 640 : i32
    %mul3A_96 = arith.muli %arg1, %mul3A_95 : i32
    %add3A_97 = arith.constant 256 : i32
    %add3A_98 = arith.addi %mul3A_96, %add3A_97 : i32
    "tpu.region"() ({
      %run_scoped3A = tpu.sem_alloc : memref<!tpu.dma_semaphore, #tpu.memory_space<semaphore_mem>>
      %dma_start3A_115 = arith.constant 0 : i32
      %dma_start3A_116 = tpu.memref_slice %arg5[%arg0, %add3A_98, %dma_start3A_115] : memref<2x10240x64xf32, #tpu.memory_space<hbm>> -> memref<1x128x64xf32, #tpu.memory_space<hbm>>
      %dma_start3A_117 = tpu.memref_squeeze %dma_start3A_116 : memref<1x128x64xf32, #tpu.memory_space<hbm>> -> memref<128x64xf32, #tpu.memory_space<hbm>>
      %dma_start3A_118 = arith.constant 0 : i32
      %dma_start3A_119 = tpu.memref_slice %arg5[%arg0, %add3A_98, %dma_start3A_118] : memref<2x10240x64xf32, #tpu.memory_space<hbm>> -> memref<1x128x64xf32, #tpu.memory_space<hbm>>
      %dma_start3A_120 = tpu.memref_squeeze %dma_start3A_119 : memref<1x128x64xf32, #tpu.memory_space<hbm>> -> memref<128x64xf32, #tpu.memory_space<hbm>>
      tpu.enqueue_dma source(%arg12 : memref<128x64xf32, #tpu.memory_space<vmem>>) target(%dma_start3A_120 : memref<128x64xf32, #tpu.memory_space<hbm>>) target_semaphore(%run_scoped3A : memref<!tpu.dma_semaphore, #tpu.memory_space<semaphore_mem>>)
      %dma_wait3A = arith.constant 0 : i32
      %dma_wait3A_121 = tpu.memref_slice %arg5[%arg0, %add3A_98, %dma_wait3A] : memref<2x10240x64xf32, #tpu.memory_space<hbm>> -> memref<1x128x64xf32, #tpu.memory_space<hbm>>
      %dma_wait3A_122 = tpu.memref_squeeze %dma_wait3A_121 : memref<1x128x64xf32, #tpu.memory_space<hbm>> -> memref<128x64xf32, #tpu.memory_space<hbm>>
      %dma_wait3A_123 = arith.constant 0 : i32
      %dma_wait3A_124 = tpu.memref_slice %arg5[%arg0, %add3A_98, %dma_wait3A_123] : memref<2x10240x64xf32, #tpu.memory_space<hbm>> -> memref<1x128x64xf32, #tpu.memory_space<hbm>>
      %dma_wait3A_125 = tpu.memref_squeeze %dma_wait3A_124 : memref<1x128x64xf32, #tpu.memory_space<hbm>> -> memref<128x64xf32, #tpu.memory_space<hbm>>
      tpu.wait_dma2 semaphore(%run_scoped3A : memref<!tpu.dma_semaphore, #tpu.memory_space<semaphore_mem>>) src(%arg12 : memref<128x64xf32, #tpu.memory_space<vmem>>) dst(%dma_wait3A_125 : memref<128x64xf32, #tpu.memory_space<hbm>>)
      tpu.yield
    }) : () -> ()
    %mul3A_99 = arith.constant 640 : i32
    %mul3A_100 = arith.muli %arg1, %mul3A_99 : i32
    %add3A_101 = arith.constant 384 : i32
    %add3A_102 = arith.addi %mul3A_100, %add3A_101 : i32
    "tpu.region"() ({
      %run_scoped3A = tpu.sem_alloc : memref<!tpu.dma_semaphore, #tpu.memory_space<semaphore_mem>>
      %dma_start3A_115 = arith.constant 0 : i32
      %dma_start3A_116 = tpu.memref_slice %arg13[%add3A_102, %dma_start3A_115] : memref<10240x64xf32, #tpu.memory_space<vmem_shared>> -> memref<128x64xf32, #tpu.memory_space<vmem_shared>>
      %dma_start3A_117 = arith.constant 0 : i32
      %dma_start3A_118 = tpu.memref_slice %arg13[%add3A_102, %dma_start3A_117] : memref<10240x64xf32, #tpu.memory_space<vmem_shared>> -> memref<128x64xf32, #tpu.memory_space<vmem_shared>>
      tpu.enqueue_dma source(%dma_start3A_118 : memref<128x64xf32, #tpu.memory_space<vmem_shared>>) target(%arg12 : memref<128x64xf32, #tpu.memory_space<vmem>>) target_semaphore(%run_scoped3A : memref<!tpu.dma_semaphore, #tpu.memory_space<semaphore_mem>>)
      %dma_wait3A = arith.constant 0 : i32
      %dma_wait3A_119 = tpu.memref_slice %arg13[%add3A_102, %dma_wait3A] : memref<10240x64xf32, #tpu.memory_space<vmem_shared>> -> memref<128x64xf32, #tpu.memory_space<vmem_shared>>
      %dma_wait3A_120 = arith.constant 0 : i32
      %dma_wait3A_121 = tpu.memref_slice %arg13[%add3A_102, %dma_wait3A_120] : memref<10240x64xf32, #tpu.memory_space<vmem_shared>> -> memref<128x64xf32, #tpu.memory_space<vmem_shared>>
      tpu.wait_dma2 semaphore(%run_scoped3A : memref<!tpu.dma_semaphore, #tpu.memory_space<semaphore_mem>>) src(%dma_wait3A_121 : memref<128x64xf32, #tpu.memory_space<vmem_shared>>) dst(%arg12 : memref<128x64xf32, #tpu.memory_space<vmem>>)
      tpu.yield
    }) : () -> ()
    %mul3A_103 = arith.constant 640 : i32
    %mul3A_104 = arith.muli %arg1, %mul3A_103 : i32
    %add3A_105 = arith.constant 384 : i32
    %add3A_106 = arith.addi %mul3A_104, %add3A_105 : i32
    "tpu.region"() ({
      %run_scoped3A = tpu.sem_alloc : memref<!tpu.dma_semaphore, #tpu.memory_space<semaphore_mem>>
      %dma_start3A_115 = arith.constant 0 : i32
      %dma_start3A_116 = tpu.memref_slice %arg5[%arg0, %add3A_106, %dma_start3A_115] : memref<2x10240x64xf32, #tpu.memory_space<hbm>> -> memref<1x128x64xf32, #tpu.memory_space<hbm>>
      %dma_start3A_117 = tpu.memref_squeeze %dma_start3A_116 : memref<1x128x64xf32, #tpu.memory_space<hbm>> -> memref<128x64xf32, #tpu.memory_space<hbm>>
      %dma_start3A_118 = arith.constant 0 : i32
      %dma_start3A_119 = tpu.memref_slice %arg5[%arg0, %add3A_106, %dma_start3A_118] : memref<2x10240x64xf32, #tpu.memory_space<hbm>> -> memref<1x128x64xf32, #tpu.memory_space<hbm>>
      %dma_start3A_120 = tpu.memref_squeeze %dma_start3A_119 : memref<1x128x64xf32, #tpu.memory_space<hbm>> -> memref<128x64xf32, #tpu.memory_space<hbm>>
      tpu.enqueue_dma source(%arg12 : memref<128x64xf32, #tpu.memory_space<vmem>>) target(%dma_start3A_120 : memref<128x64xf32, #tpu.memory_space<hbm>>) target_semaphore(%run_scoped3A : memref<!tpu.dma_semaphore, #tpu.memory_space<semaphore_mem>>)
      %dma_wait3A = arith.constant 0 : i32
      %dma_wait3A_121 = tpu.memref_slice %arg5[%arg0, %add3A_106, %dma_wait3A] : memref<2x10240x64xf32, #tpu.memory_space<hbm>> -> memref<1x128x64xf32, #tpu.memory_space<hbm>>
      %dma_wait3A_122 = tpu.memref_squeeze %dma_wait3A_121 : memref<1x128x64xf32, #tpu.memory_space<hbm>> -> memref<128x64xf32, #tpu.memory_space<hbm>>
      %dma_wait3A_123 = arith.constant 0 : i32
      %dma_wait3A_124 = tpu.memref_slice %arg5[%arg0, %add3A_106, %dma_wait3A_123] : memref<2x10240x64xf32, #tpu.memory_space<hbm>> -> memref<1x128x64xf32, #tpu.memory_space<hbm>>
      %dma_wait3A_125 = tpu.memref_squeeze %dma_wait3A_124 : memref<1x128x64xf32, #tpu.memory_space<hbm>> -> memref<128x64xf32, #tpu.memory_space<hbm>>
      tpu.wait_dma2 semaphore(%run_scoped3A : memref<!tpu.dma_semaphore, #tpu.memory_space<semaphore_mem>>) src(%arg12 : memref<128x64xf32, #tpu.memory_space<vmem>>) dst(%dma_wait3A_125 : memref<128x64xf32, #tpu.memory_space<hbm>>)
      tpu.yield
    }) : () -> ()
    %mul3A_107 = arith.constant 640 : i32
    %mul3A_108 = arith.muli %arg1, %mul3A_107 : i32
    %add3A_109 = arith.constant 512 : i32
    %add3A_110 = arith.addi %mul3A_108, %add3A_109 : i32
    "tpu.region"() ({
      %run_scoped3A = tpu.sem_alloc : memref<!tpu.dma_semaphore, #tpu.memory_space<semaphore_mem>>
      %dma_start3A_115 = arith.constant 0 : i32
      %dma_start3A_116 = tpu.memref_slice %arg13[%add3A_110, %dma_start3A_115] : memref<10240x64xf32, #tpu.memory_space<vmem_shared>> -> memref<128x64xf32, #tpu.memory_space<vmem_shared>>
      %dma_start3A_117 = arith.constant 0 : i32
      %dma_start3A_118 = tpu.memref_slice %arg13[%add3A_110, %dma_start3A_117] : memref<10240x64xf32, #tpu.memory_space<vmem_shared>> -> memref<128x64xf32, #tpu.memory_space<vmem_shared>>
      tpu.enqueue_dma source(%dma_start3A_118 : memref<128x64xf32, #tpu.memory_space<vmem_shared>>) target(%arg12 : memref<128x64xf32, #tpu.memory_space<vmem>>) target_semaphore(%run_scoped3A : memref<!tpu.dma_semaphore, #tpu.memory_space<semaphore_mem>>)
      %dma_wait3A = arith.constant 0 : i32
      %dma_wait3A_119 = tpu.memref_slice %arg13[%add3A_110, %dma_wait3A] : memref<10240x64xf32, #tpu.memory_space<vmem_shared>> -> memref<128x64xf32, #tpu.memory_space<vmem_shared>>
      %dma_wait3A_120 = arith.constant 0 : i32
      %dma_wait3A_121 = tpu.memref_slice %arg13[%add3A_110, %dma_wait3A_120] : memref<10240x64xf32, #tpu.memory_space<vmem_shared>> -> memref<128x64xf32, #tpu.memory_space<vmem_shared>>
      tpu.wait_dma2 semaphore(%run_scoped3A : memref<!tpu.dma_semaphore, #tpu.memory_space<semaphore_mem>>) src(%dma_wait3A_121 : memref<128x64xf32, #tpu.memory_space<vmem_shared>>) dst(%arg12 : memref<128x64xf32, #tpu.memory_space<vmem>>)
      tpu.yield
    }) : () -> ()
    %mul3A_111 = arith.constant 640 : i32
    %mul3A_112 = arith.muli %arg1, %mul3A_111 : i32
    %add3A_113 = arith.constant 512 : i32
    %add3A_114 = arith.addi %mul3A_112, %add3A_113 : i32
    "tpu.region"() ({
      %run_scoped3A = tpu.sem_alloc : memref<!tpu.dma_semaphore, #tpu.memory_space<semaphore_mem>>
      %dma_start3A_115 = arith.constant 0 : i32
      %dma_start3A_116 = tpu.memref_slice %arg5[%arg0, %add3A_114, %dma_start3A_115] : memref<2x10240x64xf32, #tpu.memory_space<hbm>> -> memref<1x128x64xf32, #tpu.memory_space<hbm>>
      %dma_start3A_117 = tpu.memref_squeeze %dma_start3A_116 : memref<1x128x64xf32, #tpu.memory_space<hbm>> -> memref<128x64xf32, #tpu.memory_space<hbm>>
      %dma_start3A_118 = arith.constant 0 : i32
      %dma_start3A_119 = tpu.memref_slice %arg5[%arg0, %add3A_114, %dma_start3A_118] : memref<2x10240x64xf32, #tpu.memory_space<hbm>> -> memref<1x128x64xf32, #tpu.memory_space<hbm>>
      %dma_start3A_120 = tpu.memref_squeeze %dma_start3A_119 : memref<1x128x64xf32, #tpu.memory_space<hbm>> -> memref<128x64xf32, #tpu.memory_space<hbm>>
      tpu.enqueue_dma source(%arg12 : memref<128x64xf32, #tpu.memory_space<vmem>>) target(%dma_start3A_120 : memref<128x64xf32, #tpu.memory_space<hbm>>) target_semaphore(%run_scoped3A : memref<!tpu.dma_semaphore, #tpu.memory_space<semaphore_mem>>)
      %dma_wait3A = arith.constant 0 : i32
      %dma_wait3A_121 = tpu.memref_slice %arg5[%arg0, %add3A_114, %dma_wait3A] : memref<2x10240x64xf32, #tpu.memory_space<hbm>> -> memref<1x128x64xf32, #tpu.memory_space<hbm>>
      %dma_wait3A_122 = tpu.memref_squeeze %dma_wait3A_121 : memref<1x128x64xf32, #tpu.memory_space<hbm>> -> memref<128x64xf32, #tpu.memory_space<hbm>>
      %dma_wait3A_123 = arith.constant 0 : i32
      %dma_wait3A_124 = tpu.memref_slice %arg5[%arg0, %add3A_114, %dma_wait3A_123] : memref<2x10240x64xf32, #tpu.memory_space<hbm>> -> memref<1x128x64xf32, #tpu.memory_space<hbm>>
      %dma_wait3A_125 = tpu.memref_squeeze %dma_wait3A_124 : memref<1x128x64xf32, #tpu.memory_space<hbm>> -> memref<128x64xf32, #tpu.memory_space<hbm>>
      tpu.wait_dma2 semaphore(%run_scoped3A : memref<!tpu.dma_semaphore, #tpu.memory_space<semaphore_mem>>) src(%arg12 : memref<128x64xf32, #tpu.memory_space<vmem>>) dst(%dma_wait3A_125 : memref<128x64xf32, #tpu.memory_space<hbm>>)
      tpu.yield
    }) : () -> ()
    return
  }
}

#map = affine_map<(d0, d1) -> (0, 0, 0)>
module attributes {stable_mosaic.version = 14 : i64} {
  func.func @_sc_degree(%arg0: i32, %arg1: i32, %arg2: memref<16x160x128xi32, #tpu.memory_space<hbm>>, %arg3: memref<2x10240x16xf32, #tpu.memory_space<hbm>>, %arg4: memref<80x128xi32, #tpu.memory_space<vmem>>, %arg5: memref<128x16xf32, #tpu.memory_space<vmem>>, %arg6: memref<10240x16xf32, #tpu.memory_space<vmem_shared>>) attributes {dimension_semantics = [#tpu.dimension_semantics<core_parallel>, #tpu.dimension_semantics<subcore_parallel>], iteration_bounds = array<i64: 2, 16>, scalar_prefetch = 0 : i64, scratch_operands = 3 : i64, tpu.core_type = #tpu.core_type<sc_vector_subcore>, window_params = [{transform_indices = #map}, {transform_indices = #map}]} {
    %scan3A = arith.constant 0 : i32
    %scan3A_0 = arith.constant 0 : i32
    %scan3A_1 = arith.constant 128 : i32
    %scan3A_2 = arith.addi %scan3A_0, %scan3A_1 : i32
    %scan3A_3 = arith.constant 1 : i32
    %scan3A_4 = scf.for %scan3A_81 = %scan3A_0 to %scan3A_2 step %scan3A_3 iter_args(%scan3A_82 = %scan3A) -> (i32)  : i32 {
      %broadcast_in_dim3A = arith.constant 0.000000e+00 : f32
      %broadcast_in_dim3A_83 = vector.broadcast %broadcast_in_dim3A : f32 to vector<16xf32>
      %swap3A = arith.index_cast %scan3A_81 : i32 to index
      %swap3A_84 = arith.constant 0 : index
      %swap3A_85 = tpu.vector_load %arg5[%swap3A, %swap3A_84] {strides = array<i32>} : memref<128x16xf32, #tpu.memory_space<vmem>>, vector<1x16xf32>,
      %swap3A_86 = vector.shape_cast %swap3A_85 : vector<1x16xf32> to vector<16xf32>
      %swap3A_87 = vector.shape_cast %broadcast_in_dim3A_83 : vector<16xf32> to vector<1x16xf32>
      tpu.vector_store %arg5[%swap3A, %swap3A_84], %swap3A_87 {strides = array<i32>} : memref<128x16xf32, #tpu.memory_space<vmem>>, vector<1x16xf32>,
      %scan3A_88 = arith.constant 0 : i32
      scf.yield %scan3A_88 : i32
    }
    %scan3A_5 = arith.constant 128 : i32
    %mul3A = arith.constant 640 : i32
    %mul3A_6 = arith.muli %arg1, %mul3A : i32
    %add3A = arith.constant 0 : i32
    %add3A_7 = arith.addi %mul3A_6, %add3A : i32
    "tpu.region"() ({
      %run_scoped3A = tpu.sem_alloc : memref<!tpu.dma_semaphore, #tpu.memory_space<semaphore_mem>>
      %dma_start3A = arith.constant 0 : i32
      %dma_start3A_81 = tpu.memref_slice %arg6[%add3A_7, %dma_start3A] : memref<10240x16xf32, #tpu.memory_space<vmem_shared>> -> memref<128x16xf32, #tpu.memory_space<vmem_shared>>
      %dma_start3A_82 = arith.constant 0 : i32
      %dma_start3A_83 = tpu.memref_slice %arg6[%add3A_7, %dma_start3A_82] : memref<10240x16xf32, #tpu.memory_space<vmem_shared>> -> memref<128x16xf32, #tpu.memory_space<vmem_shared>>
      tpu.enqueue_dma source(%arg5 : memref<128x16xf32, #tpu.memory_space<vmem>>) target(%dma_start3A_83 : memref<128x16xf32, #tpu.memory_space<vmem_shared>>) target_semaphore(%run_scoped3A : memref<!tpu.dma_semaphore, #tpu.memory_space<semaphore_mem>>)
      %dma_wait3A = arith.constant 0 : i32
      %dma_wait3A_84 = tpu.memref_slice %arg6[%add3A_7, %dma_wait3A] : memref<10240x16xf32, #tpu.memory_space<vmem_shared>> -> memref<128x16xf32, #tpu.memory_space<vmem_shared>>
      %dma_wait3A_85 = arith.constant 0 : i32
      %dma_wait3A_86 = tpu.memref_slice %arg6[%add3A_7, %dma_wait3A_85] : memref<10240x16xf32, #tpu.memory_space<vmem_shared>> -> memref<128x16xf32, #tpu.memory_space<vmem_shared>>
      tpu.wait_dma2 semaphore(%run_scoped3A : memref<!tpu.dma_semaphore, #tpu.memory_space<semaphore_mem>>) src(%arg5 : memref<128x16xf32, #tpu.memory_space<vmem>>) dst(%dma_wait3A_86 : memref<128x16xf32, #tpu.memory_space<vmem_shared>>)
      tpu.yield
    }) : () -> ()
    %mul3A_8 = arith.constant 640 : i32
    %mul3A_9 = arith.muli %arg1, %mul3A_8 : i32
    %add3A_10 = arith.constant 128 : i32
    %add3A_11 = arith.addi %mul3A_9, %add3A_10 : i32
    "tpu.region"() ({
      %run_scoped3A = tpu.sem_alloc : memref<!tpu.dma_semaphore, #tpu.memory_space<semaphore_mem>>
      %dma_start3A = arith.constant 0 : i32
      %dma_start3A_81 = tpu.memref_slice %arg6[%add3A_11, %dma_start3A] : memref<10240x16xf32, #tpu.memory_space<vmem_shared>> -> memref<128x16xf32, #tpu.memory_space<vmem_shared>>
      %dma_start3A_82 = arith.constant 0 : i32
      %dma_start3A_83 = tpu.memref_slice %arg6[%add3A_11, %dma_start3A_82] : memref<10240x16xf32, #tpu.memory_space<vmem_shared>> -> memref<128x16xf32, #tpu.memory_space<vmem_shared>>
      tpu.enqueue_dma source(%arg5 : memref<128x16xf32, #tpu.memory_space<vmem>>) target(%dma_start3A_83 : memref<128x16xf32, #tpu.memory_space<vmem_shared>>) target_semaphore(%run_scoped3A : memref<!tpu.dma_semaphore, #tpu.memory_space<semaphore_mem>>)
      %dma_wait3A = arith.constant 0 : i32
      %dma_wait3A_84 = tpu.memref_slice %arg6[%add3A_11, %dma_wait3A] : memref<10240x16xf32, #tpu.memory_space<vmem_shared>> -> memref<128x16xf32, #tpu.memory_space<vmem_shared>>
      %dma_wait3A_85 = arith.constant 0 : i32
      %dma_wait3A_86 = tpu.memref_slice %arg6[%add3A_11, %dma_wait3A_85] : memref<10240x16xf32, #tpu.memory_space<vmem_shared>> -> memref<128x16xf32, #tpu.memory_space<vmem_shared>>
      tpu.wait_dma2 semaphore(%run_scoped3A : memref<!tpu.dma_semaphore, #tpu.memory_space<semaphore_mem>>) src(%arg5 : memref<128x16xf32, #tpu.memory_space<vmem>>) dst(%dma_wait3A_86 : memref<128x16xf32, #tpu.memory_space<vmem_shared>>)
      tpu.yield
    }) : () -> ()
    %mul3A_12 = arith.constant 640 : i32
    %mul3A_13 = arith.muli %arg1, %mul3A_12 : i32
    %add3A_14 = arith.constant 256 : i32
    %add3A_15 = arith.addi %mul3A_13, %add3A_14 : i32
    "tpu.region"() ({
      %run_scoped3A = tpu.sem_alloc : memref<!tpu.dma_semaphore, #tpu.memory_space<semaphore_mem>>
      %dma_start3A = arith.constant 0 : i32
      %dma_start3A_81 = tpu.memref_slice %arg6[%add3A_15, %dma_start3A] : memref<10240x16xf32, #tpu.memory_space<vmem_shared>> -> memref<128x16xf32, #tpu.memory_space<vmem_shared>>
      %dma_start3A_82 = arith.constant 0 : i32
      %dma_start3A_83 = tpu.memref_slice %arg6[%add3A_15, %dma_start3A_82] : memref<10240x16xf32, #tpu.memory_space<vmem_shared>> -> memref<128x16xf32, #tpu.memory_space<vmem_shared>>
      tpu.enqueue_dma source(%arg5 : memref<128x16xf32, #tpu.memory_space<vmem>>) target(%dma_start3A_83 : memref<128x16xf32, #tpu.memory_space<vmem_shared>>) target_semaphore(%run_scoped3A : memref<!tpu.dma_semaphore, #tpu.memory_space<semaphore_mem>>)
      %dma_wait3A = arith.constant 0 : i32
      %dma_wait3A_84 = tpu.memref_slice %arg6[%add3A_15, %dma_wait3A] : memref<10240x16xf32, #tpu.memory_space<vmem_shared>> -> memref<128x16xf32, #tpu.memory_space<vmem_shared>>
      %dma_wait3A_85 = arith.constant 0 : i32
      %dma_wait3A_86 = tpu.memref_slice %arg6[%add3A_15, %dma_wait3A_85] : memref<10240x16xf32, #tpu.memory_space<vmem_shared>> -> memref<128x16xf32, #tpu.memory_space<vmem_shared>>
      tpu.wait_dma2 semaphore(%run_scoped3A : memref<!tpu.dma_semaphore, #tpu.memory_space<semaphore_mem>>) src(%arg5 : memref<128x16xf32, #tpu.memory_space<vmem>>) dst(%dma_wait3A_86 : memref<128x16xf32, #tpu.memory_space<vmem_shared>>)
      tpu.yield
    }) : () -> ()
    %mul3A_16 = arith.constant 640 : i32
    %mul3A_17 = arith.muli %arg1, %mul3A_16 : i32
    %add3A_18 = arith.constant 384 : i32
    %add3A_19 = arith.addi %mul3A_17, %add3A_18 : i32
    "tpu.region"() ({
      %run_scoped3A = tpu.sem_alloc : memref<!tpu.dma_semaphore, #tpu.memory_space<semaphore_mem>>
      %dma_start3A = arith.constant 0 : i32
      %dma_start3A_81 = tpu.memref_slice %arg6[%add3A_19, %dma_start3A] : memref<10240x16xf32, #tpu.memory_space<vmem_shared>> -> memref<128x16xf32, #tpu.memory_space<vmem_shared>>
      %dma_start3A_82 = arith.constant 0 : i32
      %dma_start3A_83 = tpu.memref_slice %arg6[%add3A_19, %dma_start3A_82] : memref<10240x16xf32, #tpu.memory_space<vmem_shared>> -> memref<128x16xf32, #tpu.memory_space<vmem_shared>>
      tpu.enqueue_dma source(%arg5 : memref<128x16xf32, #tpu.memory_space<vmem>>) target(%dma_start3A_83 : memref<128x16xf32, #tpu.memory_space<vmem_shared>>) target_semaphore(%run_scoped3A : memref<!tpu.dma_semaphore, #tpu.memory_space<semaphore_mem>>)
      %dma_wait3A = arith.constant 0 : i32
      %dma_wait3A_84 = tpu.memref_slice %arg6[%add3A_19, %dma_wait3A] : memref<10240x16xf32, #tpu.memory_space<vmem_shared>> -> memref<128x16xf32, #tpu.memory_space<vmem_shared>>
      %dma_wait3A_85 = arith.constant 0 : i32
      %dma_wait3A_86 = tpu.memref_slice %arg6[%add3A_19, %dma_wait3A_85] : memref<10240x16xf32, #tpu.memory_space<vmem_shared>> -> memref<128x16xf32, #tpu.memory_space<vmem_shared>>
      tpu.wait_dma2 semaphore(%run_scoped3A : memref<!tpu.dma_semaphore, #tpu.memory_space<semaphore_mem>>) src(%arg5 : memref<128x16xf32, #tpu.memory_space<vmem>>) dst(%dma_wait3A_86 : memref<128x16xf32, #tpu.memory_space<vmem_shared>>)
      tpu.yield
    }) : () -> ()
    %mul3A_20 = arith.constant 640 : i32
    %mul3A_21 = arith.muli %arg1, %mul3A_20 : i32
    %add3A_22 = arith.constant 512 : i32
    %add3A_23 = arith.addi %mul3A_21, %add3A_22 : i32
    "tpu.region"() ({
      %run_scoped3A = tpu.sem_alloc : memref<!tpu.dma_semaphore, #tpu.memory_space<semaphore_mem>>
      %dma_start3A = arith.constant 0 : i32
      %dma_start3A_81 = tpu.memref_slice %arg6[%add3A_23, %dma_start3A] : memref<10240x16xf32, #tpu.memory_space<vmem_shared>> -> memref<128x16xf32, #tpu.memory_space<vmem_shared>>
      %dma_start3A_82 = arith.constant 0 : i32
      %dma_start3A_83 = tpu.memref_slice %arg6[%add3A_23, %dma_start3A_82] : memref<10240x16xf32, #tpu.memory_space<vmem_shared>> -> memref<128x16xf32, #tpu.memory_space<vmem_shared>>
      tpu.enqueue_dma source(%arg5 : memref<128x16xf32, #tpu.memory_space<vmem>>) target(%dma_start3A_83 : memref<128x16xf32, #tpu.memory_space<vmem_shared>>) target_semaphore(%run_scoped3A : memref<!tpu.dma_semaphore, #tpu.memory_space<semaphore_mem>>)
      %dma_wait3A = arith.constant 0 : i32
      %dma_wait3A_84 = tpu.memref_slice %arg6[%add3A_23, %dma_wait3A] : memref<10240x16xf32, #tpu.memory_space<vmem_shared>> -> memref<128x16xf32, #tpu.memory_space<vmem_shared>>
      %dma_wait3A_85 = arith.constant 0 : i32
      %dma_wait3A_86 = tpu.memref_slice %arg6[%add3A_23, %dma_wait3A_85] : memref<10240x16xf32, #tpu.memory_space<vmem_shared>> -> memref<128x16xf32, #tpu.memory_space<vmem_shared>>
      tpu.wait_dma2 semaphore(%run_scoped3A : memref<!tpu.dma_semaphore, #tpu.memory_space<semaphore_mem>>) src(%arg5 : memref<128x16xf32, #tpu.memory_space<vmem>>) dst(%dma_wait3A_86 : memref<128x16xf32, #tpu.memory_space<vmem_shared>>)
      tpu.yield
    }) : () -> ()
    %barrier3A = arith.constant 0 : index
    tpu.barrier barrier_id(%barrier3A)
    %mul3A_24 = arith.constant 80 : i32
    %mul3A_25 = arith.muli %arg0, %mul3A_24 : i32
    "tpu.region"() ({
      %run_scoped3A = tpu.sem_alloc : memref<!tpu.dma_semaphore, #tpu.memory_space<semaphore_mem>>
      %dma_start3A = arith.constant 0 : i32
      %dma_start3A_81 = tpu.memref_slice %arg2[%arg1, %mul3A_25, %dma_start3A] : memref<16x160x128xi32, #tpu.memory_space<hbm>> -> memref<1x80x128xi32, #tpu.memory_space<hbm>>
      %dma_start3A_82 = tpu.memref_squeeze %dma_start3A_81 : memref<1x80x128xi32, #tpu.memory_space<hbm>> -> memref<80x128xi32, #tpu.memory_space<hbm>>
      %dma_start3A_83 = arith.constant 0 : i32
      %dma_start3A_84 = tpu.memref_slice %arg2[%arg1, %mul3A_25, %dma_start3A_83] : memref<16x160x128xi32, #tpu.memory_space<hbm>> -> memref<1x80x128xi32, #tpu.memory_space<hbm>>
      %dma_start3A_85 = tpu.memref_squeeze %dma_start3A_84 : memref<1x80x128xi32, #tpu.memory_space<hbm>> -> memref<80x128xi32, #tpu.memory_space<hbm>>
      tpu.enqueue_dma source(%dma_start3A_85 : memref<80x128xi32, #tpu.memory_space<hbm>>) target(%arg4 : memref<80x128xi32, #tpu.memory_space<vmem>>) target_semaphore(%run_scoped3A : memref<!tpu.dma_semaphore, #tpu.memory_space<semaphore_mem>>)
      %dma_wait3A = arith.constant 0 : i32
      %dma_wait3A_86 = tpu.memref_slice %arg2[%arg1, %mul3A_25, %dma_wait3A] : memref<16x160x128xi32, #tpu.memory_space<hbm>> -> memref<1x80x128xi32, #tpu.memory_space<hbm>>
      %dma_wait3A_87 = tpu.memref_squeeze %dma_wait3A_86 : memref<1x80x128xi32, #tpu.memory_space<hbm>> -> memref<80x128xi32, #tpu.memory_space<hbm>>
      %dma_wait3A_88 = arith.constant 0 : i32
      %dma_wait3A_89 = tpu.memref_slice %arg2[%arg1, %mul3A_25, %dma_wait3A_88] : memref<16x160x128xi32, #tpu.memory_space<hbm>> -> memref<1x80x128xi32, #tpu.memory_space<hbm>>
      %dma_wait3A_90 = tpu.memref_squeeze %dma_wait3A_89 : memref<1x80x128xi32, #tpu.memory_space<hbm>> -> memref<80x128xi32, #tpu.memory_space<hbm>>
      tpu.wait_dma2 semaphore(%run_scoped3A : memref<!tpu.dma_semaphore, #tpu.memory_space<semaphore_mem>>) src(%dma_wait3A_90 : memref<80x128xi32, #tpu.memory_space<hbm>>) dst(%arg4 : memref<80x128xi32, #tpu.memory_space<vmem>>)
      tpu.yield
    }) : () -> ()
    %scan3A_26 = arith.constant 0 : i32
    %scan3A_27 = arith.constant 0 : i32
    %scan3A_28 = arith.constant 128 : i32
    %scan3A_29 = arith.addi %scan3A_27, %scan3A_28 : i32
    %scan3A_30 = arith.constant 1 : i32
    %scan3A_31 = scf.for %scan3A_81 = %scan3A_27 to %scan3A_29 step %scan3A_30 iter_args(%scan3A_82 = %scan3A_26) -> (i32)  : i32 {
      %broadcast_in_dim3A = arith.constant 1.000000e+00 : f32
      %broadcast_in_dim3A_83 = vector.broadcast %broadcast_in_dim3A : f32 to vector<16xf32>
      %swap3A = arith.index_cast %scan3A_81 : i32 to index
      %swap3A_84 = arith.constant 0 : index
      %swap3A_85 = tpu.vector_load %arg5[%swap3A, %swap3A_84] {strides = array<i32>} : memref<128x16xf32, #tpu.memory_space<vmem>>, vector<1x16xf32>,
      %swap3A_86 = vector.shape_cast %swap3A_85 : vector<1x16xf32> to vector<16xf32>
      %swap3A_87 = vector.shape_cast %broadcast_in_dim3A_83 : vector<16xf32> to vector<1x16xf32>
      tpu.vector_store %arg5[%swap3A, %swap3A_84], %swap3A_87 {strides = array<i32>} : memref<128x16xf32, #tpu.memory_space<vmem>>, vector<1x16xf32>,
      %scan3A_88 = arith.constant 0 : i32
      scf.yield %scan3A_88 : i32
    }
    %scan3A_32 = arith.constant 128 : i32
    %scan3A_33 = arith.constant 0 : i32
    %scan3A_34 = arith.constant 0 : i32
    %scan3A_35 = arith.constant 80 : i32
    %scan3A_36 = arith.addi %scan3A_34, %scan3A_35 : i32
    %scan3A_37 = arith.constant 1 : i32
    %scan3A_38 = scf.for %scan3A_81 = %scan3A_34 to %scan3A_36 step %scan3A_37 iter_args(%scan3A_82 = %scan3A_33) -> (i32)  : i32 {
      "tpu.region"() ({
        %run_scoped3A = tpu.sem_alloc : memref<!tpu.dma_semaphore, #tpu.memory_space<semaphore_mem>>
        %dma_start3A = arith.constant 0 : i32
        %dma_start3A_84 = tpu.memref_slice %arg4[%scan3A_81, %dma_start3A] : memref<80x128xi32, #tpu.memory_space<vmem>> -> memref<1x128xi32, #tpu.memory_space<vmem>>
        %dma_start3A_85 = tpu.memref_squeeze %dma_start3A_84 : memref<1x128xi32, #tpu.memory_space<vmem>> -> memref<128xi32, #tpu.memory_space<vmem>>
        %dma_start3A_86 = arith.constant 0 : i32
        %dma_start3A_87 = arith.constant 0 : i32
        %dma_start3A_88 = tpu.memref_slice %arg6[%dma_start3A_86, %dma_start3A_87] : memref<10240x16xf32, #tpu.memory_space<vmem_shared>> -> memref<10240x16xf32, #tpu.memory_space<vmem_shared>>
        tpu.enqueue_indirect_dma source(%arg5 : memref<128x16xf32, #tpu.memory_space<vmem>>) target(%dma_start3A_88 : memref<10240x16xf32, #tpu.memory_space<vmem_shared>>) offsets(%dma_start3A_85 : memref<128xi32, #tpu.memory_space<vmem>>) semaphore(%run_scoped3A : memref<!tpu.dma_semaphore, #tpu.memory_space<semaphore_mem>>) {add = true}
        %dma_wait3A = arith.constant 0 : i32
        %dma_wait3A_89 = tpu.memref_slice %arg4[%scan3A_81, %dma_wait3A] : memref<80x128xi32, #tpu.memory_space<vmem>> -> memref<1x128xi32, #tpu.memory_space<vmem>>
        %dma_wait3A_90 = tpu.memref_squeeze %dma_wait3A_89 : memref<1x128xi32, #tpu.memory_space<vmem>> -> memref<128xi32, #tpu.memory_space<vmem>>
        %dma_wait3A_91 = arith.constant 0 : i32
        %dma_wait3A_92 = arith.constant 0 : i32
        %dma_wait3A_93 = tpu.memref_slice %arg6[%dma_wait3A_91, %dma_wait3A_92] : memref<10240x16xf32, #tpu.memory_space<vmem_shared>> -> memref<10240x16xf32, #tpu.memory_space<vmem_shared>>
        tpu.wait_indirect_dma semaphore(%run_scoped3A : memref<!tpu.dma_semaphore, #tpu.memory_space<semaphore_mem>>) src(%arg5 : memref<128x16xf32, #tpu.memory_space<vmem>>) dst(%dma_wait3A_93 : memref<10240x16xf32, #tpu.memory_space<vmem_shared>>)
        tpu.yield
      }) : () -> ()
      %scan3A_83 = arith.constant 0 : i32
      scf.yield %scan3A_83 : i32
    }
    %scan3A_39 = arith.constant 80 : i32
    %barrier3A_40 = arith.constant 0 : index
    tpu.barrier barrier_id(%barrier3A_40)
    %mul3A_41 = arith.constant 640 : i32
    %mul3A_42 = arith.muli %arg1, %mul3A_41 : i32
    %add3A_43 = arith.constant 0 : i32
    %add3A_44 = arith.addi %mul3A_42, %add3A_43 : i32
    "tpu.region"() ({
      %run_scoped3A = tpu.sem_alloc : memref<!tpu.dma_semaphore, #tpu.memory_space<semaphore_mem>>
      %dma_start3A = arith.constant 0 : i32
      %dma_start3A_81 = tpu.memref_slice %arg6[%add3A_44, %dma_start3A] : memref<10240x16xf32, #tpu.memory_space<vmem_shared>> -> memref<128x16xf32, #tpu.memory_space<vmem_shared>>
      %dma_start3A_82 = arith.constant 0 : i32
      %dma_start3A_83 = tpu.memref_slice %arg6[%add3A_44, %dma_start3A_82] : memref<10240x16xf32, #tpu.memory_space<vmem_shared>> -> memref<128x16xf32, #tpu.memory_space<vmem_shared>>
      tpu.enqueue_dma source(%dma_start3A_83 : memref<128x16xf32, #tpu.memory_space<vmem_shared>>) target(%arg5 : memref<128x16xf32, #tpu.memory_space<vmem>>) target_semaphore(%run_scoped3A : memref<!tpu.dma_semaphore, #tpu.memory_space<semaphore_mem>>)
      %dma_wait3A = arith.constant 0 : i32
      %dma_wait3A_84 = tpu.memref_slice %arg6[%add3A_44, %dma_wait3A] : memref<10240x16xf32, #tpu.memory_space<vmem_shared>> -> memref<128x16xf32, #tpu.memory_space<vmem_shared>>
      %dma_wait3A_85 = arith.constant 0 : i32
      %dma_wait3A_86 = tpu.memref_slice %arg6[%add3A_44, %dma_wait3A_85] : memref<10240x16xf32, #tpu.memory_space<vmem_shared>> -> memref<128x16xf32, #tpu.memory_space<vmem_shared>>
      tpu.wait_dma2 semaphore(%run_scoped3A : memref<!tpu.dma_semaphore, #tpu.memory_space<semaphore_mem>>) src(%dma_wait3A_86 : memref<128x16xf32, #tpu.memory_space<vmem_shared>>) dst(%arg5 : memref<128x16xf32, #tpu.memory_space<vmem>>)
      tpu.yield
    }) : () -> ()
    %mul3A_45 = arith.constant 640 : i32
    %mul3A_46 = arith.muli %arg1, %mul3A_45 : i32
    %add3A_47 = arith.constant 0 : i32
    %add3A_48 = arith.addi %mul3A_46, %add3A_47 : i32
    "tpu.region"() ({
      %run_scoped3A = tpu.sem_alloc : memref<!tpu.dma_semaphore, #tpu.memory_space<semaphore_mem>>
      %dma_start3A = arith.constant 0 : i32
      %dma_start3A_81 = tpu.memref_slice %arg3[%arg0, %add3A_48, %dma_start3A] : memref<2x10240x16xf32, #tpu.memory_space<hbm>> -> memref<1x128x16xf32, #tpu.memory_space<hbm>>
      %dma_start3A_82 = tpu.memref_squeeze %dma_start3A_81 : memref<1x128x16xf32, #tpu.memory_space<hbm>> -> memref<128x16xf32, #tpu.memory_space<hbm>>
      %dma_start3A_83 = arith.constant 0 : i32
      %dma_start3A_84 = tpu.memref_slice %arg3[%arg0, %add3A_48, %dma_start3A_83] : memref<2x10240x16xf32, #tpu.memory_space<hbm>> -> memref<1x128x16xf32, #tpu.memory_space<hbm>>
      %dma_start3A_85 = tpu.memref_squeeze %dma_start3A_84 : memref<1x128x16xf32, #tpu.memory_space<hbm>> -> memref<128x16xf32, #tpu.memory_space<hbm>>
      tpu.enqueue_dma source(%arg5 : memref<128x16xf32, #tpu.memory_space<vmem>>) target(%dma_start3A_85 : memref<128x16xf32, #tpu.memory_space<hbm>>) target_semaphore(%run_scoped3A : memref<!tpu.dma_semaphore, #tpu.memory_space<semaphore_mem>>)
      %dma_wait3A = arith.constant 0 : i32
      %dma_wait3A_86 = tpu.memref_slice %arg3[%arg0, %add3A_48, %dma_wait3A] : memref<2x10240x16xf32, #tpu.memory_space<hbm>> -> memref<1x128x16xf32, #tpu.memory_space<hbm>>
      %dma_wait3A_87 = tpu.memref_squeeze %dma_wait3A_86 : memref<1x128x16xf32, #tpu.memory_space<hbm>> -> memref<128x16xf32, #tpu.memory_space<hbm>>
      %dma_wait3A_88 = arith.constant 0 : i32
      %dma_wait3A_89 = tpu.memref_slice %arg3[%arg0, %add3A_48, %dma_wait3A_88] : memref<2x10240x16xf32, #tpu.memory_space<hbm>> -> memref<1x128x16xf32, #tpu.memory_space<hbm>>
      %dma_wait3A_90 = tpu.memref_squeeze %dma_wait3A_89 : memref<1x128x16xf32, #tpu.memory_space<hbm>> -> memref<128x16xf32, #tpu.memory_space<hbm>>
      tpu.wait_dma2 semaphore(%run_scoped3A : memref<!tpu.dma_semaphore, #tpu.memory_space<semaphore_mem>>) src(%arg5 : memref<128x16xf32, #tpu.memory_space<vmem>>) dst(%dma_wait3A_90 : memref<128x16xf32, #tpu.memory_space<hbm>>)
      tpu.yield
    }) : () -> ()
    %mul3A_49 = arith.constant 640 : i32
    %mul3A_50 = arith.muli %arg1, %mul3A_49 : i32
    %add3A_51 = arith.constant 128 : i32
    %add3A_52 = arith.addi %mul3A_50, %add3A_51 : i32
    "tpu.region"() ({
      %run_scoped3A = tpu.sem_alloc : memref<!tpu.dma_semaphore, #tpu.memory_space<semaphore_mem>>
      %dma_start3A = arith.constant 0 : i32
      %dma_start3A_81 = tpu.memref_slice %arg6[%add3A_52, %dma_start3A] : memref<10240x16xf32, #tpu.memory_space<vmem_shared>> -> memref<128x16xf32, #tpu.memory_space<vmem_shared>>
      %dma_start3A_82 = arith.constant 0 : i32
      %dma_start3A_83 = tpu.memref_slice %arg6[%add3A_52, %dma_start3A_82] : memref<10240x16xf32, #tpu.memory_space<vmem_shared>> -> memref<128x16xf32, #tpu.memory_space<vmem_shared>>
      tpu.enqueue_dma source(%dma_start3A_83 : memref<128x16xf32, #tpu.memory_space<vmem_shared>>) target(%arg5 : memref<128x16xf32, #tpu.memory_space<vmem>>) target_semaphore(%run_scoped3A : memref<!tpu.dma_semaphore, #tpu.memory_space<semaphore_mem>>)
      %dma_wait3A = arith.constant 0 : i32
      %dma_wait3A_84 = tpu.memref_slice %arg6[%add3A_52, %dma_wait3A] : memref<10240x16xf32, #tpu.memory_space<vmem_shared>> -> memref<128x16xf32, #tpu.memory_space<vmem_shared>>
      %dma_wait3A_85 = arith.constant 0 : i32
      %dma_wait3A_86 = tpu.memref_slice %arg6[%add3A_52, %dma_wait3A_85] : memref<10240x16xf32, #tpu.memory_space<vmem_shared>> -> memref<128x16xf32, #tpu.memory_space<vmem_shared>>
      tpu.wait_dma2 semaphore(%run_scoped3A : memref<!tpu.dma_semaphore, #tpu.memory_space<semaphore_mem>>) src(%dma_wait3A_86 : memref<128x16xf32, #tpu.memory_space<vmem_shared>>) dst(%arg5 : memref<128x16xf32, #tpu.memory_space<vmem>>)
      tpu.yield
    }) : () -> ()
    %mul3A_53 = arith.constant 640 : i32
    %mul3A_54 = arith.muli %arg1, %mul3A_53 : i32
    %add3A_55 = arith.constant 128 : i32
    %add3A_56 = arith.addi %mul3A_54, %add3A_55 : i32
    "tpu.region"() ({
      %run_scoped3A = tpu.sem_alloc : memref<!tpu.dma_semaphore, #tpu.memory_space<semaphore_mem>>
      %dma_start3A = arith.constant 0 : i32
      %dma_start3A_81 = tpu.memref_slice %arg3[%arg0, %add3A_56, %dma_start3A] : memref<2x10240x16xf32, #tpu.memory_space<hbm>> -> memref<1x128x16xf32, #tpu.memory_space<hbm>>
      %dma_start3A_82 = tpu.memref_squeeze %dma_start3A_81 : memref<1x128x16xf32, #tpu.memory_space<hbm>> -> memref<128x16xf32, #tpu.memory_space<hbm>>
      %dma_start3A_83 = arith.constant 0 : i32
      %dma_start3A_84 = tpu.memref_slice %arg3[%arg0, %add3A_56, %dma_start3A_83] : memref<2x10240x16xf32, #tpu.memory_space<hbm>> -> memref<1x128x16xf32, #tpu.memory_space<hbm>>
      %dma_start3A_85 = tpu.memref_squeeze %dma_start3A_84 : memref<1x128x16xf32, #tpu.memory_space<hbm>> -> memref<128x16xf32, #tpu.memory_space<hbm>>
      tpu.enqueue_dma source(%arg5 : memref<128x16xf32, #tpu.memory_space<vmem>>) target(%dma_start3A_85 : memref<128x16xf32, #tpu.memory_space<hbm>>) target_semaphore(%run_scoped3A : memref<!tpu.dma_semaphore, #tpu.memory_space<semaphore_mem>>)
      %dma_wait3A = arith.constant 0 : i32
      %dma_wait3A_86 = tpu.memref_slice %arg3[%arg0, %add3A_56, %dma_wait3A] : memref<2x10240x16xf32, #tpu.memory_space<hbm>> -> memref<1x128x16xf32, #tpu.memory_space<hbm>>
      %dma_wait3A_87 = tpu.memref_squeeze %dma_wait3A_86 : memref<1x128x16xf32, #tpu.memory_space<hbm>> -> memref<128x16xf32, #tpu.memory_space<hbm>>
      %dma_wait3A_88 = arith.constant 0 : i32
      %dma_wait3A_89 = tpu.memref_slice %arg3[%arg0, %add3A_56, %dma_wait3A_88] : memref<2x10240x16xf32, #tpu.memory_space<hbm>> -> memref<1x128x16xf32, #tpu.memory_space<hbm>>
      %dma_wait3A_90 = tpu.memref_squeeze %dma_wait3A_89 : memref<1x128x16xf32, #tpu.memory_space<hbm>> -> memref<128x16xf32, #tpu.memory_space<hbm>>
      tpu.wait_dma2 semaphore(%run_scoped3A : memref<!tpu.dma_semaphore, #tpu.memory_space<semaphore_mem>>) src(%arg5 : memref<128x16xf32, #tpu.memory_space<vmem>>) dst(%dma_wait3A_90 : memref<128x16xf32, #tpu.memory_space<hbm>>)
      tpu.yield
    }) : () -> ()
    %mul3A_57 = arith.constant 640 : i32
    %mul3A_58 = arith.muli %arg1, %mul3A_57 : i32
    %add3A_59 = arith.constant 256 : i32
    %add3A_60 = arith.addi %mul3A_58, %add3A_59 : i32
    "tpu.region"() ({
      %run_scoped3A = tpu.sem_alloc : memref<!tpu.dma_semaphore, #tpu.memory_space<semaphore_mem>>
      %dma_start3A = arith.constant 0 : i32
      %dma_start3A_81 = tpu.memref_slice %arg6[%add3A_60, %dma_start3A] : memref<10240x16xf32, #tpu.memory_space<vmem_shared>> -> memref<128x16xf32, #tpu.memory_space<vmem_shared>>
      %dma_start3A_82 = arith.constant 0 : i32
      %dma_start3A_83 = tpu.memref_slice %arg6[%add3A_60, %dma_start3A_82] : memref<10240x16xf32, #tpu.memory_space<vmem_shared>> -> memref<128x16xf32, #tpu.memory_space<vmem_shared>>
      tpu.enqueue_dma source(%dma_start3A_83 : memref<128x16xf32, #tpu.memory_space<vmem_shared>>) target(%arg5 : memref<128x16xf32, #tpu.memory_space<vmem>>) target_semaphore(%run_scoped3A : memref<!tpu.dma_semaphore, #tpu.memory_space<semaphore_mem>>)
      %dma_wait3A = arith.constant 0 : i32
      %dma_wait3A_84 = tpu.memref_slice %arg6[%add3A_60, %dma_wait3A] : memref<10240x16xf32, #tpu.memory_space<vmem_shared>> -> memref<128x16xf32, #tpu.memory_space<vmem_shared>>
      %dma_wait3A_85 = arith.constant 0 : i32
      %dma_wait3A_86 = tpu.memref_slice %arg6[%add3A_60, %dma_wait3A_85] : memref<10240x16xf32, #tpu.memory_space<vmem_shared>> -> memref<128x16xf32, #tpu.memory_space<vmem_shared>>
      tpu.wait_dma2 semaphore(%run_scoped3A : memref<!tpu.dma_semaphore, #tpu.memory_space<semaphore_mem>>) src(%dma_wait3A_86 : memref<128x16xf32, #tpu.memory_space<vmem_shared>>) dst(%arg5 : memref<128x16xf32, #tpu.memory_space<vmem>>)
      tpu.yield
    }) : () -> ()
    %mul3A_61 = arith.constant 640 : i32
    %mul3A_62 = arith.muli %arg1, %mul3A_61 : i32
    %add3A_63 = arith.constant 256 : i32
    %add3A_64 = arith.addi %mul3A_62, %add3A_63 : i32
    "tpu.region"() ({
      %run_scoped3A = tpu.sem_alloc : memref<!tpu.dma_semaphore, #tpu.memory_space<semaphore_mem>>
      %dma_start3A = arith.constant 0 : i32
      %dma_start3A_81 = tpu.memref_slice %arg3[%arg0, %add3A_64, %dma_start3A] : memref<2x10240x16xf32, #tpu.memory_space<hbm>> -> memref<1x128x16xf32, #tpu.memory_space<hbm>>
      %dma_start3A_82 = tpu.memref_squeeze %dma_start3A_81 : memref<1x128x16xf32, #tpu.memory_space<hbm>> -> memref<128x16xf32, #tpu.memory_space<hbm>>
      %dma_start3A_83 = arith.constant 0 : i32
      %dma_start3A_84 = tpu.memref_slice %arg3[%arg0, %add3A_64, %dma_start3A_83] : memref<2x10240x16xf32, #tpu.memory_space<hbm>> -> memref<1x128x16xf32, #tpu.memory_space<hbm>>
      %dma_start3A_85 = tpu.memref_squeeze %dma_start3A_84 : memref<1x128x16xf32, #tpu.memory_space<hbm>> -> memref<128x16xf32, #tpu.memory_space<hbm>>
      tpu.enqueue_dma source(%arg5 : memref<128x16xf32, #tpu.memory_space<vmem>>) target(%dma_start3A_85 : memref<128x16xf32, #tpu.memory_space<hbm>>) target_semaphore(%run_scoped3A : memref<!tpu.dma_semaphore, #tpu.memory_space<semaphore_mem>>)
      %dma_wait3A = arith.constant 0 : i32
      %dma_wait3A_86 = tpu.memref_slice %arg3[%arg0, %add3A_64, %dma_wait3A] : memref<2x10240x16xf32, #tpu.memory_space<hbm>> -> memref<1x128x16xf32, #tpu.memory_space<hbm>>
      %dma_wait3A_87 = tpu.memref_squeeze %dma_wait3A_86 : memref<1x128x16xf32, #tpu.memory_space<hbm>> -> memref<128x16xf32, #tpu.memory_space<hbm>>
      %dma_wait3A_88 = arith.constant 0 : i32
      %dma_wait3A_89 = tpu.memref_slice %arg3[%arg0, %add3A_64, %dma_wait3A_88] : memref<2x10240x16xf32, #tpu.memory_space<hbm>> -> memref<1x128x16xf32, #tpu.memory_space<hbm>>
      %dma_wait3A_90 = tpu.memref_squeeze %dma_wait3A_89 : memref<1x128x16xf32, #tpu.memory_space<hbm>> -> memref<128x16xf32, #tpu.memory_space<hbm>>
      tpu.wait_dma2 semaphore(%run_scoped3A : memref<!tpu.dma_semaphore, #tpu.memory_space<semaphore_mem>>) src(%arg5 : memref<128x16xf32, #tpu.memory_space<vmem>>) dst(%dma_wait3A_90 : memref<128x16xf32, #tpu.memory_space<hbm>>)
      tpu.yield
    }) : () -> ()
    %mul3A_65 = arith.constant 640 : i32
    %mul3A_66 = arith.muli %arg1, %mul3A_65 : i32
    %add3A_67 = arith.constant 384 : i32
    %add3A_68 = arith.addi %mul3A_66, %add3A_67 : i32
    "tpu.region"() ({
      %run_scoped3A = tpu.sem_alloc : memref<!tpu.dma_semaphore, #tpu.memory_space<semaphore_mem>>
      %dma_start3A = arith.constant 0 : i32
      %dma_start3A_81 = tpu.memref_slice %arg6[%add3A_68, %dma_start3A] : memref<10240x16xf32, #tpu.memory_space<vmem_shared>> -> memref<128x16xf32, #tpu.memory_space<vmem_shared>>
      %dma_start3A_82 = arith.constant 0 : i32
      %dma_start3A_83 = tpu.memref_slice %arg6[%add3A_68, %dma_start3A_82] : memref<10240x16xf32, #tpu.memory_space<vmem_shared>> -> memref<128x16xf32, #tpu.memory_space<vmem_shared>>
      tpu.enqueue_dma source(%dma_start3A_83 : memref<128x16xf32, #tpu.memory_space<vmem_shared>>) target(%arg5 : memref<128x16xf32, #tpu.memory_space<vmem>>) target_semaphore(%run_scoped3A : memref<!tpu.dma_semaphore, #tpu.memory_space<semaphore_mem>>)
      %dma_wait3A = arith.constant 0 : i32
      %dma_wait3A_84 = tpu.memref_slice %arg6[%add3A_68, %dma_wait3A] : memref<10240x16xf32, #tpu.memory_space<vmem_shared>> -> memref<128x16xf32, #tpu.memory_space<vmem_shared>>
      %dma_wait3A_85 = arith.constant 0 : i32
      %dma_wait3A_86 = tpu.memref_slice %arg6[%add3A_68, %dma_wait3A_85] : memref<10240x16xf32, #tpu.memory_space<vmem_shared>> -> memref<128x16xf32, #tpu.memory_space<vmem_shared>>
      tpu.wait_dma2 semaphore(%run_scoped3A : memref<!tpu.dma_semaphore, #tpu.memory_space<semaphore_mem>>) src(%dma_wait3A_86 : memref<128x16xf32, #tpu.memory_space<vmem_shared>>) dst(%arg5 : memref<128x16xf32, #tpu.memory_space<vmem>>)
      tpu.yield
    }) : () -> ()
    %mul3A_69 = arith.constant 640 : i32
    %mul3A_70 = arith.muli %arg1, %mul3A_69 : i32
    %add3A_71 = arith.constant 384 : i32
    %add3A_72 = arith.addi %mul3A_70, %add3A_71 : i32
    "tpu.region"() ({
      %run_scoped3A = tpu.sem_alloc : memref<!tpu.dma_semaphore, #tpu.memory_space<semaphore_mem>>
      %dma_start3A = arith.constant 0 : i32
      %dma_start3A_81 = tpu.memref_slice %arg3[%arg0, %add3A_72, %dma_start3A] : memref<2x10240x16xf32, #tpu.memory_space<hbm>> -> memref<1x128x16xf32, #tpu.memory_space<hbm>>
      %dma_start3A_82 = tpu.memref_squeeze %dma_start3A_81 : memref<1x128x16xf32, #tpu.memory_space<hbm>> -> memref<128x16xf32, #tpu.memory_space<hbm>>
      %dma_start3A_83 = arith.constant 0 : i32
      %dma_start3A_84 = tpu.memref_slice %arg3[%arg0, %add3A_72, %dma_start3A_83] : memref<2x10240x16xf32, #tpu.memory_space<hbm>> -> memref<1x128x16xf32, #tpu.memory_space<hbm>>
      %dma_start3A_85 = tpu.memref_squeeze %dma_start3A_84 : memref<1x128x16xf32, #tpu.memory_space<hbm>> -> memref<128x16xf32, #tpu.memory_space<hbm>>
      tpu.enqueue_dma source(%arg5 : memref<128x16xf32, #tpu.memory_space<vmem>>) target(%dma_start3A_85 : memref<128x16xf32, #tpu.memory_space<hbm>>) target_semaphore(%run_scoped3A : memref<!tpu.dma_semaphore, #tpu.memory_space<semaphore_mem>>)
      %dma_wait3A = arith.constant 0 : i32
      %dma_wait3A_86 = tpu.memref_slice %arg3[%arg0, %add3A_72, %dma_wait3A] : memref<2x10240x16xf32, #tpu.memory_space<hbm>> -> memref<1x128x16xf32, #tpu.memory_space<hbm>>
      %dma_wait3A_87 = tpu.memref_squeeze %dma_wait3A_86 : memref<1x128x16xf32, #tpu.memory_space<hbm>> -> memref<128x16xf32, #tpu.memory_space<hbm>>
      %dma_wait3A_88 = arith.constant 0 : i32
      %dma_wait3A_89 = tpu.memref_slice %arg3[%arg0, %add3A_72, %dma_wait3A_88] : memref<2x10240x16xf32, #tpu.memory_space<hbm>> -> memref<1x128x16xf32, #tpu.memory_space<hbm>>
      %dma_wait3A_90 = tpu.memref_squeeze %dma_wait3A_89 : memref<1x128x16xf32, #tpu.memory_space<hbm>> -> memref<128x16xf32, #tpu.memory_space<hbm>>
      tpu.wait_dma2 semaphore(%run_scoped3A : memref<!tpu.dma_semaphore, #tpu.memory_space<semaphore_mem>>) src(%arg5 : memref<128x16xf32, #tpu.memory_space<vmem>>) dst(%dma_wait3A_90 : memref<128x16xf32, #tpu.memory_space<hbm>>)
      tpu.yield
    }) : () -> ()
    %mul3A_73 = arith.constant 640 : i32
    %mul3A_74 = arith.muli %arg1, %mul3A_73 : i32
    %add3A_75 = arith.constant 512 : i32
    %add3A_76 = arith.addi %mul3A_74, %add3A_75 : i32
    "tpu.region"() ({
      %run_scoped3A = tpu.sem_alloc : memref<!tpu.dma_semaphore, #tpu.memory_space<semaphore_mem>>
      %dma_start3A = arith.constant 0 : i32
      %dma_start3A_81 = tpu.memref_slice %arg6[%add3A_76, %dma_start3A] : memref<10240x16xf32, #tpu.memory_space<vmem_shared>> -> memref<128x16xf32, #tpu.memory_space<vmem_shared>>
      %dma_start3A_82 = arith.constant 0 : i32
      %dma_start3A_83 = tpu.memref_slice %arg6[%add3A_76, %dma_start3A_82] : memref<10240x16xf32, #tpu.memory_space<vmem_shared>> -> memref<128x16xf32, #tpu.memory_space<vmem_shared>>
      tpu.enqueue_dma source(%dma_start3A_83 : memref<128x16xf32, #tpu.memory_space<vmem_shared>>) target(%arg5 : memref<128x16xf32, #tpu.memory_space<vmem>>) target_semaphore(%run_scoped3A : memref<!tpu.dma_semaphore, #tpu.memory_space<semaphore_mem>>)
      %dma_wait3A = arith.constant 0 : i32
      %dma_wait3A_84 = tpu.memref_slice %arg6[%add3A_76, %dma_wait3A] : memref<10240x16xf32, #tpu.memory_space<vmem_shared>> -> memref<128x16xf32, #tpu.memory_space<vmem_shared>>
      %dma_wait3A_85 = arith.constant 0 : i32
      %dma_wait3A_86 = tpu.memref_slice %arg6[%add3A_76, %dma_wait3A_85] : memref<10240x16xf32, #tpu.memory_space<vmem_shared>> -> memref<128x16xf32, #tpu.memory_space<vmem_shared>>
      tpu.wait_dma2 semaphore(%run_scoped3A : memref<!tpu.dma_semaphore, #tpu.memory_space<semaphore_mem>>) src(%dma_wait3A_86 : memref<128x16xf32, #tpu.memory_space<vmem_shared>>) dst(%arg5 : memref<128x16xf32, #tpu.memory_space<vmem>>)
      tpu.yield
    }) : () -> ()
    %mul3A_77 = arith.constant 640 : i32
    %mul3A_78 = arith.muli %arg1, %mul3A_77 : i32
    %add3A_79 = arith.constant 512 : i32
    %add3A_80 = arith.addi %mul3A_78, %add3A_79 : i32
    "tpu.region"() ({
      %run_scoped3A = tpu.sem_alloc : memref<!tpu.dma_semaphore, #tpu.memory_space<semaphore_mem>>
      %dma_start3A = arith.constant 0 : i32
      %dma_start3A_81 = tpu.memref_slice %arg3[%arg0, %add3A_80, %dma_start3A] : memref<2x10240x16xf32, #tpu.memory_space<hbm>> -> memref<1x128x16xf32, #tpu.memory_space<hbm>>
      %dma_start3A_82 = tpu.memref_squeeze %dma_start3A_81 : memref<1x128x16xf32, #tpu.memory_space<hbm>> -> memref<128x16xf32, #tpu.memory_space<hbm>>
      %dma_start3A_83 = arith.constant 0 : i32
      %dma_start3A_84 = tpu.memref_slice %arg3[%arg0, %add3A_80, %dma_start3A_83] : memref<2x10240x16xf32, #tpu.memory_space<hbm>> -> memref<1x128x16xf32, #tpu.memory_space<hbm>>
      %dma_start3A_85 = tpu.memref_squeeze %dma_start3A_84 : memref<1x128x16xf32, #tpu.memory_space<hbm>> -> memref<128x16xf32, #tpu.memory_space<hbm>>
      tpu.enqueue_dma source(%arg5 : memref<128x16xf32, #tpu.memory_space<vmem>>) target(%dma_start3A_85 : memref<128x16xf32, #tpu.memory_space<hbm>>) target_semaphore(%run_scoped3A : memref<!tpu.dma_semaphore, #tpu.memory_space<semaphore_mem>>)
      %dma_wait3A = arith.constant 0 : i32
      %dma_wait3A_86 = tpu.memref_slice %arg3[%arg0, %add3A_80, %dma_wait3A] : memref<2x10240x16xf32, #tpu.memory_space<hbm>> -> memref<1x128x16xf32, #tpu.memory_space<hbm>>
      %dma_wait3A_87 = tpu.memref_squeeze %dma_wait3A_86 : memref<1x128x16xf32, #tpu.memory_space<hbm>> -> memref<128x16xf32, #tpu.memory_space<hbm>>
      %dma_wait3A_88 = arith.constant 0 : i32
      %dma_wait3A_89 = tpu.memref_slice %arg3[%arg0, %add3A_80, %dma_wait3A_88] : memref<2x10240x16xf32, #tpu.memory_space<hbm>> -> memref<1x128x16xf32, #tpu.memory_space<hbm>>
      %dma_wait3A_90 = tpu.memref_squeeze %dma_wait3A_89 : memref<1x128x16xf32, #tpu.memory_space<hbm>> -> memref<128x16xf32, #tpu.memory_space<hbm>>
      tpu.wait_dma2 semaphore(%run_scoped3A : memref<!tpu.dma_semaphore, #tpu.memory_space<semaphore_mem>>) src(%arg5 : memref<128x16xf32, #tpu.memory_space<vmem>>) dst(%dma_wait3A_90 : memref<128x16xf32, #tpu.memory_space<hbm>>)
      tpu.yield
    }) : () -> ()
    return
  }
}

#map = affine_map<(d0, d1) -> (0, 0, 0)>
module attributes {stable_mosaic.version = 14 : i64} {
  func.func @_sc_scatter(%arg0: i32, %arg1: i32, %arg2: memref<2x10240x64xf32, #tpu.memory_space<hbm>>, %arg3: memref<16x160x128xi32, #tpu.memory_space<hbm>>, %arg4: memref<16x160x128xi32, #tpu.memory_space<hbm>>, %arg5: memref<2x10240x64xf32, #tpu.memory_space<hbm>>, %arg6: memref<160x128xi32, #tpu.memory_space<vmem>>, %arg7: memref<160x128xi32, #tpu.memory_space<vmem>>, %arg8: memref<128x64xf32, #tpu.memory_space<vmem>>, %arg9: memref<128x64xf32, #tpu.memory_space<vmem>>, %arg10: memref<128x64xf32, #tpu.memory_space<vmem>>, %arg11: memref<128x64xf32, #tpu.memory_space<vmem>>, %arg12: memref<128x64xf32, #tpu.memory_space<vmem>>, %arg13: memref<10240x64xf32, #tpu.memory_space<vmem_shared>>, %arg14: memref<!tpu.dma_semaphore, #tpu.memory_space<semaphore_mem>>, %arg15: memref<!tpu.dma_semaphore, #tpu.memory_space<semaphore_mem>>, %arg16: memref<!tpu.dma_semaphore, #tpu.memory_space<semaphore_mem>>, %arg17: memref<!tpu.dma_semaphore, #tpu.memory_space<semaphore_mem>>, %arg18: memref<!tpu.dma_semaphore, #tpu.memory_space<semaphore_mem>>, %arg19: memref<!tpu.dma_semaphore, #tpu.memory_space<semaphore_mem>>, %arg20: memref<!tpu.dma_semaphore, #tpu.memory_space<semaphore_mem>>, %arg21: memref<!tpu.dma_semaphore, #tpu.memory_space<semaphore_mem>>) attributes {dimension_semantics = [#tpu.dimension_semantics<core_parallel>, #tpu.dimension_semantics<subcore_parallel>], iteration_bounds = array<i64: 2, 16>, scalar_prefetch = 0 : i64, scratch_operands = 16 : i64, tpu.core_type = #tpu.core_type<sc_vector_subcore>, window_params = [{transform_indices = #map}, {transform_indices = #map}, {transform_indices = #map}, {transform_indices = #map}]} {
    %scan3A = arith.constant 0 : i32
    %scan3A_0 = arith.constant 0 : i32
    %scan3A_1 = arith.constant 128 : i32
    %scan3A_2 = arith.addi %scan3A_0, %scan3A_1 : i32
    %scan3A_3 = arith.constant 1 : i32
    %scan3A_4 = scf.for %scan3A_115 = %scan3A_0 to %scan3A_2 step %scan3A_3 iter_args(%scan3A_116 = %scan3A) -> (i32)  : i32 {
      %broadcast_in_dim3A = arith.constant 0.000000e+00 : f32
      %broadcast_in_dim3A_117 = vector.broadcast %broadcast_in_dim3A : f32 to vector<16xf32>
      %swap3A = arith.index_cast %scan3A_115 : i32 to index
      %swap3A_118 = arith.constant 0 : index
      %swap3A_119 = tpu.vector_load %arg12[%swap3A, %swap3A_118] {strides = array<i32>} : memref<128x64xf32, #tpu.memory_space<vmem>>, vector<1x16xf32>,
      %swap3A_120 = vector.shape_cast %swap3A_119 : vector<1x16xf32> to vector<16xf32>
      %swap3A_121 = vector.shape_cast %broadcast_in_dim3A_117 : vector<16xf32> to vector<1x16xf32>
      tpu.vector_store %arg12[%swap3A, %swap3A_118], %swap3A_121 {strides = array<i32>} : memref<128x64xf32, #tpu.memory_space<vmem>>, vector<1x16xf32>,
      %broadcast_in_dim3A_122 = arith.constant 0.000000e+00 : f32
      %broadcast_in_dim3A_123 = vector.broadcast %broadcast_in_dim3A_122 : f32 to vector<16xf32>
      %swap3A_124 = arith.index_cast %scan3A_115 : i32 to index
      %swap3A_125 = arith.constant 16 : index
      %swap3A_126 = tpu.vector_load %arg12[%swap3A_124, %swap3A_125] {strides = array<i32>} : memref<128x64xf32, #tpu.memory_space<vmem>>, vector<1x16xf32>,
      %swap3A_127 = vector.shape_cast %swap3A_126 : vector<1x16xf32> to vector<16xf32>
      %swap3A_128 = vector.shape_cast %broadcast_in_dim3A_123 : vector<16xf32> to vector<1x16xf32>
      tpu.vector_store %arg12[%swap3A_124, %swap3A_125], %swap3A_128 {strides = array<i32>} : memref<128x64xf32, #tpu.memory_space<vmem>>, vector<1x16xf32>,
      %broadcast_in_dim3A_129 = arith.constant 0.000000e+00 : f32
      %broadcast_in_dim3A_130 = vector.broadcast %broadcast_in_dim3A_129 : f32 to vector<16xf32>
      %swap3A_131 = arith.index_cast %scan3A_115 : i32 to index
      %swap3A_132 = arith.constant 32 : index
      %swap3A_133 = tpu.vector_load %arg12[%swap3A_131, %swap3A_132] {strides = array<i32>} : memref<128x64xf32, #tpu.memory_space<vmem>>, vector<1x16xf32>,
      %swap3A_134 = vector.shape_cast %swap3A_133 : vector<1x16xf32> to vector<16xf32>
      %swap3A_135 = vector.shape_cast %broadcast_in_dim3A_130 : vector<16xf32> to vector<1x16xf32>
      tpu.vector_store %arg12[%swap3A_131, %swap3A_132], %swap3A_135 {strides = array<i32>} : memref<128x64xf32, #tpu.memory_space<vmem>>, vector<1x16xf32>,
      %broadcast_in_dim3A_136 = arith.constant 0.000000e+00 : f32
      %broadcast_in_dim3A_137 = vector.broadcast %broadcast_in_dim3A_136 : f32 to vector<16xf32>
      %swap3A_138 = arith.index_cast %scan3A_115 : i32 to index
      %swap3A_139 = arith.constant 48 : index
      %swap3A_140 = tpu.vector_load %arg12[%swap3A_138, %swap3A_139] {strides = array<i32>} : memref<128x64xf32, #tpu.memory_space<vmem>>, vector<1x16xf32>,
      %swap3A_141 = vector.shape_cast %swap3A_140 : vector<1x16xf32> to vector<16xf32>
      %swap3A_142 = vector.shape_cast %broadcast_in_dim3A_137 : vector<16xf32> to vector<1x16xf32>
      tpu.vector_store %arg12[%swap3A_138, %swap3A_139], %swap3A_142 {strides = array<i32>} : memref<128x64xf32, #tpu.memory_space<vmem>>, vector<1x16xf32>,
      %scan3A_143 = arith.constant 0 : i32
      scf.yield %scan3A_143 : i32
    }
    %scan3A_5 = arith.constant 128 : i32
    %mul3A = arith.constant 640 : i32
    %mul3A_6 = arith.muli %arg1, %mul3A : i32
    %add3A = arith.constant 0 : i32
    %add3A_7 = arith.addi %mul3A_6, %add3A : i32
    "tpu.region"() ({
      %run_scoped3A = tpu.sem_alloc : memref<!tpu.dma_semaphore, #tpu.memory_space<semaphore_mem>>
      %dma_start3A_115 = arith.constant 0 : i32
      %dma_start3A_116 = tpu.memref_slice %arg13[%add3A_7, %dma_start3A_115] : memref<10240x64xf32, #tpu.memory_space<vmem_shared>> -> memref<128x64xf32, #tpu.memory_space<vmem_shared>>
      %dma_start3A_117 = arith.constant 0 : i32
      %dma_start3A_118 = tpu.memref_slice %arg13[%add3A_7, %dma_start3A_117] : memref<10240x64xf32, #tpu.memory_space<vmem_shared>> -> memref<128x64xf32, #tpu.memory_space<vmem_shared>>
      tpu.enqueue_dma source(%arg12 : memref<128x64xf32, #tpu.memory_space<vmem>>) target(%dma_start3A_118 : memref<128x64xf32, #tpu.memory_space<vmem_shared>>) target_semaphore(%run_scoped3A : memref<!tpu.dma_semaphore, #tpu.memory_space<semaphore_mem>>)
      %dma_wait3A = arith.constant 0 : i32
      %dma_wait3A_119 = tpu.memref_slice %arg13[%add3A_7, %dma_wait3A] : memref<10240x64xf32, #tpu.memory_space<vmem_shared>> -> memref<128x64xf32, #tpu.memory_space<vmem_shared>>
      %dma_wait3A_120 = arith.constant 0 : i32
      %dma_wait3A_121 = tpu.memref_slice %arg13[%add3A_7, %dma_wait3A_120] : memref<10240x64xf32, #tpu.memory_space<vmem_shared>> -> memref<128x64xf32, #tpu.memory_space<vmem_shared>>
      tpu.wait_dma2 semaphore(%run_scoped3A : memref<!tpu.dma_semaphore, #tpu.memory_space<semaphore_mem>>) src(%arg12 : memref<128x64xf32, #tpu.memory_space<vmem>>) dst(%dma_wait3A_121 : memref<128x64xf32, #tpu.memory_space<vmem_shared>>)
      tpu.yield
    }) : () -> ()
    %mul3A_8 = arith.constant 640 : i32
    %mul3A_9 = arith.muli %arg1, %mul3A_8 : i32
    %add3A_10 = arith.constant 128 : i32
    %add3A_11 = arith.addi %mul3A_9, %add3A_10 : i32
    "tpu.region"() ({
      %run_scoped3A = tpu.sem_alloc : memref<!tpu.dma_semaphore, #tpu.memory_space<semaphore_mem>>
      %dma_start3A_115 = arith.constant 0 : i32
      %dma_start3A_116 = tpu.memref_slice %arg13[%add3A_11, %dma_start3A_115] : memref<10240x64xf32, #tpu.memory_space<vmem_shared>> -> memref<128x64xf32, #tpu.memory_space<vmem_shared>>
      %dma_start3A_117 = arith.constant 0 : i32
      %dma_start3A_118 = tpu.memref_slice %arg13[%add3A_11, %dma_start3A_117] : memref<10240x64xf32, #tpu.memory_space<vmem_shared>> -> memref<128x64xf32, #tpu.memory_space<vmem_shared>>
      tpu.enqueue_dma source(%arg12 : memref<128x64xf32, #tpu.memory_space<vmem>>) target(%dma_start3A_118 : memref<128x64xf32, #tpu.memory_space<vmem_shared>>) target_semaphore(%run_scoped3A : memref<!tpu.dma_semaphore, #tpu.memory_space<semaphore_mem>>)
      %dma_wait3A = arith.constant 0 : i32
      %dma_wait3A_119 = tpu.memref_slice %arg13[%add3A_11, %dma_wait3A] : memref<10240x64xf32, #tpu.memory_space<vmem_shared>> -> memref<128x64xf32, #tpu.memory_space<vmem_shared>>
      %dma_wait3A_120 = arith.constant 0 : i32
      %dma_wait3A_121 = tpu.memref_slice %arg13[%add3A_11, %dma_wait3A_120] : memref<10240x64xf32, #tpu.memory_space<vmem_shared>> -> memref<128x64xf32, #tpu.memory_space<vmem_shared>>
      tpu.wait_dma2 semaphore(%run_scoped3A : memref<!tpu.dma_semaphore, #tpu.memory_space<semaphore_mem>>) src(%arg12 : memref<128x64xf32, #tpu.memory_space<vmem>>) dst(%dma_wait3A_121 : memref<128x64xf32, #tpu.memory_space<vmem_shared>>)
      tpu.yield
    }) : () -> ()
    %mul3A_12 = arith.constant 640 : i32
    %mul3A_13 = arith.muli %arg1, %mul3A_12 : i32
    %add3A_14 = arith.constant 256 : i32
    %add3A_15 = arith.addi %mul3A_13, %add3A_14 : i32
    "tpu.region"() ({
      %run_scoped3A = tpu.sem_alloc : memref<!tpu.dma_semaphore, #tpu.memory_space<semaphore_mem>>
      %dma_start3A_115 = arith.constant 0 : i32
      %dma_start3A_116 = tpu.memref_slice %arg13[%add3A_15, %dma_start3A_115] : memref<10240x64xf32, #tpu.memory_space<vmem_shared>> -> memref<128x64xf32, #tpu.memory_space<vmem_shared>>
      %dma_start3A_117 = arith.constant 0 : i32
      %dma_start3A_118 = tpu.memref_slice %arg13[%add3A_15, %dma_start3A_117] : memref<10240x64xf32, #tpu.memory_space<vmem_shared>> -> memref<128x64xf32, #tpu.memory_space<vmem_shared>>
      tpu.enqueue_dma source(%arg12 : memref<128x64xf32, #tpu.memory_space<vmem>>) target(%dma_start3A_118 : memref<128x64xf32, #tpu.memory_space<vmem_shared>>) target_semaphore(%run_scoped3A : memref<!tpu.dma_semaphore, #tpu.memory_space<semaphore_mem>>)
      %dma_wait3A = arith.constant 0 : i32
      %dma_wait3A_119 = tpu.memref_slice %arg13[%add3A_15, %dma_wait3A] : memref<10240x64xf32, #tpu.memory_space<vmem_shared>> -> memref<128x64xf32, #tpu.memory_space<vmem_shared>>
      %dma_wait3A_120 = arith.constant 0 : i32
      %dma_wait3A_121 = tpu.memref_slice %arg13[%add3A_15, %dma_wait3A_120] : memref<10240x64xf32, #tpu.memory_space<vmem_shared>> -> memref<128x64xf32, #tpu.memory_space<vmem_shared>>
      tpu.wait_dma2 semaphore(%run_scoped3A : memref<!tpu.dma_semaphore, #tpu.memory_space<semaphore_mem>>) src(%arg12 : memref<128x64xf32, #tpu.memory_space<vmem>>) dst(%dma_wait3A_121 : memref<128x64xf32, #tpu.memory_space<vmem_shared>>)
      tpu.yield
    }) : () -> ()
    %mul3A_16 = arith.constant 640 : i32
    %mul3A_17 = arith.muli %arg1, %mul3A_16 : i32
    %add3A_18 = arith.constant 384 : i32
    %add3A_19 = arith.addi %mul3A_17, %add3A_18 : i32
    "tpu.region"() ({
      %run_scoped3A = tpu.sem_alloc : memref<!tpu.dma_semaphore, #tpu.memory_space<semaphore_mem>>
      %dma_start3A_115 = arith.constant 0 : i32
      %dma_start3A_116 = tpu.memref_slice %arg13[%add3A_19, %dma_start3A_115] : memref<10240x64xf32, #tpu.memory_space<vmem_shared>> -> memref<128x64xf32, #tpu.memory_space<vmem_shared>>
      %dma_start3A_117 = arith.constant 0 : i32
      %dma_start3A_118 = tpu.memref_slice %arg13[%add3A_19, %dma_start3A_117] : memref<10240x64xf32, #tpu.memory_space<vmem_shared>> -> memref<128x64xf32, #tpu.memory_space<vmem_shared>>
      tpu.enqueue_dma source(%arg12 : memref<128x64xf32, #tpu.memory_space<vmem>>) target(%dma_start3A_118 : memref<128x64xf32, #tpu.memory_space<vmem_shared>>) target_semaphore(%run_scoped3A : memref<!tpu.dma_semaphore, #tpu.memory_space<semaphore_mem>>)
      %dma_wait3A = arith.constant 0 : i32
      %dma_wait3A_119 = tpu.memref_slice %arg13[%add3A_19, %dma_wait3A] : memref<10240x64xf32, #tpu.memory_space<vmem_shared>> -> memref<128x64xf32, #tpu.memory_space<vmem_shared>>
      %dma_wait3A_120 = arith.constant 0 : i32
      %dma_wait3A_121 = tpu.memref_slice %arg13[%add3A_19, %dma_wait3A_120] : memref<10240x64xf32, #tpu.memory_space<vmem_shared>> -> memref<128x64xf32, #tpu.memory_space<vmem_shared>>
      tpu.wait_dma2 semaphore(%run_scoped3A : memref<!tpu.dma_semaphore, #tpu.memory_space<semaphore_mem>>) src(%arg12 : memref<128x64xf32, #tpu.memory_space<vmem>>) dst(%dma_wait3A_121 : memref<128x64xf32, #tpu.memory_space<vmem_shared>>)
      tpu.yield
    }) : () -> ()
    %mul3A_20 = arith.constant 640 : i32
    %mul3A_21 = arith.muli %arg1, %mul3A_20 : i32
    %add3A_22 = arith.constant 512 : i32
    %add3A_23 = arith.addi %mul3A_21, %add3A_22 : i32
    "tpu.region"() ({
      %run_scoped3A = tpu.sem_alloc : memref<!tpu.dma_semaphore, #tpu.memory_space<semaphore_mem>>
      %dma_start3A_115 = arith.constant 0 : i32
      %dma_start3A_116 = tpu.memref_slice %arg13[%add3A_23, %dma_start3A_115] : memref<10240x64xf32, #tpu.memory_space<vmem_shared>> -> memref<128x64xf32, #tpu.memory_space<vmem_shared>>
      %dma_start3A_117 = arith.constant 0 : i32
      %dma_start3A_118 = tpu.memref_slice %arg13[%add3A_23, %dma_start3A_117] : memref<10240x64xf32, #tpu.memory_space<vmem_shared>> -> memref<128x64xf32, #tpu.memory_space<vmem_shared>>
      tpu.enqueue_dma source(%arg12 : memref<128x64xf32, #tpu.memory_space<vmem>>) target(%dma_start3A_118 : memref<128x64xf32, #tpu.memory_space<vmem_shared>>) target_semaphore(%run_scoped3A : memref<!tpu.dma_semaphore, #tpu.memory_space<semaphore_mem>>)
      %dma_wait3A = arith.constant 0 : i32
      %dma_wait3A_119 = tpu.memref_slice %arg13[%add3A_23, %dma_wait3A] : memref<10240x64xf32, #tpu.memory_space<vmem_shared>> -> memref<128x64xf32, #tpu.memory_space<vmem_shared>>
      %dma_wait3A_120 = arith.constant 0 : i32
      %dma_wait3A_121 = tpu.memref_slice %arg13[%add3A_23, %dma_wait3A_120] : memref<10240x64xf32, #tpu.memory_space<vmem_shared>> -> memref<128x64xf32, #tpu.memory_space<vmem_shared>>
      tpu.wait_dma2 semaphore(%run_scoped3A : memref<!tpu.dma_semaphore, #tpu.memory_space<semaphore_mem>>) src(%arg12 : memref<128x64xf32, #tpu.memory_space<vmem>>) dst(%dma_wait3A_121 : memref<128x64xf32, #tpu.memory_space<vmem_shared>>)
      tpu.yield
    }) : () -> ()
    %barrier3A = arith.constant 0 : index
    tpu.barrier barrier_id(%barrier3A)
    "tpu.region"() ({
      %run_scoped3A = tpu.sem_alloc : memref<!tpu.dma_semaphore, #tpu.memory_space<semaphore_mem>>
      %dma_start3A_115 = arith.constant 0 : i32
      %dma_start3A_116 = arith.constant 0 : i32
      %dma_start3A_117 = tpu.memref_slice %arg3[%arg1, %dma_start3A_115, %dma_start3A_116] : memref<16x160x128xi32, #tpu.memory_space<hbm>> -> memref<1x160x128xi32, #tpu.memory_space<hbm>>
      %dma_start3A_118 = tpu.memref_squeeze %dma_start3A_117 : memref<1x160x128xi32, #tpu.memory_space<hbm>> -> memref<160x128xi32, #tpu.memory_space<hbm>>
      %dma_start3A_119 = arith.constant 0 : i32
      %dma_start3A_120 = arith.constant 0 : i32
      %dma_start3A_121 = tpu.memref_slice %arg3[%arg1, %dma_start3A_119, %dma_start3A_120] : memref<16x160x128xi32, #tpu.memory_space<hbm>> -> memref<1x160x128xi32, #tpu.memory_space<hbm>>
      %dma_start3A_122 = tpu.memref_squeeze %dma_start3A_121 : memref<1x160x128xi32, #tpu.memory_space<hbm>> -> memref<160x128xi32, #tpu.memory_space<hbm>>
      tpu.enqueue_dma source(%dma_start3A_122 : memref<160x128xi32, #tpu.memory_space<hbm>>) target(%arg6 : memref<160x128xi32, #tpu.memory_space<vmem>>) target_semaphore(%run_scoped3A : memref<!tpu.dma_semaphore, #tpu.memory_space<semaphore_mem>>)
      %dma_wait3A = arith.constant 0 : i32
      %dma_wait3A_123 = arith.constant 0 : i32
      %dma_wait3A_124 = tpu.memref_slice %arg3[%arg1, %dma_wait3A, %dma_wait3A_123] : memref<16x160x128xi32, #tpu.memory_space<hbm>> -> memref<1x160x128xi32, #tpu.memory_space<hbm>>
      %dma_wait3A_125 = tpu.memref_squeeze %dma_wait3A_124 : memref<1x160x128xi32, #tpu.memory_space<hbm>> -> memref<160x128xi32, #tpu.memory_space<hbm>>
      %dma_wait3A_126 = arith.constant 0 : i32
      %dma_wait3A_127 = arith.constant 0 : i32
      %dma_wait3A_128 = tpu.memref_slice %arg3[%arg1, %dma_wait3A_126, %dma_wait3A_127] : memref<16x160x128xi32, #tpu.memory_space<hbm>> -> memref<1x160x128xi32, #tpu.memory_space<hbm>>
      %dma_wait3A_129 = tpu.memref_squeeze %dma_wait3A_128 : memref<1x160x128xi32, #tpu.memory_space<hbm>> -> memref<160x128xi32, #tpu.memory_space<hbm>>
      tpu.wait_dma2 semaphore(%run_scoped3A : memref<!tpu.dma_semaphore, #tpu.memory_space<semaphore_mem>>) src(%dma_wait3A_129 : memref<160x128xi32, #tpu.memory_space<hbm>>) dst(%arg6 : memref<160x128xi32, #tpu.memory_space<vmem>>)
      tpu.yield
    }) : () -> ()
    "tpu.region"() ({
      %run_scoped3A = tpu.sem_alloc : memref<!tpu.dma_semaphore, #tpu.memory_space<semaphore_mem>>
      %dma_start3A_115 = arith.constant 0 : i32
      %dma_start3A_116 = arith.constant 0 : i32
      %dma_start3A_117 = tpu.memref_slice %arg4[%arg1, %dma_start3A_115, %dma_start3A_116] : memref<16x160x128xi32, #tpu.memory_space<hbm>> -> memref<1x160x128xi32, #tpu.memory_space<hbm>>
      %dma_start3A_118 = tpu.memref_squeeze %dma_start3A_117 : memref<1x160x128xi32, #tpu.memory_space<hbm>> -> memref<160x128xi32, #tpu.memory_space<hbm>>
      %dma_start3A_119 = arith.constant 0 : i32
      %dma_start3A_120 = arith.constant 0 : i32
      %dma_start3A_121 = tpu.memref_slice %arg4[%arg1, %dma_start3A_119, %dma_start3A_120] : memref<16x160x128xi32, #tpu.memory_space<hbm>> -> memref<1x160x128xi32, #tpu.memory_space<hbm>>
      %dma_start3A_122 = tpu.memref_squeeze %dma_start3A_121 : memref<1x160x128xi32, #tpu.memory_space<hbm>> -> memref<160x128xi32, #tpu.memory_space<hbm>>
      tpu.enqueue_dma source(%dma_start3A_122 : memref<160x128xi32, #tpu.memory_space<hbm>>) target(%arg7 : memref<160x128xi32, #tpu.memory_space<vmem>>) target_semaphore(%run_scoped3A : memref<!tpu.dma_semaphore, #tpu.memory_space<semaphore_mem>>)
      %dma_wait3A = arith.constant 0 : i32
      %dma_wait3A_123 = arith.constant 0 : i32
      %dma_wait3A_124 = tpu.memref_slice %arg4[%arg1, %dma_wait3A, %dma_wait3A_123] : memref<16x160x128xi32, #tpu.memory_space<hbm>> -> memref<1x160x128xi32, #tpu.memory_space<hbm>>
      %dma_wait3A_125 = tpu.memref_squeeze %dma_wait3A_124 : memref<1x160x128xi32, #tpu.memory_space<hbm>> -> memref<160x128xi32, #tpu.memory_space<hbm>>
      %dma_wait3A_126 = arith.constant 0 : i32
      %dma_wait3A_127 = arith.constant 0 : i32
      %dma_wait3A_128 = tpu.memref_slice %arg4[%arg1, %dma_wait3A_126, %dma_wait3A_127] : memref<16x160x128xi32, #tpu.memory_space<hbm>> -> memref<1x160x128xi32, #tpu.memory_space<hbm>>
      %dma_wait3A_129 = tpu.memref_squeeze %dma_wait3A_128 : memref<1x160x128xi32, #tpu.memory_space<hbm>> -> memref<160x128xi32, #tpu.memory_space<hbm>>
      tpu.wait_dma2 semaphore(%run_scoped3A : memref<!tpu.dma_semaphore, #tpu.memory_space<semaphore_mem>>) src(%dma_wait3A_129 : memref<160x128xi32, #tpu.memory_space<hbm>>) dst(%arg7 : memref<160x128xi32, #tpu.memory_space<vmem>>)
      tpu.yield
    }) : () -> ()
    %dma_start3A = arith.constant 0 : i32
    %dma_start3A_24 = arith.constant 0 : i32
    %dma_start3A_25 = tpu.memref_slice %arg6[%dma_start3A, %dma_start3A_24] : memref<160x128xi32, #tpu.memory_space<vmem>> -> memref<1x128xi32, #tpu.memory_space<vmem>>
    %dma_start3A_26 = tpu.memref_squeeze %dma_start3A_25 : memref<1x128xi32, #tpu.memory_space<vmem>> -> memref<128xi32, #tpu.memory_space<vmem>>
    %dma_start3A_27 = arith.constant 0 : i32
    %dma_start3A_28 = arith.constant 0 : i32
    %dma_start3A_29 = tpu.memref_slice %arg2[%arg0, %dma_start3A_27, %dma_start3A_28] : memref<2x10240x64xf32, #tpu.memory_space<hbm>> -> memref<1x10240x64xf32, #tpu.memory_space<hbm>>
    %dma_start3A_30 = tpu.memref_squeeze %dma_start3A_29 : memref<1x10240x64xf32, #tpu.memory_space<hbm>> -> memref<10240x64xf32, #tpu.memory_space<hbm>>
    %dma_start3A_31 = arith.constant 0 : i32
    %dma_start3A_32 = arith.constant 0 : i32
    %dma_start3A_33 = tpu.memref_slice %dma_start3A_30[%dma_start3A_31, %dma_start3A_32] : memref<10240x64xf32, #tpu.memory_space<hbm>> -> memref<10240x64xf32, #tpu.memory_space<hbm>>
    tpu.enqueue_indirect_dma source(%dma_start3A_33 : memref<10240x64xf32, #tpu.memory_space<hbm>>) target(%arg8 : memref<128x64xf32, #tpu.memory_space<vmem>>) offsets(%dma_start3A_26 : memref<128xi32, #tpu.memory_space<vmem>>) semaphore(%arg14 : memref<!tpu.dma_semaphore, #tpu.memory_space<semaphore_mem>>)
    %dma_start3A_34 = arith.constant 1 : i32
    %dma_start3A_35 = arith.constant 0 : i32
    %dma_start3A_36 = tpu.memref_slice %arg6[%dma_start3A_34, %dma_start3A_35] : memref<160x128xi32, #tpu.memory_space<vmem>> -> memref<1x128xi32, #tpu.memory_space<vmem>>
    %dma_start3A_37 = tpu.memref_squeeze %dma_start3A_36 : memref<1x128xi32, #tpu.memory_space<vmem>> -> memref<128xi32, #tpu.memory_space<vmem>>
    %dma_start3A_38 = arith.constant 0 : i32
    %dma_start3A_39 = arith.constant 0 : i32
    %dma_start3A_40 = tpu.memref_slice %arg2[%arg0, %dma_start3A_38, %dma_start3A_39] : memref<2x10240x64xf32, #tpu.memory_space<hbm>> -> memref<1x10240x64xf32, #tpu.memory_space<hbm>>
    %dma_start3A_41 = tpu.memref_squeeze %dma_start3A_40 : memref<1x10240x64xf32, #tpu.memory_space<hbm>> -> memref<10240x64xf32, #tpu.memory_space<hbm>>
    %dma_start3A_42 = arith.constant 0 : i32
    %dma_start3A_43 = arith.constant 0 : i32
    %dma_start3A_44 = tpu.memref_slice %dma_start3A_41[%dma_start3A_42, %dma_start3A_43] : memref<10240x64xf32, #tpu.memory_space<hbm>> -> memref<10240x64xf32, #tpu.memory_space<hbm>>
    tpu.enqueue_indirect_dma source(%dma_start3A_44 : memref<10240x64xf32, #tpu.memory_space<hbm>>) target(%arg9 : memref<128x64xf32, #tpu.memory_space<vmem>>) offsets(%dma_start3A_37 : memref<128xi32, #tpu.memory_space<vmem>>) semaphore(%arg15 : memref<!tpu.dma_semaphore, #tpu.memory_space<semaphore_mem>>)
    %dma_start3A_45 = arith.constant 2 : i32
    %dma_start3A_46 = arith.constant 0 : i32
    %dma_start3A_47 = tpu.memref_slice %arg6[%dma_start3A_45, %dma_start3A_46] : memref<160x128xi32, #tpu.memory_space<vmem>> -> memref<1x128xi32, #tpu.memory_space<vmem>>
    %dma_start3A_48 = tpu.memref_squeeze %dma_start3A_47 : memref<1x128xi32, #tpu.memory_space<vmem>> -> memref<128xi32, #tpu.memory_space<vmem>>
    %dma_start3A_49 = arith.constant 0 : i32
    %dma_start3A_50 = arith.constant 0 : i32
    %dma_start3A_51 = tpu.memref_slice %arg2[%arg0, %dma_start3A_49, %dma_start3A_50] : memref<2x10240x64xf32, #tpu.memory_space<hbm>> -> memref<1x10240x64xf32, #tpu.memory_space<hbm>>
    %dma_start3A_52 = tpu.memref_squeeze %dma_start3A_51 : memref<1x10240x64xf32, #tpu.memory_space<hbm>> -> memref<10240x64xf32, #tpu.memory_space<hbm>>
    %dma_start3A_53 = arith.constant 0 : i32
    %dma_start3A_54 = arith.constant 0 : i32
    %dma_start3A_55 = tpu.memref_slice %dma_start3A_52[%dma_start3A_53, %dma_start3A_54] : memref<10240x64xf32, #tpu.memory_space<hbm>> -> memref<10240x64xf32, #tpu.memory_space<hbm>>
    tpu.enqueue_indirect_dma source(%dma_start3A_55 : memref<10240x64xf32, #tpu.memory_space<hbm>>) target(%arg10 : memref<128x64xf32, #tpu.memory_space<vmem>>) offsets(%dma_start3A_48 : memref<128xi32, #tpu.memory_space<vmem>>) semaphore(%arg16 : memref<!tpu.dma_semaphore, #tpu.memory_space<semaphore_mem>>)
    %dma_start3A_56 = arith.constant 3 : i32
    %dma_start3A_57 = arith.constant 0 : i32
    %dma_start3A_58 = tpu.memref_slice %arg6[%dma_start3A_56, %dma_start3A_57] : memref<160x128xi32, #tpu.memory_space<vmem>> -> memref<1x128xi32, #tpu.memory_space<vmem>>
    %dma_start3A_59 = tpu.memref_squeeze %dma_start3A_58 : memref<1x128xi32, #tpu.memory_space<vmem>> -> memref<128xi32, #tpu.memory_space<vmem>>
    %dma_start3A_60 = arith.constant 0 : i32
    %dma_start3A_61 = arith.constant 0 : i32
    %dma_start3A_62 = tpu.memref_slice %arg2[%arg0, %dma_start3A_60, %dma_start3A_61] : memref<2x10240x64xf32, #tpu.memory_space<hbm>> -> memref<1x10240x64xf32, #tpu.memory_space<hbm>>
    %dma_start3A_63 = tpu.memref_squeeze %dma_start3A_62 : memref<1x10240x64xf32, #tpu.memory_space<hbm>> -> memref<10240x64xf32, #tpu.memory_space<hbm>>
    %dma_start3A_64 = arith.constant 0 : i32
    %dma_start3A_65 = arith.constant 0 : i32
    %dma_start3A_66 = tpu.memref_slice %dma_start3A_63[%dma_start3A_64, %dma_start3A_65] : memref<10240x64xf32, #tpu.memory_space<hbm>> -> memref<10240x64xf32, #tpu.memory_space<hbm>>
    tpu.enqueue_indirect_dma source(%dma_start3A_66 : memref<10240x64xf32, #tpu.memory_space<hbm>>) target(%arg11 : memref<128x64xf32, #tpu.memory_space<vmem>>) offsets(%dma_start3A_59 : memref<128xi32, #tpu.memory_space<vmem>>) semaphore(%arg17 : memref<!tpu.dma_semaphore, #tpu.memory_space<semaphore_mem>>)
    %scan3A_67 = arith.constant 0 : i32
    %scan3A_68 = arith.constant 0 : i32
    %scan3A_69 = arith.constant 40 : i32
    %scan3A_70 = arith.addi %scan3A_68, %scan3A_69 : i32
    %scan3A_71 = arith.constant 1 : i32
    %scan3A_72 = scf.for %scan3A_115 = %scan3A_68 to %scan3A_70 step %scan3A_71 iter_args(%scan3A_116 = %scan3A_67) -> (i32)  : i32 {
      %mul3A_117 = arith.constant 4 : i32
      %mul3A_118 = arith.muli %scan3A_115, %mul3A_117 : i32
      %add3A_119 = arith.constant 0 : i32
      %add3A_120 = arith.addi %mul3A_118, %add3A_119 : i32
      %dma_wait3A = arith.constant 0 : i32
      %dma_wait3A_121 = tpu.memref_slice %arg6[%add3A_120, %dma_wait3A] : memref<160x128xi32, #tpu.memory_space<vmem>> -> memref<1x128xi32, #tpu.memory_space<vmem>>
      %dma_wait3A_122 = tpu.memref_squeeze %dma_wait3A_121 : memref<1x128xi32, #tpu.memory_space<vmem>> -> memref<128xi32, #tpu.memory_space<vmem>>
      %dma_wait3A_123 = arith.constant 0 : i32
      %dma_wait3A_124 = arith.constant 0 : i32
      %dma_wait3A_125 = tpu.memref_slice %arg2[%arg0, %dma_wait3A_123, %dma_wait3A_124] : memref<2x10240x64xf32, #tpu.memory_space<hbm>> -> memref<1x10240x64xf32, #tpu.memory_space<hbm>>
      %dma_wait3A_126 = tpu.memref_squeeze %dma_wait3A_125 : memref<1x10240x64xf32, #tpu.memory_space<hbm>> -> memref<10240x64xf32, #tpu.memory_space<hbm>>
      %dma_wait3A_127 = arith.constant 0 : i32
      %dma_wait3A_128 = arith.constant 0 : i32
      %dma_wait3A_129 = tpu.memref_slice %dma_wait3A_126[%dma_wait3A_127, %dma_wait3A_128] : memref<10240x64xf32, #tpu.memory_space<hbm>> -> memref<10240x64xf32, #tpu.memory_space<hbm>>
      tpu.wait_indirect_dma semaphore(%arg14 : memref<!tpu.dma_semaphore, #tpu.memory_space<semaphore_mem>>) src(%dma_wait3A_129 : memref<10240x64xf32, #tpu.memory_space<hbm>>) dst(%arg8 : memref<128x64xf32, #tpu.memory_space<vmem>>)
      %dma_start3A_130 = arith.constant 0 : i32
      %dma_start3A_131 = tpu.memref_slice %arg7[%add3A_120, %dma_start3A_130] : memref<160x128xi32, #tpu.memory_space<vmem>> -> memref<1x128xi32, #tpu.memory_space<vmem>>
      %dma_start3A_132 = tpu.memref_squeeze %dma_start3A_131 : memref<1x128xi32, #tpu.memory_space<vmem>> -> memref<128xi32, #tpu.memory_space<vmem>>
      %dma_start3A_133 = arith.constant 0 : i32
      %dma_start3A_134 = arith.constant 0 : i32
      %dma_start3A_135 = tpu.memref_slice %arg13[%dma_start3A_133, %dma_start3A_134] : memref<10240x64xf32, #tpu.memory_space<vmem_shared>> -> memref<10240x64xf32, #tpu.memory_space<vmem_shared>>
      tpu.enqueue_indirect_dma source(%arg8 : memref<128x64xf32, #tpu.memory_space<vmem>>) target(%dma_start3A_135 : memref<10240x64xf32, #tpu.memory_space<vmem_shared>>) offsets(%dma_start3A_132 : memref<128xi32, #tpu.memory_space<vmem>>) semaphore(%arg18 : memref<!tpu.dma_semaphore, #tpu.memory_space<semaphore_mem>>) {add = true}
      %mul3A_136 = arith.constant 4 : i32
      %mul3A_137 = arith.muli %scan3A_115, %mul3A_136 : i32
      %add3A_138 = arith.constant 1 : i32
      %add3A_139 = arith.addi %mul3A_137, %add3A_138 : i32
      %dma_wait3A_140 = arith.constant 0 : i32
      %dma_wait3A_141 = tpu.memref_slice %arg6[%add3A_139, %dma_wait3A_140] : memref<160x128xi32, #tpu.memory_space<vmem>> -> memref<1x128xi32, #tpu.memory_space<vmem>>
      %dma_wait3A_142 = tpu.memref_squeeze %dma_wait3A_141 : memref<1x128xi32, #tpu.memory_space<vmem>> -> memref<128xi32, #tpu.memory_space<vmem>>
      %dma_wait3A_143 = arith.constant 0 : i32
      %dma_wait3A_144 = arith.constant 0 : i32
      %dma_wait3A_145 = tpu.memref_slice %arg2[%arg0, %dma_wait3A_143, %dma_wait3A_144] : memref<2x10240x64xf32, #tpu.memory_space<hbm>> -> memref<1x10240x64xf32, #tpu.memory_space<hbm>>
      %dma_wait3A_146 = tpu.memref_squeeze %dma_wait3A_145 : memref<1x10240x64xf32, #tpu.memory_space<hbm>> -> memref<10240x64xf32, #tpu.memory_space<hbm>>
      %dma_wait3A_147 = arith.constant 0 : i32
      %dma_wait3A_148 = arith.constant 0 : i32
      %dma_wait3A_149 = tpu.memref_slice %dma_wait3A_146[%dma_wait3A_147, %dma_wait3A_148] : memref<10240x64xf32, #tpu.memory_space<hbm>> -> memref<10240x64xf32, #tpu.memory_space<hbm>>
      tpu.wait_indirect_dma semaphore(%arg15 : memref<!tpu.dma_semaphore, #tpu.memory_space<semaphore_mem>>) src(%dma_wait3A_149 : memref<10240x64xf32, #tpu.memory_space<hbm>>) dst(%arg9 : memref<128x64xf32, #tpu.memory_space<vmem>>)
      %dma_start3A_150 = arith.constant 0 : i32
      %dma_start3A_151 = tpu.memref_slice %arg7[%add3A_139, %dma_start3A_150] : memref<160x128xi32, #tpu.memory_space<vmem>> -> memref<1x128xi32, #tpu.memory_space<vmem>>
      %dma_start3A_152 = tpu.memref_squeeze %dma_start3A_151 : memref<1x128xi32, #tpu.memory_space<vmem>> -> memref<128xi32, #tpu.memory_space<vmem>>
      %dma_start3A_153 = arith.constant 0 : i32
      %dma_start3A_154 = arith.constant 0 : i32
      %dma_start3A_155 = tpu.memref_slice %arg13[%dma_start3A_153, %dma_start3A_154] : memref<10240x64xf32, #tpu.memory_space<vmem_shared>> -> memref<10240x64xf32, #tpu.memory_space<vmem_shared>>
      tpu.enqueue_indirect_dma source(%arg9 : memref<128x64xf32, #tpu.memory_space<vmem>>) target(%dma_start3A_155 : memref<10240x64xf32, #tpu.memory_space<vmem_shared>>) offsets(%dma_start3A_152 : memref<128xi32, #tpu.memory_space<vmem>>) semaphore(%arg19 : memref<!tpu.dma_semaphore, #tpu.memory_space<semaphore_mem>>) {add = true}
      %mul3A_156 = arith.constant 4 : i32
      %mul3A_157 = arith.muli %scan3A_115, %mul3A_156 : i32
      %add3A_158 = arith.constant 2 : i32
      %add3A_159 = arith.addi %mul3A_157, %add3A_158 : i32
      %dma_wait3A_160 = arith.constant 0 : i32
      %dma_wait3A_161 = tpu.memref_slice %arg6[%add3A_159, %dma_wait3A_160] : memref<160x128xi32, #tpu.memory_space<vmem>> -> memref<1x128xi32, #tpu.memory_space<vmem>>
      %dma_wait3A_162 = tpu.memref_squeeze %dma_wait3A_161 : memref<1x128xi32, #tpu.memory_space<vmem>> -> memref<128xi32, #tpu.memory_space<vmem>>
      %dma_wait3A_163 = arith.constant 0 : i32
      %dma_wait3A_164 = arith.constant 0 : i32
      %dma_wait3A_165 = tpu.memref_slice %arg2[%arg0, %dma_wait3A_163, %dma_wait3A_164] : memref<2x10240x64xf32, #tpu.memory_space<hbm>> -> memref<1x10240x64xf32, #tpu.memory_space<hbm>>
      %dma_wait3A_166 = tpu.memref_squeeze %dma_wait3A_165 : memref<1x10240x64xf32, #tpu.memory_space<hbm>> -> memref<10240x64xf32, #tpu.memory_space<hbm>>
      %dma_wait3A_167 = arith.constant 0 : i32
      %dma_wait3A_168 = arith.constant 0 : i32
      %dma_wait3A_169 = tpu.memref_slice %dma_wait3A_166[%dma_wait3A_167, %dma_wait3A_168] : memref<10240x64xf32, #tpu.memory_space<hbm>> -> memref<10240x64xf32, #tpu.memory_space<hbm>>
      tpu.wait_indirect_dma semaphore(%arg16 : memref<!tpu.dma_semaphore, #tpu.memory_space<semaphore_mem>>) src(%dma_wait3A_169 : memref<10240x64xf32, #tpu.memory_space<hbm>>) dst(%arg10 : memref<128x64xf32, #tpu.memory_space<vmem>>)
      %dma_start3A_170 = arith.constant 0 : i32
      %dma_start3A_171 = tpu.memref_slice %arg7[%add3A_159, %dma_start3A_170] : memref<160x128xi32, #tpu.memory_space<vmem>> -> memref<1x128xi32, #tpu.memory_space<vmem>>
      %dma_start3A_172 = tpu.memref_squeeze %dma_start3A_171 : memref<1x128xi32, #tpu.memory_space<vmem>> -> memref<128xi32, #tpu.memory_space<vmem>>
      %dma_start3A_173 = arith.constant 0 : i32
      %dma_start3A_174 = arith.constant 0 : i32
      %dma_start3A_175 = tpu.memref_slice %arg13[%dma_start3A_173, %dma_start3A_174] : memref<10240x64xf32, #tpu.memory_space<vmem_shared>> -> memref<10240x64xf32, #tpu.memory_space<vmem_shared>>
      tpu.enqueue_indirect_dma source(%arg10 : memref<128x64xf32, #tpu.memory_space<vmem>>) target(%dma_start3A_175 : memref<10240x64xf32, #tpu.memory_space<vmem_shared>>) offsets(%dma_start3A_172 : memref<128xi32, #tpu.memory_space<vmem>>) semaphore(%arg20 : memref<!tpu.dma_semaphore, #tpu.memory_space<semaphore_mem>>) {add = true}
      %mul3A_176 = arith.constant 4 : i32
      %mul3A_177 = arith.muli %scan3A_115, %mul3A_176 : i32
      %add3A_178 = arith.constant 3 : i32
      %add3A_179 = arith.addi %mul3A_177, %add3A_178 : i32
      %dma_wait3A_180 = arith.constant 0 : i32
      %dma_wait3A_181 = tpu.memref_slice %arg6[%add3A_179, %dma_wait3A_180] : memref<160x128xi32, #tpu.memory_space<vmem>> -> memref<1x128xi32, #tpu.memory_space<vmem>>
      %dma_wait3A_182 = tpu.memref_squeeze %dma_wait3A_181 : memref<1x128xi32, #tpu.memory_space<vmem>> -> memref<128xi32, #tpu.memory_space<vmem>>
      %dma_wait3A_183 = arith.constant 0 : i32
      %dma_wait3A_184 = arith.constant 0 : i32
      %dma_wait3A_185 = tpu.memref_slice %arg2[%arg0, %dma_wait3A_183, %dma_wait3A_184] : memref<2x10240x64xf32, #tpu.memory_space<hbm>> -> memref<1x10240x64xf32, #tpu.memory_space<hbm>>
      %dma_wait3A_186 = tpu.memref_squeeze %dma_wait3A_185 : memref<1x10240x64xf32, #tpu.memory_space<hbm>> -> memref<10240x64xf32, #tpu.memory_space<hbm>>
      %dma_wait3A_187 = arith.constant 0 : i32
      %dma_wait3A_188 = arith.constant 0 : i32
      %dma_wait3A_189 = tpu.memref_slice %dma_wait3A_186[%dma_wait3A_187, %dma_wait3A_188] : memref<10240x64xf32, #tpu.memory_space<hbm>> -> memref<10240x64xf32, #tpu.memory_space<hbm>>
      tpu.wait_indirect_dma semaphore(%arg17 : memref<!tpu.dma_semaphore, #tpu.memory_space<semaphore_mem>>) src(%dma_wait3A_189 : memref<10240x64xf32, #tpu.memory_space<hbm>>) dst(%arg11 : memref<128x64xf32, #tpu.memory_space<vmem>>)
      %dma_start3A_190 = arith.constant 0 : i32
      %dma_start3A_191 = tpu.memref_slice %arg7[%add3A_179, %dma_start3A_190] : memref<160x128xi32, #tpu.memory_space<vmem>> -> memref<1x128xi32, #tpu.memory_space<vmem>>
      %dma_start3A_192 = tpu.memref_squeeze %dma_start3A_191 : memref<1x128xi32, #tpu.memory_space<vmem>> -> memref<128xi32, #tpu.memory_space<vmem>>
      %dma_start3A_193 = arith.constant 0 : i32
      %dma_start3A_194 = arith.constant 0 : i32
      %dma_start3A_195 = tpu.memref_slice %arg13[%dma_start3A_193, %dma_start3A_194] : memref<10240x64xf32, #tpu.memory_space<vmem_shared>> -> memref<10240x64xf32, #tpu.memory_space<vmem_shared>>
      tpu.enqueue_indirect_dma source(%arg11 : memref<128x64xf32, #tpu.memory_space<vmem>>) target(%dma_start3A_195 : memref<10240x64xf32, #tpu.memory_space<vmem_shared>>) offsets(%dma_start3A_192 : memref<128xi32, #tpu.memory_space<vmem>>) semaphore(%arg21 : memref<!tpu.dma_semaphore, #tpu.memory_space<semaphore_mem>>) {add = true}
      %mul3A_196 = arith.constant 4 : i32
      %mul3A_197 = arith.muli %scan3A_115, %mul3A_196 : i32
      %add3A_198 = arith.constant 0 : i32
      %add3A_199 = arith.addi %mul3A_197, %add3A_198 : i32
      %dma_wait3A_200 = arith.constant 0 : i32
      %dma_wait3A_201 = tpu.memref_slice %arg7[%add3A_199, %dma_wait3A_200] : memref<160x128xi32, #tpu.memory_space<vmem>> -> memref<1x128xi32, #tpu.memory_space<vmem>>
      %dma_wait3A_202 = tpu.memref_squeeze %dma_wait3A_201 : memref<1x128xi32, #tpu.memory_space<vmem>> -> memref<128xi32, #tpu.memory_space<vmem>>
      %dma_wait3A_203 = arith.constant 0 : i32
      %dma_wait3A_204 = arith.constant 0 : i32
      %dma_wait3A_205 = tpu.memref_slice %arg13[%dma_wait3A_203, %dma_wait3A_204] : memref<10240x64xf32, #tpu.memory_space<vmem_shared>> -> memref<10240x64xf32, #tpu.memory_space<vmem_shared>>
      tpu.wait_indirect_dma semaphore(%arg18 : memref<!tpu.dma_semaphore, #tpu.memory_space<semaphore_mem>>) src(%arg8 : memref<128x64xf32, #tpu.memory_space<vmem>>) dst(%dma_wait3A_205 : memref<10240x64xf32, #tpu.memory_space<vmem_shared>>)
      %add3A_206 = arith.constant 4 : i32
      %add3A_207 = arith.addi %add3A_199, %add3A_206 : i32
      %lt3A = arith.constant 160 : i32
      %lt3A_208 = arith.cmpi slt, %add3A_207, %lt3A : i32
      %convert_element_type3A = arith.extui %lt3A_208 : i1 to i32
      %cond3A = arith.constant 0 : i32
      %cond3A_209 = arith.cmpi ne, %convert_element_type3A, %cond3A : i32
      scf.if %cond3A_209 {
        %add3A_262 = arith.constant 4 : i32
        %add3A_263 = arith.addi %add3A_199, %add3A_262 : i32
        %dma_start3A_264 = arith.constant 0 : i32
        %dma_start3A_265 = tpu.memref_slice %arg6[%add3A_263, %dma_start3A_264] : memref<160x128xi32, #tpu.memory_space<vmem>> -> memref<1x128xi32, #tpu.memory_space<vmem>>
        %dma_start3A_266 = tpu.memref_squeeze %dma_start3A_265 : memref<1x128xi32, #tpu.memory_space<vmem>> -> memref<128xi32, #tpu.memory_space<vmem>>
        %dma_start3A_267 = arith.constant 0 : i32
        %dma_start3A_268 = arith.constant 0 : i32
        %dma_start3A_269 = tpu.memref_slice %arg2[%arg0, %dma_start3A_267, %dma_start3A_268] : memref<2x10240x64xf32, #tpu.memory_space<hbm>> -> memref<1x10240x64xf32, #tpu.memory_space<hbm>>
        %dma_start3A_270 = tpu.memref_squeeze %dma_start3A_269 : memref<1x10240x64xf32, #tpu.memory_space<hbm>> -> memref<10240x64xf32, #tpu.memory_space<hbm>>
        %dma_start3A_271 = arith.constant 0 : i32
        %dma_start3A_272 = arith.constant 0 : i32
        %dma_start3A_273 = tpu.memref_slice %dma_start3A_270[%dma_start3A_271, %dma_start3A_272] : memref<10240x64xf32, #tpu.memory_space<hbm>> -> memref<10240x64xf32, #tpu.memory_space<hbm>>
        tpu.enqueue_indirect_dma source(%dma_start3A_273 : memref<10240x64xf32, #tpu.memory_space<hbm>>) target(%arg8 : memref<128x64xf32, #tpu.memory_space<vmem>>) offsets(%dma_start3A_266 : memref<128xi32, #tpu.memory_space<vmem>>) semaphore(%arg14 : memref<!tpu.dma_semaphore, #tpu.memory_space<semaphore_mem>>)
      } else {
      }
      %mul3A_210 = arith.constant 4 : i32
      %mul3A_211 = arith.muli %scan3A_115, %mul3A_210 : i32
      %add3A_212 = arith.constant 1 : i32
      %add3A_213 = arith.addi %mul3A_211, %add3A_212 : i32
      %dma_wait3A_214 = arith.constant 0 : i32
      %dma_wait3A_215 = tpu.memref_slice %arg7[%add3A_213, %dma_wait3A_214] : memref<160x128xi32, #tpu.memory_space<vmem>> -> memref<1x128xi32, #tpu.memory_space<vmem>>
      %dma_wait3A_216 = tpu.memref_squeeze %dma_wait3A_215 : memref<1x128xi32, #tpu.memory_space<vmem>> -> memref<128xi32, #tpu.memory_space<vmem>>
      %dma_wait3A_217 = arith.constant 0 : i32
      %dma_wait3A_218 = arith.constant 0 : i32
      %dma_wait3A_219 = tpu.memref_slice %arg13[%dma_wait3A_217, %dma_wait3A_218] : memref<10240x64xf32, #tpu.memory_space<vmem_shared>> -> memref<10240x64xf32, #tpu.memory_space<vmem_shared>>
      tpu.wait_indirect_dma semaphore(%arg19 : memref<!tpu.dma_semaphore, #tpu.memory_space<semaphore_mem>>) src(%arg9 : memref<128x64xf32, #tpu.memory_space<vmem>>) dst(%dma_wait3A_219 : memref<10240x64xf32, #tpu.memory_space<vmem_shared>>)
      %add3A_220 = arith.constant 4 : i32
      %add3A_221 = arith.addi %add3A_213, %add3A_220 : i32
      %lt3A_222 = arith.constant 160 : i32
      %lt3A_223 = arith.cmpi slt, %add3A_221, %lt3A_222 : i32
      %convert_element_type3A_224 = arith.extui %lt3A_223 : i1 to i32
      %cond3A_225 = arith.constant 0 : i32
      %cond3A_226 = arith.cmpi ne, %convert_element_type3A_224, %cond3A_225 : i32
      scf.if %cond3A_226 {
        %add3A_262 = arith.constant 4 : i32
        %add3A_263 = arith.addi %add3A_213, %add3A_262 : i32
        %dma_start3A_264 = arith.constant 0 : i32
        %dma_start3A_265 = tpu.memref_slice %arg6[%add3A_263, %dma_start3A_264] : memref<160x128xi32, #tpu.memory_space<vmem>> -> memref<1x128xi32, #tpu.memory_space<vmem>>
        %dma_start3A_266 = tpu.memref_squeeze %dma_start3A_265 : memref<1x128xi32, #tpu.memory_space<vmem>> -> memref<128xi32, #tpu.memory_space<vmem>>
        %dma_start3A_267 = arith.constant 0 : i32
        %dma_start3A_268 = arith.constant 0 : i32
        %dma_start3A_269 = tpu.memref_slice %arg2[%arg0, %dma_start3A_267, %dma_start3A_268] : memref<2x10240x64xf32, #tpu.memory_space<hbm>> -> memref<1x10240x64xf32, #tpu.memory_space<hbm>>
        %dma_start3A_270 = tpu.memref_squeeze %dma_start3A_269 : memref<1x10240x64xf32, #tpu.memory_space<hbm>> -> memref<10240x64xf32, #tpu.memory_space<hbm>>
        %dma_start3A_271 = arith.constant 0 : i32
        %dma_start3A_272 = arith.constant 0 : i32
        %dma_start3A_273 = tpu.memref_slice %dma_start3A_270[%dma_start3A_271, %dma_start3A_272] : memref<10240x64xf32, #tpu.memory_space<hbm>> -> memref<10240x64xf32, #tpu.memory_space<hbm>>
        tpu.enqueue_indirect_dma source(%dma_start3A_273 : memref<10240x64xf32, #tpu.memory_space<hbm>>) target(%arg9 : memref<128x64xf32, #tpu.memory_space<vmem>>) offsets(%dma_start3A_266 : memref<128xi32, #tpu.memory_space<vmem>>) semaphore(%arg15 : memref<!tpu.dma_semaphore, #tpu.memory_space<semaphore_mem>>)
      } else {
      }
      %mul3A_227 = arith.constant 4 : i32
      %mul3A_228 = arith.muli %scan3A_115, %mul3A_227 : i32
      %add3A_229 = arith.constant 2 : i32
      %add3A_230 = arith.addi %mul3A_228, %add3A_229 : i32
      %dma_wait3A_231 = arith.constant 0 : i32
      %dma_wait3A_232 = tpu.memref_slice %arg7[%add3A_230, %dma_wait3A_231] : memref<160x128xi32, #tpu.memory_space<vmem>> -> memref<1x128xi32, #tpu.memory_space<vmem>>
      %dma_wait3A_233 = tpu.memref_squeeze %dma_wait3A_232 : memref<1x128xi32, #tpu.memory_space<vmem>> -> memref<128xi32, #tpu.memory_space<vmem>>
      %dma_wait3A_234 = arith.constant 0 : i32
      %dma_wait3A_235 = arith.constant 0 : i32
      %dma_wait3A_236 = tpu.memref_slice %arg13[%dma_wait3A_234, %dma_wait3A_235] : memref<10240x64xf32, #tpu.memory_space<vmem_shared>> -> memref<10240x64xf32, #tpu.memory_space<vmem_shared>>
      tpu.wait_indirect_dma semaphore(%arg20 : memref<!tpu.dma_semaphore, #tpu.memory_space<semaphore_mem>>) src(%arg10 : memref<128x64xf32, #tpu.memory_space<vmem>>) dst(%dma_wait3A_236 : memref<10240x64xf32, #tpu.memory_space<vmem_shared>>)
      %add3A_237 = arith.constant 4 : i32
      %add3A_238 = arith.addi %add3A_230, %add3A_237 : i32
      %lt3A_239 = arith.constant 160 : i32
      %lt3A_240 = arith.cmpi slt, %add3A_238, %lt3A_239 : i32
      %convert_element_type3A_241 = arith.extui %lt3A_240 : i1 to i32
      %cond3A_242 = arith.constant 0 : i32
      %cond3A_243 = arith.cmpi ne, %convert_element_type3A_241, %cond3A_242 : i32
      scf.if %cond3A_243 {
        %add3A_262 = arith.constant 4 : i32
        %add3A_263 = arith.addi %add3A_230, %add3A_262 : i32
        %dma_start3A_264 = arith.constant 0 : i32
        %dma_start3A_265 = tpu.memref_slice %arg6[%add3A_263, %dma_start3A_264] : memref<160x128xi32, #tpu.memory_space<vmem>> -> memref<1x128xi32, #tpu.memory_space<vmem>>
        %dma_start3A_266 = tpu.memref_squeeze %dma_start3A_265 : memref<1x128xi32, #tpu.memory_space<vmem>> -> memref<128xi32, #tpu.memory_space<vmem>>
        %dma_start3A_267 = arith.constant 0 : i32
        %dma_start3A_268 = arith.constant 0 : i32
        %dma_start3A_269 = tpu.memref_slice %arg2[%arg0, %dma_start3A_267, %dma_start3A_268] : memref<2x10240x64xf32, #tpu.memory_space<hbm>> -> memref<1x10240x64xf32, #tpu.memory_space<hbm>>
        %dma_start3A_270 = tpu.memref_squeeze %dma_start3A_269 : memref<1x10240x64xf32, #tpu.memory_space<hbm>> -> memref<10240x64xf32, #tpu.memory_space<hbm>>
        %dma_start3A_271 = arith.constant 0 : i32
        %dma_start3A_272 = arith.constant 0 : i32
        %dma_start3A_273 = tpu.memref_slice %dma_start3A_270[%dma_start3A_271, %dma_start3A_272] : memref<10240x64xf32, #tpu.memory_space<hbm>> -> memref<10240x64xf32, #tpu.memory_space<hbm>>
        tpu.enqueue_indirect_dma source(%dma_start3A_273 : memref<10240x64xf32, #tpu.memory_space<hbm>>) target(%arg10 : memref<128x64xf32, #tpu.memory_space<vmem>>) offsets(%dma_start3A_266 : memref<128xi32, #tpu.memory_space<vmem>>) semaphore(%arg16 : memref<!tpu.dma_semaphore, #tpu.memory_space<semaphore_mem>>)
      } else {
      }
      %mul3A_244 = arith.constant 4 : i32
      %mul3A_245 = arith.muli %scan3A_115, %mul3A_244 : i32
      %add3A_246 = arith.constant 3 : i32
      %add3A_247 = arith.addi %mul3A_245, %add3A_246 : i32
      %dma_wait3A_248 = arith.constant 0 : i32
      %dma_wait3A_249 = tpu.memref_slice %arg7[%add3A_247, %dma_wait3A_248] : memref<160x128xi32, #tpu.memory_space<vmem>> -> memref<1x128xi32, #tpu.memory_space<vmem>>
      %dma_wait3A_250 = tpu.memref_squeeze %dma_wait3A_249 : memref<1x128xi32, #tpu.memory_space<vmem>> -> memref<128xi32, #tpu.memory_space<vmem>>
      %dma_wait3A_251 = arith.constant 0 : i32
      %dma_wait3A_252 = arith.constant 0 : i32
      %dma_wait3A_253 = tpu.memref_slice %arg13[%dma_wait3A_251, %dma_wait3A_252] : memref<10240x64xf32, #tpu.memory_space<vmem_shared>> -> memref<10240x64xf32, #tpu.memory_space<vmem_shared>>
      tpu.wait_indirect_dma semaphore(%arg21 : memref<!tpu.dma_semaphore, #tpu.memory_space<semaphore_mem>>) src(%arg11 : memref<128x64xf32, #tpu.memory_space<vmem>>) dst(%dma_wait3A_253 : memref<10240x64xf32, #tpu.memory_space<vmem_shared>>)
      %add3A_254 = arith.constant 4 : i32
      %add3A_255 = arith.addi %add3A_247, %add3A_254 : i32
      %lt3A_256 = arith.constant 160 : i32
      %lt3A_257 = arith.cmpi slt, %add3A_255, %lt3A_256 : i32
      %convert_element_type3A_258 = arith.extui %lt3A_257 : i1 to i32
      %cond3A_259 = arith.constant 0 : i32
      %cond3A_260 = arith.cmpi ne, %convert_element_type3A_258, %cond3A_259 : i32
      scf.if %cond3A_260 {
        %add3A_262 = arith.constant 4 : i32
        %add3A_263 = arith.addi %add3A_247, %add3A_262 : i32
        %dma_start3A_264 = arith.constant 0 : i32
        %dma_start3A_265 = tpu.memref_slice %arg6[%add3A_263, %dma_start3A_264] : memref<160x128xi32, #tpu.memory_space<vmem>> -> memref<1x128xi32, #tpu.memory_space<vmem>>
        %dma_start3A_266 = tpu.memref_squeeze %dma_start3A_265 : memref<1x128xi32, #tpu.memory_space<vmem>> -> memref<128xi32, #tpu.memory_space<vmem>>
        %dma_start3A_267 = arith.constant 0 : i32
        %dma_start3A_268 = arith.constant 0 : i32
        %dma_start3A_269 = tpu.memref_slice %arg2[%arg0, %dma_start3A_267, %dma_start3A_268] : memref<2x10240x64xf32, #tpu.memory_space<hbm>> -> memref<1x10240x64xf32, #tpu.memory_space<hbm>>
        %dma_start3A_270 = tpu.memref_squeeze %dma_start3A_269 : memref<1x10240x64xf32, #tpu.memory_space<hbm>> -> memref<10240x64xf32, #tpu.memory_space<hbm>>
        %dma_start3A_271 = arith.constant 0 : i32
        %dma_start3A_272 = arith.constant 0 : i32
        %dma_start3A_273 = tpu.memref_slice %dma_start3A_270[%dma_start3A_271, %dma_start3A_272] : memref<10240x64xf32, #tpu.memory_space<hbm>> -> memref<10240x64xf32, #tpu.memory_space<hbm>>
        tpu.enqueue_indirect_dma source(%dma_start3A_273 : memref<10240x64xf32, #tpu.memory_space<hbm>>) target(%arg11 : memref<128x64xf32, #tpu.memory_space<vmem>>) offsets(%dma_start3A_266 : memref<128xi32, #tpu.memory_space<vmem>>) semaphore(%arg17 : memref<!tpu.dma_semaphore, #tpu.memory_space<semaphore_mem>>)
      } else {
      }
      %scan3A_261 = arith.constant 0 : i32
      scf.yield %scan3A_261 : i32
    }
    %scan3A_73 = arith.constant 40 : i32
    %barrier3A_74 = arith.constant 0 : index
    tpu.barrier barrier_id(%barrier3A_74)
    %mul3A_75 = arith.constant 640 : i32
    %mul3A_76 = arith.muli %arg1, %mul3A_75 : i32
    %add3A_77 = arith.constant 0 : i32
    %add3A_78 = arith.addi %mul3A_76, %add3A_77 : i32
    "tpu.region"() ({
      %run_scoped3A = tpu.sem_alloc : memref<!tpu.dma_semaphore, #tpu.memory_space<semaphore_mem>>
      %dma_start3A_115 = arith.constant 0 : i32
      %dma_start3A_116 = tpu.memref_slice %arg13[%add3A_78, %dma_start3A_115] : memref<10240x64xf32, #tpu.memory_space<vmem_shared>> -> memref<128x64xf32, #tpu.memory_space<vmem_shared>>
      %dma_start3A_117 = arith.constant 0 : i32
      %dma_start3A_118 = tpu.memref_slice %arg13[%add3A_78, %dma_start3A_117] : memref<10240x64xf32, #tpu.memory_space<vmem_shared>> -> memref<128x64xf32, #tpu.memory_space<vmem_shared>>
      tpu.enqueue_dma source(%dma_start3A_118 : memref<128x64xf32, #tpu.memory_space<vmem_shared>>) target(%arg12 : memref<128x64xf32, #tpu.memory_space<vmem>>) target_semaphore(%run_scoped3A : memref<!tpu.dma_semaphore, #tpu.memory_space<semaphore_mem>>)
      %dma_wait3A = arith.constant 0 : i32
      %dma_wait3A_119 = tpu.memref_slice %arg13[%add3A_78, %dma_wait3A] : memref<10240x64xf32, #tpu.memory_space<vmem_shared>> -> memref<128x64xf32, #tpu.memory_space<vmem_shared>>
      %dma_wait3A_120 = arith.constant 0 : i32
      %dma_wait3A_121 = tpu.memref_slice %arg13[%add3A_78, %dma_wait3A_120] : memref<10240x64xf32, #tpu.memory_space<vmem_shared>> -> memref<128x64xf32, #tpu.memory_space<vmem_shared>>
      tpu.wait_dma2 semaphore(%run_scoped3A : memref<!tpu.dma_semaphore, #tpu.memory_space<semaphore_mem>>) src(%dma_wait3A_121 : memref<128x64xf32, #tpu.memory_space<vmem_shared>>) dst(%arg12 : memref<128x64xf32, #tpu.memory_space<vmem>>)
      tpu.yield
    }) : () -> ()
    %mul3A_79 = arith.constant 640 : i32
    %mul3A_80 = arith.muli %arg1, %mul3A_79 : i32
    %add3A_81 = arith.constant 0 : i32
    %add3A_82 = arith.addi %mul3A_80, %add3A_81 : i32
    "tpu.region"() ({
      %run_scoped3A = tpu.sem_alloc : memref<!tpu.dma_semaphore, #tpu.memory_space<semaphore_mem>>
      %dma_start3A_115 = arith.constant 0 : i32
      %dma_start3A_116 = tpu.memref_slice %arg5[%arg0, %add3A_82, %dma_start3A_115] : memref<2x10240x64xf32, #tpu.memory_space<hbm>> -> memref<1x128x64xf32, #tpu.memory_space<hbm>>
      %dma_start3A_117 = tpu.memref_squeeze %dma_start3A_116 : memref<1x128x64xf32, #tpu.memory_space<hbm>> -> memref<128x64xf32, #tpu.memory_space<hbm>>
      %dma_start3A_118 = arith.constant 0 : i32
      %dma_start3A_119 = tpu.memref_slice %arg5[%arg0, %add3A_82, %dma_start3A_118] : memref<2x10240x64xf32, #tpu.memory_space<hbm>> -> memref<1x128x64xf32, #tpu.memory_space<hbm>>
      %dma_start3A_120 = tpu.memref_squeeze %dma_start3A_119 : memref<1x128x64xf32, #tpu.memory_space<hbm>> -> memref<128x64xf32, #tpu.memory_space<hbm>>
      tpu.enqueue_dma source(%arg12 : memref<128x64xf32, #tpu.memory_space<vmem>>) target(%dma_start3A_120 : memref<128x64xf32, #tpu.memory_space<hbm>>) target_semaphore(%run_scoped3A : memref<!tpu.dma_semaphore, #tpu.memory_space<semaphore_mem>>)
      %dma_wait3A = arith.constant 0 : i32
      %dma_wait3A_121 = tpu.memref_slice %arg5[%arg0, %add3A_82, %dma_wait3A] : memref<2x10240x64xf32, #tpu.memory_space<hbm>> -> memref<1x128x64xf32, #tpu.memory_space<hbm>>
      %dma_wait3A_122 = tpu.memref_squeeze %dma_wait3A_121 : memref<1x128x64xf32, #tpu.memory_space<hbm>> -> memref<128x64xf32, #tpu.memory_space<hbm>>
      %dma_wait3A_123 = arith.constant 0 : i32
      %dma_wait3A_124 = tpu.memref_slice %arg5[%arg0, %add3A_82, %dma_wait3A_123] : memref<2x10240x64xf32, #tpu.memory_space<hbm>> -> memref<1x128x64xf32, #tpu.memory_space<hbm>>
      %dma_wait3A_125 = tpu.memref_squeeze %dma_wait3A_124 : memref<1x128x64xf32, #tpu.memory_space<hbm>> -> memref<128x64xf32, #tpu.memory_space<hbm>>
      tpu.wait_dma2 semaphore(%run_scoped3A : memref<!tpu.dma_semaphore, #tpu.memory_space<semaphore_mem>>) src(%arg12 : memref<128x64xf32, #tpu.memory_space<vmem>>) dst(%dma_wait3A_125 : memref<128x64xf32, #tpu.memory_space<hbm>>)
      tpu.yield
    }) : () -> ()
    %mul3A_83 = arith.constant 640 : i32
    %mul3A_84 = arith.muli %arg1, %mul3A_83 : i32
    %add3A_85 = arith.constant 128 : i32
    %add3A_86 = arith.addi %mul3A_84, %add3A_85 : i32
    "tpu.region"() ({
      %run_scoped3A = tpu.sem_alloc : memref<!tpu.dma_semaphore, #tpu.memory_space<semaphore_mem>>
      %dma_start3A_115 = arith.constant 0 : i32
      %dma_start3A_116 = tpu.memref_slice %arg13[%add3A_86, %dma_start3A_115] : memref<10240x64xf32, #tpu.memory_space<vmem_shared>> -> memref<128x64xf32, #tpu.memory_space<vmem_shared>>
      %dma_start3A_117 = arith.constant 0 : i32
      %dma_start3A_118 = tpu.memref_slice %arg13[%add3A_86, %dma_start3A_117] : memref<10240x64xf32, #tpu.memory_space<vmem_shared>> -> memref<128x64xf32, #tpu.memory_space<vmem_shared>>
      tpu.enqueue_dma source(%dma_start3A_118 : memref<128x64xf32, #tpu.memory_space<vmem_shared>>) target(%arg12 : memref<128x64xf32, #tpu.memory_space<vmem>>) target_semaphore(%run_scoped3A : memref<!tpu.dma_semaphore, #tpu.memory_space<semaphore_mem>>)
      %dma_wait3A = arith.constant 0 : i32
      %dma_wait3A_119 = tpu.memref_slice %arg13[%add3A_86, %dma_wait3A] : memref<10240x64xf32, #tpu.memory_space<vmem_shared>> -> memref<128x64xf32, #tpu.memory_space<vmem_shared>>
      %dma_wait3A_120 = arith.constant 0 : i32
      %dma_wait3A_121 = tpu.memref_slice %arg13[%add3A_86, %dma_wait3A_120] : memref<10240x64xf32, #tpu.memory_space<vmem_shared>> -> memref<128x64xf32, #tpu.memory_space<vmem_shared>>
      tpu.wait_dma2 semaphore(%run_scoped3A : memref<!tpu.dma_semaphore, #tpu.memory_space<semaphore_mem>>) src(%dma_wait3A_121 : memref<128x64xf32, #tpu.memory_space<vmem_shared>>) dst(%arg12 : memref<128x64xf32, #tpu.memory_space<vmem>>)
      tpu.yield
    }) : () -> ()
    %mul3A_87 = arith.constant 640 : i32
    %mul3A_88 = arith.muli %arg1, %mul3A_87 : i32
    %add3A_89 = arith.constant 128 : i32
    %add3A_90 = arith.addi %mul3A_88, %add3A_89 : i32
    "tpu.region"() ({
      %run_scoped3A = tpu.sem_alloc : memref<!tpu.dma_semaphore, #tpu.memory_space<semaphore_mem>>
      %dma_start3A_115 = arith.constant 0 : i32
      %dma_start3A_116 = tpu.memref_slice %arg5[%arg0, %add3A_90, %dma_start3A_115] : memref<2x10240x64xf32, #tpu.memory_space<hbm>> -> memref<1x128x64xf32, #tpu.memory_space<hbm>>
      %dma_start3A_117 = tpu.memref_squeeze %dma_start3A_116 : memref<1x128x64xf32, #tpu.memory_space<hbm>> -> memref<128x64xf32, #tpu.memory_space<hbm>>
      %dma_start3A_118 = arith.constant 0 : i32
      %dma_start3A_119 = tpu.memref_slice %arg5[%arg0, %add3A_90, %dma_start3A_118] : memref<2x10240x64xf32, #tpu.memory_space<hbm>> -> memref<1x128x64xf32, #tpu.memory_space<hbm>>
      %dma_start3A_120 = tpu.memref_squeeze %dma_start3A_119 : memref<1x128x64xf32, #tpu.memory_space<hbm>> -> memref<128x64xf32, #tpu.memory_space<hbm>>
      tpu.enqueue_dma source(%arg12 : memref<128x64xf32, #tpu.memory_space<vmem>>) target(%dma_start3A_120 : memref<128x64xf32, #tpu.memory_space<hbm>>) target_semaphore(%run_scoped3A : memref<!tpu.dma_semaphore, #tpu.memory_space<semaphore_mem>>)
      %dma_wait3A = arith.constant 0 : i32
      %dma_wait3A_121 = tpu.memref_slice %arg5[%arg0, %add3A_90, %dma_wait3A] : memref<2x10240x64xf32, #tpu.memory_space<hbm>> -> memref<1x128x64xf32, #tpu.memory_space<hbm>>
      %dma_wait3A_122 = tpu.memref_squeeze %dma_wait3A_121 : memref<1x128x64xf32, #tpu.memory_space<hbm>> -> memref<128x64xf32, #tpu.memory_space<hbm>>
      %dma_wait3A_123 = arith.constant 0 : i32
      %dma_wait3A_124 = tpu.memref_slice %arg5[%arg0, %add3A_90, %dma_wait3A_123] : memref<2x10240x64xf32, #tpu.memory_space<hbm>> -> memref<1x128x64xf32, #tpu.memory_space<hbm>>
      %dma_wait3A_125 = tpu.memref_squeeze %dma_wait3A_124 : memref<1x128x64xf32, #tpu.memory_space<hbm>> -> memref<128x64xf32, #tpu.memory_space<hbm>>
      tpu.wait_dma2 semaphore(%run_scoped3A : memref<!tpu.dma_semaphore, #tpu.memory_space<semaphore_mem>>) src(%arg12 : memref<128x64xf32, #tpu.memory_space<vmem>>) dst(%dma_wait3A_125 : memref<128x64xf32, #tpu.memory_space<hbm>>)
      tpu.yield
    }) : () -> ()
    %mul3A_91 = arith.constant 640 : i32
    %mul3A_92 = arith.muli %arg1, %mul3A_91 : i32
    %add3A_93 = arith.constant 256 : i32
    %add3A_94 = arith.addi %mul3A_92, %add3A_93 : i32
    "tpu.region"() ({
      %run_scoped3A = tpu.sem_alloc : memref<!tpu.dma_semaphore, #tpu.memory_space<semaphore_mem>>
      %dma_start3A_115 = arith.constant 0 : i32
      %dma_start3A_116 = tpu.memref_slice %arg13[%add3A_94, %dma_start3A_115] : memref<10240x64xf32, #tpu.memory_space<vmem_shared>> -> memref<128x64xf32, #tpu.memory_space<vmem_shared>>
      %dma_start3A_117 = arith.constant 0 : i32
      %dma_start3A_118 = tpu.memref_slice %arg13[%add3A_94, %dma_start3A_117] : memref<10240x64xf32, #tpu.memory_space<vmem_shared>> -> memref<128x64xf32, #tpu.memory_space<vmem_shared>>
      tpu.enqueue_dma source(%dma_start3A_118 : memref<128x64xf32, #tpu.memory_space<vmem_shared>>) target(%arg12 : memref<128x64xf32, #tpu.memory_space<vmem>>) target_semaphore(%run_scoped3A : memref<!tpu.dma_semaphore, #tpu.memory_space<semaphore_mem>>)
      %dma_wait3A = arith.constant 0 : i32
      %dma_wait3A_119 = tpu.memref_slice %arg13[%add3A_94, %dma_wait3A] : memref<10240x64xf32, #tpu.memory_space<vmem_shared>> -> memref<128x64xf32, #tpu.memory_space<vmem_shared>>
      %dma_wait3A_120 = arith.constant 0 : i32
      %dma_wait3A_121 = tpu.memref_slice %arg13[%add3A_94, %dma_wait3A_120] : memref<10240x64xf32, #tpu.memory_space<vmem_shared>> -> memref<128x64xf32, #tpu.memory_space<vmem_shared>>
      tpu.wait_dma2 semaphore(%run_scoped3A : memref<!tpu.dma_semaphore, #tpu.memory_space<semaphore_mem>>) src(%dma_wait3A_121 : memref<128x64xf32, #tpu.memory_space<vmem_shared>>) dst(%arg12 : memref<128x64xf32, #tpu.memory_space<vmem>>)
      tpu.yield
    }) : () -> ()
    %mul3A_95 = arith.constant 640 : i32
    %mul3A_96 = arith.muli %arg1, %mul3A_95 : i32
    %add3A_97 = arith.constant 256 : i32
    %add3A_98 = arith.addi %mul3A_96, %add3A_97 : i32
    "tpu.region"() ({
      %run_scoped3A = tpu.sem_alloc : memref<!tpu.dma_semaphore, #tpu.memory_space<semaphore_mem>>
      %dma_start3A_115 = arith.constant 0 : i32
      %dma_start3A_116 = tpu.memref_slice %arg5[%arg0, %add3A_98, %dma_start3A_115] : memref<2x10240x64xf32, #tpu.memory_space<hbm>> -> memref<1x128x64xf32, #tpu.memory_space<hbm>>
      %dma_start3A_117 = tpu.memref_squeeze %dma_start3A_116 : memref<1x128x64xf32, #tpu.memory_space<hbm>> -> memref<128x64xf32, #tpu.memory_space<hbm>>
      %dma_start3A_118 = arith.constant 0 : i32
      %dma_start3A_119 = tpu.memref_slice %arg5[%arg0, %add3A_98, %dma_start3A_118] : memref<2x10240x64xf32, #tpu.memory_space<hbm>> -> memref<1x128x64xf32, #tpu.memory_space<hbm>>
      %dma_start3A_120 = tpu.memref_squeeze %dma_start3A_119 : memref<1x128x64xf32, #tpu.memory_space<hbm>> -> memref<128x64xf32, #tpu.memory_space<hbm>>
      tpu.enqueue_dma source(%arg12 : memref<128x64xf32, #tpu.memory_space<vmem>>) target(%dma_start3A_120 : memref<128x64xf32, #tpu.memory_space<hbm>>) target_semaphore(%run_scoped3A : memref<!tpu.dma_semaphore, #tpu.memory_space<semaphore_mem>>)
      %dma_wait3A = arith.constant 0 : i32
      %dma_wait3A_121 = tpu.memref_slice %arg5[%arg0, %add3A_98, %dma_wait3A] : memref<2x10240x64xf32, #tpu.memory_space<hbm>> -> memref<1x128x64xf32, #tpu.memory_space<hbm>>
      %dma_wait3A_122 = tpu.memref_squeeze %dma_wait3A_121 : memref<1x128x64xf32, #tpu.memory_space<hbm>> -> memref<128x64xf32, #tpu.memory_space<hbm>>
      %dma_wait3A_123 = arith.constant 0 : i32
      %dma_wait3A_124 = tpu.memref_slice %arg5[%arg0, %add3A_98, %dma_wait3A_123] : memref<2x10240x64xf32, #tpu.memory_space<hbm>> -> memref<1x128x64xf32, #tpu.memory_space<hbm>>
      %dma_wait3A_125 = tpu.memref_squeeze %dma_wait3A_124 : memref<1x128x64xf32, #tpu.memory_space<hbm>> -> memref<128x64xf32, #tpu.memory_space<hbm>>
      tpu.wait_dma2 semaphore(%run_scoped3A : memref<!tpu.dma_semaphore, #tpu.memory_space<semaphore_mem>>) src(%arg12 : memref<128x64xf32, #tpu.memory_space<vmem>>) dst(%dma_wait3A_125 : memref<128x64xf32, #tpu.memory_space<hbm>>)
      tpu.yield
    }) : () -> ()
    %mul3A_99 = arith.constant 640 : i32
    %mul3A_100 = arith.muli %arg1, %mul3A_99 : i32
    %add3A_101 = arith.constant 384 : i32
    %add3A_102 = arith.addi %mul3A_100, %add3A_101 : i32
    "tpu.region"() ({
      %run_scoped3A = tpu.sem_alloc : memref<!tpu.dma_semaphore, #tpu.memory_space<semaphore_mem>>
      %dma_start3A_115 = arith.constant 0 : i32
      %dma_start3A_116 = tpu.memref_slice %arg13[%add3A_102, %dma_start3A_115] : memref<10240x64xf32, #tpu.memory_space<vmem_shared>> -> memref<128x64xf32, #tpu.memory_space<vmem_shared>>
      %dma_start3A_117 = arith.constant 0 : i32
      %dma_start3A_118 = tpu.memref_slice %arg13[%add3A_102, %dma_start3A_117] : memref<10240x64xf32, #tpu.memory_space<vmem_shared>> -> memref<128x64xf32, #tpu.memory_space<vmem_shared>>
      tpu.enqueue_dma source(%dma_start3A_118 : memref<128x64xf32, #tpu.memory_space<vmem_shared>>) target(%arg12 : memref<128x64xf32, #tpu.memory_space<vmem>>) target_semaphore(%run_scoped3A : memref<!tpu.dma_semaphore, #tpu.memory_space<semaphore_mem>>)
      %dma_wait3A = arith.constant 0 : i32
      %dma_wait3A_119 = tpu.memref_slice %arg13[%add3A_102, %dma_wait3A] : memref<10240x64xf32, #tpu.memory_space<vmem_shared>> -> memref<128x64xf32, #tpu.memory_space<vmem_shared>>
      %dma_wait3A_120 = arith.constant 0 : i32
      %dma_wait3A_121 = tpu.memref_slice %arg13[%add3A_102, %dma_wait3A_120] : memref<10240x64xf32, #tpu.memory_space<vmem_shared>> -> memref<128x64xf32, #tpu.memory_space<vmem_shared>>
      tpu.wait_dma2 semaphore(%run_scoped3A : memref<!tpu.dma_semaphore, #tpu.memory_space<semaphore_mem>>) src(%dma_wait3A_121 : memref<128x64xf32, #tpu.memory_space<vmem_shared>>) dst(%arg12 : memref<128x64xf32, #tpu.memory_space<vmem>>)
      tpu.yield
    }) : () -> ()
    %mul3A_103 = arith.constant 640 : i32
    %mul3A_104 = arith.muli %arg1, %mul3A_103 : i32
    %add3A_105 = arith.constant 384 : i32
    %add3A_106 = arith.addi %mul3A_104, %add3A_105 : i32
    "tpu.region"() ({
      %run_scoped3A = tpu.sem_alloc : memref<!tpu.dma_semaphore, #tpu.memory_space<semaphore_mem>>
      %dma_start3A_115 = arith.constant 0 : i32
      %dma_start3A_116 = tpu.memref_slice %arg5[%arg0, %add3A_106, %dma_start3A_115] : memref<2x10240x64xf32, #tpu.memory_space<hbm>> -> memref<1x128x64xf32, #tpu.memory_space<hbm>>
      %dma_start3A_117 = tpu.memref_squeeze %dma_start3A_116 : memref<1x128x64xf32, #tpu.memory_space<hbm>> -> memref<128x64xf32, #tpu.memory_space<hbm>>
      %dma_start3A_118 = arith.constant 0 : i32
      %dma_start3A_119 = tpu.memref_slice %arg5[%arg0, %add3A_106, %dma_start3A_118] : memref<2x10240x64xf32, #tpu.memory_space<hbm>> -> memref<1x128x64xf32, #tpu.memory_space<hbm>>
      %dma_start3A_120 = tpu.memref_squeeze %dma_start3A_119 : memref<1x128x64xf32, #tpu.memory_space<hbm>> -> memref<128x64xf32, #tpu.memory_space<hbm>>
      tpu.enqueue_dma source(%arg12 : memref<128x64xf32, #tpu.memory_space<vmem>>) target(%dma_start3A_120 : memref<128x64xf32, #tpu.memory_space<hbm>>) target_semaphore(%run_scoped3A : memref<!tpu.dma_semaphore, #tpu.memory_space<semaphore_mem>>)
      %dma_wait3A = arith.constant 0 : i32
      %dma_wait3A_121 = tpu.memref_slice %arg5[%arg0, %add3A_106, %dma_wait3A] : memref<2x10240x64xf32, #tpu.memory_space<hbm>> -> memref<1x128x64xf32, #tpu.memory_space<hbm>>
      %dma_wait3A_122 = tpu.memref_squeeze %dma_wait3A_121 : memref<1x128x64xf32, #tpu.memory_space<hbm>> -> memref<128x64xf32, #tpu.memory_space<hbm>>
      %dma_wait3A_123 = arith.constant 0 : i32
      %dma_wait3A_124 = tpu.memref_slice %arg5[%arg0, %add3A_106, %dma_wait3A_123] : memref<2x10240x64xf32, #tpu.memory_space<hbm>> -> memref<1x128x64xf32, #tpu.memory_space<hbm>>
      %dma_wait3A_125 = tpu.memref_squeeze %dma_wait3A_124 : memref<1x128x64xf32, #tpu.memory_space<hbm>> -> memref<128x64xf32, #tpu.memory_space<hbm>>
      tpu.wait_dma2 semaphore(%run_scoped3A : memref<!tpu.dma_semaphore, #tpu.memory_space<semaphore_mem>>) src(%arg12 : memref<128x64xf32, #tpu.memory_space<vmem>>) dst(%dma_wait3A_125 : memref<128x64xf32, #tpu.memory_space<hbm>>)
      tpu.yield
    }) : () -> ()
    %mul3A_107 = arith.constant 640 : i32
    %mul3A_108 = arith.muli %arg1, %mul3A_107 : i32
    %add3A_109 = arith.constant 512 : i32
    %add3A_110 = arith.addi %mul3A_108, %add3A_109 : i32
    "tpu.region"() ({
      %run_scoped3A = tpu.sem_alloc : memref<!tpu.dma_semaphore, #tpu.memory_space<semaphore_mem>>
      %dma_start3A_115 = arith.constant 0 : i32
      %dma_start3A_116 = tpu.memref_slice %arg13[%add3A_110, %dma_start3A_115] : memref<10240x64xf32, #tpu.memory_space<vmem_shared>> -> memref<128x64xf32, #tpu.memory_space<vmem_shared>>
      %dma_start3A_117 = arith.constant 0 : i32
      %dma_start3A_118 = tpu.memref_slice %arg13[%add3A_110, %dma_start3A_117] : memref<10240x64xf32, #tpu.memory_space<vmem_shared>> -> memref<128x64xf32, #tpu.memory_space<vmem_shared>>
      tpu.enqueue_dma source(%dma_start3A_118 : memref<128x64xf32, #tpu.memory_space<vmem_shared>>) target(%arg12 : memref<128x64xf32, #tpu.memory_space<vmem>>) target_semaphore(%run_scoped3A : memref<!tpu.dma_semaphore, #tpu.memory_space<semaphore_mem>>)
      %dma_wait3A = arith.constant 0 : i32
      %dma_wait3A_119 = tpu.memref_slice %arg13[%add3A_110, %dma_wait3A] : memref<10240x64xf32, #tpu.memory_space<vmem_shared>> -> memref<128x64xf32, #tpu.memory_space<vmem_shared>>
      %dma_wait3A_120 = arith.constant 0 : i32
      %dma_wait3A_121 = tpu.memref_slice %arg13[%add3A_110, %dma_wait3A_120] : memref<10240x64xf32, #tpu.memory_space<vmem_shared>> -> memref<128x64xf32, #tpu.memory_space<vmem_shared>>
      tpu.wait_dma2 semaphore(%run_scoped3A : memref<!tpu.dma_semaphore, #tpu.memory_space<semaphore_mem>>) src(%dma_wait3A_121 : memref<128x64xf32, #tpu.memory_space<vmem_shared>>) dst(%arg12 : memref<128x64xf32, #tpu.memory_space<vmem>>)
      tpu.yield
    }) : () -> ()
    %mul3A_111 = arith.constant 640 : i32
    %mul3A_112 = arith.muli %arg1, %mul3A_111 : i32
    %add3A_113 = arith.constant 512 : i32
    %add3A_114 = arith.addi %mul3A_112, %add3A_113 : i32
    "tpu.region"() ({
      %run_scoped3A = tpu.sem_alloc : memref<!tpu.dma_semaphore, #tpu.memory_space<semaphore_mem>>
      %dma_start3A_115 = arith.constant 0 : i32
      %dma_start3A_116 = tpu.memref_slice %arg5[%arg0, %add3A_114, %dma_start3A_115] : memref<2x10240x64xf32, #tpu.memory_space<hbm>> -> memref<1x128x64xf32, #tpu.memory_space<hbm>>
      %dma_start3A_117 = tpu.memref_squeeze %dma_start3A_116 : memref<1x128x64xf32, #tpu.memory_space<hbm>> -> memref<128x64xf32, #tpu.memory_space<hbm>>
      %dma_start3A_118 = arith.constant 0 : i32
      %dma_start3A_119 = tpu.memref_slice %arg5[%arg0, %add3A_114, %dma_start3A_118] : memref<2x10240x64xf32, #tpu.memory_space<hbm>> -> memref<1x128x64xf32, #tpu.memory_space<hbm>>
      %dma_start3A_120 = tpu.memref_squeeze %dma_start3A_119 : memref<1x128x64xf32, #tpu.memory_space<hbm>> -> memref<128x64xf32, #tpu.memory_space<hbm>>
      tpu.enqueue_dma source(%arg12 : memref<128x64xf32, #tpu.memory_space<vmem>>) target(%dma_start3A_120 : memref<128x64xf32, #tpu.memory_space<hbm>>) target_semaphore(%run_scoped3A : memref<!tpu.dma_semaphore, #tpu.memory_space<semaphore_mem>>)
      %dma_wait3A = arith.constant 0 : i32
      %dma_wait3A_121 = tpu.memref_slice %arg5[%arg0, %add3A_114, %dma_wait3A] : memref<2x10240x64xf32, #tpu.memory_space<hbm>> -> memref<1x128x64xf32, #tpu.memory_space<hbm>>
      %dma_wait3A_122 = tpu.memref_squeeze %dma_wait3A_121 : memref<1x128x64xf32, #tpu.memory_space<hbm>> -> memref<128x64xf32, #tpu.memory_space<hbm>>
      %dma_wait3A_123 = arith.constant 0 : i32
      %dma_wait3A_124 = tpu.memref_slice %arg5[%arg0, %add3A_114, %dma_wait3A_123] : memref<2x10240x64xf32, #tpu.memory_space<hbm>> -> memref<1x128x64xf32, #tpu.memory_space<hbm>>
      %dma_wait3A_125 = tpu.memref_squeeze %dma_wait3A_124 : memref<1x128x64xf32, #tpu.memory_space<hbm>> -> memref<128x64xf32, #tpu.memory_space<hbm>>
      tpu.wait_dma2 semaphore(%run_scoped3A : memref<!tpu.dma_semaphore, #tpu.memory_space<semaphore_mem>>) src(%arg12 : memref<128x64xf32, #tpu.memory_space<vmem>>) dst(%dma_wait3A_125 : memref<128x64xf32, #tpu.memory_space<hbm>>)
      tpu.yield
    }) : () -> ()
    return
  }
}

module attributes {stable_mosaic.version = 14 : i64} {
  func.func @_tc1_body(%arg0: memref<10240x128xf32, #tpu.memory_space<vmem>>, %arg1: memref<128x128xf32, #tpu.memory_space<vmem>>, %arg2: memref<2x10240x16xf32, #tpu.memory_space<vmem>>, %arg3: memref<2x10240x64xf32, #tpu.memory_space<vmem>>, %arg4: memref<10240x16xf32, #tpu.memory_space<vmem>>) attributes {dimension_semantics = [], scalar_prefetch = 0 : i64, scratch_operands = 0 : i64, tpu.core_type = #tpu.core_type<tc>} {
    %get3A = arith.constant 0 : index
    %get3A_0 = arith.constant 0 : index
    %get3A_1 = arith.constant 0 : index
    %get3A_2 = vector.load %arg2[%get3A, %get3A_0, %get3A_1] : memref<2x10240x16xf32, #tpu.memory_space<vmem>>, vector<1x10240x16xf32>
    %get3A_3 = vector.shape_cast %get3A_2 : vector<1x10240x16xf32> to vector<10240x16xf32>
    %get3A_4 = arith.constant 1 : index
    %get3A_5 = arith.constant 0 : index
    %get3A_6 = arith.constant 0 : index
    %get3A_7 = vector.load %arg2[%get3A_4, %get3A_5, %get3A_6] : memref<2x10240x16xf32, #tpu.memory_space<vmem>>, vector<1x10240x16xf32>
    %get3A_8 = vector.shape_cast %get3A_7 : vector<1x10240x16xf32> to vector<10240x16xf32>
    %add3A = arith.addf %get3A_3, %get3A_8 : vector<10240x16xf32>
    %add3A_9 = arith.constant 1.000000e+00 : f32
    %add3A_10 = vector.broadcast %add3A_9 : f32 to vector<10240x16xf32>
    %add3A_11 = arith.addf %add3A, %add3A_10 : vector<10240x16xf32>
    %rsqrt3A = math.rsqrt %add3A_11 : vector<10240x16xf32>
    %get3A_12 = arith.constant 0 : index
    %get3A_13 = arith.constant 0 : index
    %get3A_14 = vector.load %arg0[%get3A_12, %get3A_13] : memref<10240x128xf32, #tpu.memory_space<vmem>>, vector<10240x128xf32>
    %get3A_15 = arith.constant 0 : index
    %get3A_16 = arith.constant 0 : index
    %get3A_17 = vector.load %arg1[%get3A_15, %get3A_16] : memref<128x128xf32, #tpu.memory_space<vmem>>, vector<128x128xf32>
    %dot_general3A = arith.constant dense<0.000000e+00> : vector<10240x128xf32>
    %dot_general3A_18 = tpu.matmul %get3A_14, %get3A_17, %dot_general3A {dimension_numbers = #tpu.dot_dimension_numbers<[1], [0], [0], [1], [0, 0, 1, 1], [], []>, transpose_lhs_hint = false} : vector<10240x128xf32>, vector<128x128xf32>, vector<10240x128xf32> -> vector<10240x128xf32>
    %slice3A = vector.extract_strided_slice %rsqrt3A {offsets = [0, 0], sizes = [10240, 1], strides = [1, 1]} : vector<10240x16xf32> to vector<10240x1xf32>
    %mul3A = vector.broadcast %slice3A : vector<10240x1xf32> to vector<10240x128xf32>
    %mul3A_19 = arith.mulf %dot_general3A_18, %mul3A : vector<10240x128xf32>
    %slice3A_20 = vector.extract_strided_slice %mul3A_19 {offsets = [0, 0], sizes = [10240, 64], strides = [1, 1]} : vector<10240x128xf32> to vector<10240x64xf32>
    %swap3A = arith.constant 0 : index
    %swap3A_21 = arith.constant 0 : index
    %swap3A_22 = arith.constant 0 : index
    %swap3A_23 = vector.load %arg3[%swap3A, %swap3A_21, %swap3A_22] : memref<2x10240x64xf32, #tpu.memory_space<vmem>>, vector<1x10240x64xf32>
    %swap3A_24 = vector.shape_cast %swap3A_23 : vector<1x10240x64xf32> to vector<10240x64xf32>
    %swap3A_25 = vector.shape_cast %slice3A_20 : vector<10240x64xf32> to vector<1x10240x64xf32>
    tpu.vector_store %arg3[%swap3A, %swap3A_21, %swap3A_22], %swap3A_25 {strides = array<i32>} : memref<2x10240x64xf32, #tpu.memory_space<vmem>>, vector<1x10240x64xf32>,
    %slice3A_26 = vector.extract_strided_slice %mul3A_19 {offsets = [0, 64], sizes = [10240, 64], strides = [1, 1]} : vector<10240x128xf32> to vector<10240x64xf32>
    %swap3A_27 = arith.constant 1 : index
    %swap3A_28 = arith.constant 0 : index
    %swap3A_29 = arith.constant 0 : index
    %swap3A_30 = vector.load %arg3[%swap3A_27, %swap3A_28, %swap3A_29] : memref<2x10240x64xf32, #tpu.memory_space<vmem>>, vector<1x10240x64xf32>
    %swap3A_31 = vector.shape_cast %swap3A_30 : vector<1x10240x64xf32> to vector<10240x64xf32>
    %swap3A_32 = vector.shape_cast %slice3A_26 : vector<10240x64xf32> to vector<1x10240x64xf32>
    tpu.vector_store %arg3[%swap3A_27, %swap3A_28, %swap3A_29], %swap3A_32 {strides = array<i32>} : memref<2x10240x64xf32, #tpu.memory_space<vmem>>, vector<1x10240x64xf32>,
    %swap3A_33 = arith.constant 0 : index
    %swap3A_34 = arith.constant 0 : index
    %swap3A_35 = vector.load %arg4[%swap3A_33, %swap3A_34] : memref<10240x16xf32, #tpu.memory_space<vmem>>, vector<10240x16xf32>
    tpu.vector_store %arg4[%swap3A_33, %swap3A_34], %rsqrt3A {strides = array<i32>} : memref<10240x16xf32, #tpu.memory_space<vmem>>, vector<10240x16xf32>,
    return
  }
}

module attributes {stable_mosaic.version = 14 : i64} {
  func.func @_tc2_body(%arg0: memref<2x10240x64xf32, #tpu.memory_space<vmem>>, %arg1: memref<2x10240x64xf32, #tpu.memory_space<vmem>>, %arg2: memref<10240x16xf32, #tpu.memory_space<vmem>>, %arg3: memref<1x128xf32, #tpu.memory_space<vmem>>, %arg4: memref<128x128xf32, #tpu.memory_space<vmem>>, %arg5: memref<2x10240x64xf32, #tpu.memory_space<vmem>>) attributes {dimension_semantics = [], scalar_prefetch = 0 : i64, scratch_operands = 0 : i64, tpu.core_type = #tpu.core_type<tc>} {
    %get3A = arith.constant 0 : index
    %get3A_0 = arith.constant 0 : index
    %get3A_1 = vector.load %arg2[%get3A, %get3A_0] : memref<10240x16xf32, #tpu.memory_space<vmem>>, vector<10240x16xf32>
    %slice3A = vector.extract_strided_slice %get3A_1 {offsets = [0, 0], sizes = [10240, 1], strides = [1, 1]} : vector<10240x16xf32> to vector<10240x1xf32>
    %get3A_2 = arith.constant 0 : index
    %get3A_3 = arith.constant 0 : index
    %get3A_4 = arith.constant 0 : index
    %get3A_5 = vector.load %arg1[%get3A_2, %get3A_3, %get3A_4] : memref<2x10240x64xf32, #tpu.memory_space<vmem>>, vector<1x10240x64xf32>
    %get3A_6 = vector.shape_cast %get3A_5 : vector<1x10240x64xf32> to vector<10240x64xf32>
    %get3A_7 = arith.constant 0 : index
    %get3A_8 = arith.constant 0 : index
    %get3A_9 = arith.constant 0 : index
    %get3A_10 = vector.load %arg0[%get3A_7, %get3A_8, %get3A_9] : memref<2x10240x64xf32, #tpu.memory_space<vmem>>, vector<1x10240x64xf32>
    %get3A_11 = vector.shape_cast %get3A_10 : vector<1x10240x64xf32> to vector<10240x64xf32>
    %add3A = arith.addf %get3A_6, %get3A_11 : vector<10240x64xf32>
    %get3A_12 = arith.constant 1 : index
    %get3A_13 = arith.constant 0 : index
    %get3A_14 = arith.constant 0 : index
    %get3A_15 = vector.load %arg1[%get3A_12, %get3A_13, %get3A_14] : memref<2x10240x64xf32, #tpu.memory_space<vmem>>, vector<1x10240x64xf32>
    %get3A_16 = vector.shape_cast %get3A_15 : vector<1x10240x64xf32> to vector<10240x64xf32>
    %get3A_17 = arith.constant 1 : index
    %get3A_18 = arith.constant 0 : index
    %get3A_19 = arith.constant 0 : index
    %get3A_20 = vector.load %arg0[%get3A_17, %get3A_18, %get3A_19] : memref<2x10240x64xf32, #tpu.memory_space<vmem>>, vector<1x10240x64xf32>
    %get3A_21 = vector.shape_cast %get3A_20 : vector<1x10240x64xf32> to vector<10240x64xf32>
    %add3A_22 = arith.addf %get3A_16, %get3A_21 : vector<10240x64xf32>
    %concatenate3A = tpu.concatenate %add3A, %add3A_22 in 1 : vector<10240x64xf32>, vector<10240x64xf32> -> vector<10240x128xf32>
    %mul3A = vector.broadcast %slice3A : vector<10240x1xf32> to vector<10240x128xf32>
    %mul3A_23 = arith.mulf %concatenate3A, %mul3A : vector<10240x128xf32>
    %get3A_24 = arith.constant 0 : index
    %get3A_25 = arith.constant 0 : index
    %get3A_26 = vector.load %arg3[%get3A_24, %get3A_25] : memref<1x128xf32, #tpu.memory_space<vmem>>, vector<1x128xf32>
    %add3A_27 = vector.broadcast %get3A_26 : vector<1x128xf32> to vector<10240x128xf32>
    %add3A_28 = arith.addf %mul3A_23, %add3A_27 : vector<10240x128xf32>
    %max3A = arith.constant 0.000000e+00 : f32
    %max3A_29 = vector.broadcast %max3A : f32 to vector<10240x128xf32>
    %max3A_30 = arith.maximumf %add3A_28, %max3A_29 : vector<10240x128xf32>
    %get3A_31 = arith.constant 0 : index
    %get3A_32 = arith.constant 0 : index
    %get3A_33 = vector.load %arg4[%get3A_31, %get3A_32] : memref<128x128xf32, #tpu.memory_space<vmem>>, vector<128x128xf32>
    %dot_general3A = arith.constant dense<0.000000e+00> : vector<10240x128xf32>
    %dot_general3A_34 = tpu.matmul %max3A_30, %get3A_33, %dot_general3A {dimension_numbers = #tpu.dot_dimension_numbers<[1], [0], [0], [1], [0, 0, 1, 1], [], []>, transpose_lhs_hint = false} : vector<10240x128xf32>, vector<128x128xf32>, vector<10240x128xf32> -> vector<10240x128xf32>
    %mul3A_35 = vector.broadcast %slice3A : vector<10240x1xf32> to vector<10240x128xf32>
    %mul3A_36 = arith.mulf %dot_general3A_34, %mul3A_35 : vector<10240x128xf32>
    %slice3A_37 = vector.extract_strided_slice %mul3A_36 {offsets = [0, 0], sizes = [10240, 64], strides = [1, 1]} : vector<10240x128xf32> to vector<10240x64xf32>
    %swap3A = arith.constant 0 : index
    %swap3A_38 = arith.constant 0 : index
    %swap3A_39 = arith.constant 0 : index
    %swap3A_40 = vector.load %arg5[%swap3A, %swap3A_38, %swap3A_39] : memref<2x10240x64xf32, #tpu.memory_space<vmem>>, vector<1x10240x64xf32>
    %swap3A_41 = vector.shape_cast %swap3A_40 : vector<1x10240x64xf32> to vector<10240x64xf32>
    %swap3A_42 = vector.shape_cast %slice3A_37 : vector<10240x64xf32> to vector<1x10240x64xf32>
    tpu.vector_store %arg5[%swap3A, %swap3A_38, %swap3A_39], %swap3A_42 {strides = array<i32>} : memref<2x10240x64xf32, #tpu.memory_space<vmem>>, vector<1x10240x64xf32>,
    %slice3A_43 = vector.extract_strided_slice %mul3A_36 {offsets = [0, 64], sizes = [10240, 64], strides = [1, 1]} : vector<10240x128xf32> to vector<10240x64xf32>
    %swap3A_44 = arith.constant 1 : index
    %swap3A_45 = arith.constant 0 : index
    %swap3A_46 = arith.constant 0 : index
    %swap3A_47 = vector.load %arg5[%swap3A_44, %swap3A_45, %swap3A_46] : memref<2x10240x64xf32, #tpu.memory_space<vmem>>, vector<1x10240x64xf32>
    %swap3A_48 = vector.shape_cast %swap3A_47 : vector<1x10240x64xf32> to vector<10240x64xf32>
    %swap3A_49 = vector.shape_cast %slice3A_43 : vector<10240x64xf32> to vector<1x10240x64xf32>
    tpu.vector_store %arg5[%swap3A_44, %swap3A_45, %swap3A_46], %swap3A_49 {strides = array<i32>} : memref<2x10240x64xf32, #tpu.memory_space<vmem>>, vector<1x10240x64xf32>,
    return
  }
}

module attributes {stable_mosaic.version = 14 : i64} {
  func.func @_tc3_body(%arg0: memref<2x10240x64xf32, #tpu.memory_space<vmem>>, %arg1: memref<2x10240x64xf32, #tpu.memory_space<vmem>>, %arg2: memref<10240x16xf32, #tpu.memory_space<vmem>>, %arg3: memref<1x128xf32, #tpu.memory_space<vmem>>, %arg4: memref<1x128xf32, #tpu.memory_space<vmem>>, %arg5: memref<1x128xf32, #tpu.memory_space<vmem>>, %arg6: memref<10240x128xf32, #tpu.memory_space<vmem>>) attributes {dimension_semantics = [], scalar_prefetch = 0 : i64, scratch_operands = 0 : i64, tpu.core_type = #tpu.core_type<tc>} {
    %get3A = arith.constant 0 : index
    %get3A_0 = arith.constant 0 : index
    %get3A_1 = vector.load %arg2[%get3A, %get3A_0] : memref<10240x16xf32, #tpu.memory_space<vmem>>, vector<10240x16xf32>
    %slice3A = vector.extract_strided_slice %get3A_1 {offsets = [0, 0], sizes = [10240, 1], strides = [1, 1]} : vector<10240x16xf32> to vector<10240x1xf32>
    %get3A_2 = arith.constant 0 : index
    %get3A_3 = arith.constant 0 : index
    %get3A_4 = arith.constant 0 : index
    %get3A_5 = vector.load %arg1[%get3A_2, %get3A_3, %get3A_4] : memref<2x10240x64xf32, #tpu.memory_space<vmem>>, vector<1x10240x64xf32>
    %get3A_6 = vector.shape_cast %get3A_5 : vector<1x10240x64xf32> to vector<10240x64xf32>
    %get3A_7 = arith.constant 0 : index
    %get3A_8 = arith.constant 0 : index
    %get3A_9 = arith.constant 0 : index
    %get3A_10 = vector.load %arg0[%get3A_7, %get3A_8, %get3A_9] : memref<2x10240x64xf32, #tpu.memory_space<vmem>>, vector<1x10240x64xf32>
    %get3A_11 = vector.shape_cast %get3A_10 : vector<1x10240x64xf32> to vector<10240x64xf32>
    %add3A = arith.addf %get3A_6, %get3A_11 : vector<10240x64xf32>
    %get3A_12 = arith.constant 1 : index
    %get3A_13 = arith.constant 0 : index
    %get3A_14 = arith.constant 0 : index
    %get3A_15 = vector.load %arg1[%get3A_12, %get3A_13, %get3A_14] : memref<2x10240x64xf32, #tpu.memory_space<vmem>>, vector<1x10240x64xf32>
    %get3A_16 = vector.shape_cast %get3A_15 : vector<1x10240x64xf32> to vector<10240x64xf32>
    %get3A_17 = arith.constant 1 : index
    %get3A_18 = arith.constant 0 : index
    %get3A_19 = arith.constant 0 : index
    %get3A_20 = vector.load %arg0[%get3A_17, %get3A_18, %get3A_19] : memref<2x10240x64xf32, #tpu.memory_space<vmem>>, vector<1x10240x64xf32>
    %get3A_21 = vector.shape_cast %get3A_20 : vector<1x10240x64xf32> to vector<10240x64xf32>
    %add3A_22 = arith.addf %get3A_16, %get3A_21 : vector<10240x64xf32>
    %concatenate3A = tpu.concatenate %add3A, %add3A_22 in 1 : vector<10240x64xf32>, vector<10240x64xf32> -> vector<10240x128xf32>
    %mul3A = vector.broadcast %slice3A : vector<10240x1xf32> to vector<10240x128xf32>
    %mul3A_23 = arith.mulf %concatenate3A, %mul3A : vector<10240x128xf32>
    %get3A_24 = arith.constant 0 : index
    %get3A_25 = arith.constant 0 : index
    %get3A_26 = vector.load %arg3[%get3A_24, %get3A_25] : memref<1x128xf32, #tpu.memory_space<vmem>>, vector<1x128xf32>
    %add3A_27 = vector.broadcast %get3A_26 : vector<1x128xf32> to vector<10240x128xf32>
    %add3A_28 = arith.addf %mul3A_23, %add3A_27 : vector<10240x128xf32>
    %max3A = arith.constant 0.000000e+00 : f32
    %max3A_29 = vector.broadcast %max3A : f32 to vector<10240x128xf32>
    %max3A_30 = arith.maximumf %add3A_28, %max3A_29 : vector<10240x128xf32>
    %iota3A = tpu.iota {dimensions = array<i32: 0>} : vector<10240x1xi32>
    %lt3A = arith.constant 10000 : i32
    %lt3A_31 = vector.broadcast %lt3A : i32 to vector<10240x1xi32>
    %lt3A_32 = arith.cmpi slt, %iota3A, %lt3A_31 : vector<10240x1xi32>
    %jit3A = arith.constant 0.000000e+00 : f32
    %broadcast_in_dim3A = vector.shape_cast %lt3A_32 : vector<10240x1xi1> to vector<10240x1xi1>
    %broadcast_in_dim3A_33 = vector.broadcast %broadcast_in_dim3A : vector<10240x1xi1> to vector<10240x128xi1>
    %broadcast_in_dim3A_34 = vector.broadcast %jit3A : f32 to vector<10240x128xf32>
    %select_n3A = arith.select %broadcast_in_dim3A_33, %max3A_30, %broadcast_in_dim3A_34 : vector<10240x128xi1>, vector<10240x128xf32>
    %reduce_sum3A = arith.constant dense<0.000000e+00> : vector<128xf32>
    %reduce_sum3A_35 = vector.multi_reduction <add>, %select_n3A, %reduce_sum3A [0] : vector<10240x128xf32> to vector<128xf32>
    %broadcast_in_dim3A_36 = vector.shape_cast %reduce_sum3A_35 : vector<128xf32> to vector<1x128xf32>
    %mul3A_37 = arith.constant 9.99999974E-5 : f32
    %mul3A_38 = vector.broadcast %mul3A_37 : f32 to vector<1x128xf32>
    %mul3A_39 = arith.mulf %broadcast_in_dim3A_36, %mul3A_38 : vector<1x128xf32>
    %sub3A = vector.broadcast %mul3A_39 : vector<1x128xf32> to vector<10240x128xf32>
    %sub3A_40 = arith.subf %max3A_30, %sub3A : vector<10240x128xf32>
    %jit3A_41 = arith.constant 0.000000e+00 : f32
    %broadcast_in_dim3A_42 = vector.shape_cast %lt3A_32 : vector<10240x1xi1> to vector<10240x1xi1>
    %broadcast_in_dim3A_43 = vector.broadcast %broadcast_in_dim3A_42 : vector<10240x1xi1> to vector<10240x128xi1>
    %broadcast_in_dim3A_44 = vector.broadcast %jit3A_41 : f32 to vector<10240x128xf32>
    %select_n3A_45 = arith.select %broadcast_in_dim3A_43, %sub3A_40, %broadcast_in_dim3A_44 : vector<10240x128xi1>, vector<10240x128xf32>
    %mul3A_46 = arith.mulf %select_n3A_45, %select_n3A_45 : vector<10240x128xf32>
    %reduce_sum3A_47 = arith.constant dense<0.000000e+00> : vector<128xf32>
    %reduce_sum3A_48 = vector.multi_reduction <add>, %mul3A_46, %reduce_sum3A_47 [0] : vector<10240x128xf32> to vector<128xf32>
    %broadcast_in_dim3A_49 = vector.shape_cast %reduce_sum3A_48 : vector<128xf32> to vector<1x128xf32>
    %mul3A_50 = arith.constant 9.99999974E-5 : f32
    %mul3A_51 = vector.broadcast %mul3A_50 : f32 to vector<1x128xf32>
    %mul3A_52 = arith.mulf %broadcast_in_dim3A_49, %mul3A_51 : vector<1x128xf32>
    %sub3A_53 = vector.broadcast %mul3A_39 : vector<1x128xf32> to vector<10240x128xf32>
    %sub3A_54 = arith.subf %max3A_30, %sub3A_53 : vector<10240x128xf32>
    %add3A_55 = arith.constant 9.99999974E-6 : f32
    %add3A_56 = vector.broadcast %add3A_55 : f32 to vector<1x128xf32>
    %add3A_57 = arith.addf %mul3A_52, %add3A_56 : vector<1x128xf32>
    %rsqrt3A = math.rsqrt %add3A_57 : vector<1x128xf32>
    %mul3A_58 = vector.broadcast %rsqrt3A : vector<1x128xf32> to vector<10240x128xf32>
    %mul3A_59 = arith.mulf %sub3A_54, %mul3A_58 : vector<10240x128xf32>
    %get3A_60 = arith.constant 0 : index
    %get3A_61 = arith.constant 0 : index
    %get3A_62 = vector.load %arg4[%get3A_60, %get3A_61] : memref<1x128xf32, #tpu.memory_space<vmem>>, vector<1x128xf32>
    %mul3A_63 = vector.broadcast %get3A_62 : vector<1x128xf32> to vector<10240x128xf32>
    %mul3A_64 = arith.mulf %mul3A_59, %mul3A_63 : vector<10240x128xf32>
    %get3A_65 = arith.constant 0 : index
    %get3A_66 = arith.constant 0 : index
    %get3A_67 = vector.load %arg5[%get3A_65, %get3A_66] : memref<1x128xf32, #tpu.memory_space<vmem>>, vector<1x128xf32>
    %add3A_68 = vector.broadcast %get3A_67 : vector<1x128xf32> to vector<10240x128xf32>
    %add3A_69 = arith.addf %mul3A_64, %add3A_68 : vector<10240x128xf32>
    %swap3A = arith.constant 0 : index
    %swap3A_70 = arith.constant 0 : index
    %swap3A_71 = vector.load %arg6[%swap3A, %swap3A_70] : memref<10240x128xf32, #tpu.memory_space<vmem>>, vector<10240x128xf32>
    tpu.vector_store %arg6[%swap3A, %swap3A_70], %add3A_69 {strides = array<i32>} : memref<10240x128xf32, #tpu.memory_space<vmem>>, vector<10240x128xf32>,
    return
  }
}

</mosaic_0001>

<sc_bundles>
// kernel: kernel.11.cloned.1.call-start
scs
__scs_entry_jumppad:
0x0: {  	(pc) =	sbr.rel $0x88, $3  }
0x1: {  	(tag) =	ssettag $0x0;
	lr =	simm.s32 $0x1  }
0x2: {  	[smem:$0x3F99] =	sst lr;
	_ =	strace $0xD0000000  }
0x3: {  	_ = 	snop  }
0x4: {  	_ = 	snop  }
0x5: {  	_ = 	snop  }
0x6: {  	_ = 	snop  }
0x7: {  	_ = 	snop  }
__scs_overlays_trampoline_lowered:
0x8: {  	[smem:$0x3FA8] =	sst s0  }
0x9: {  	[smem:$0x3FA9] =	sst s1  }
0xa: {  	[smem:$0x3FAA] =	sst s2  }
0xb: {  	[smem:$0x3FAB] =	sst s3  }
0xc: {  	[smem:$0x3FAC] =	sst s4  }
0xd: {  	[smem:$0x3FAD] =	sst s5  }
0xe: {  	[smem:$0x3FAE] =	sst s6  }
0xf: {  	[smem:$0x3FAF] =	sst s7  }
0x10: {  	[smem:$0x3FB0] =	sst s8  }
0x11: {  	[smem:$0x3FB1] =	sst s9;
	s0 =	simm.s32 @!p0 $0x0  }
0x12: {  	s1 =	sld [smem:$0x3F97];
	s0 =	simm.s32 @p0 $0x1  }
0x13: {  	[smem:$0x3FB2] =	sst s0;
	s0 =	simm.s32 @!p1 $0x0  }
0x14: {  	s2 =	sld [smem:$0x3F96];
	s0 =	simm.s32 @p1 $0x1  }
0x15: {  	[smem:$0x3FB3] =	sst s0;
	s0 =	simm.s32 @!p2 $0x0  }
0x16: {  	s3 =	sld [smem:$0x3FDB];
	s0 =	simm.s32 @p2 $0x1  }
0x17: {  	s4 =	simm.s32 $0x1BF5;
	[smem:$0x3FB5] =	sst s0  }
0x18: {  	s0 =	sld [smem:$0x3F98];
	_ =	swait.ge [sflag:s4], $0x0  }
0x19: {  	s7 =	sld [smem:$0x3F99]  }
0x1a: {  	s8 =	sadd.s32 $0xFFFFE003, lr  }
0x1b: {  	s9 =	sadd.s32 $0xFFFFFEF7, lr;
	s5 =	simm.s32 $0xFFFFFFFF;
	p2 =	slt.u32 s8, $0xFFFFF086  }
0x1c: {  	p1 =	slt.u32 s9, $0xF7A;
	s5 =	simm.s32 @!p2 $0x0  }
0x1d: {  	s5 =	simm.s32 @p1 $0x1;
	p0 =	seq.s32 s7, s2  }
0x1e: {  	s7 =	smul.u32 @!p0 $0xF7A, s2;
	p2 =	seq.s32 @!p0 s5, $0x0  }
0x1f: {  	s9 =	smul.u32 $0xF7A, s1;
	s8 =	simm.s32 @!p0 $0x1BF5;
	p2 =	por !p2, p0  }
0x20: {  	[sflag:s8] =	ssyncset.s32 @!p0 $0xFFFFF086;
	s6 =	sadd.s32 @!p0 s3, s7;
	s7 =	simm.s32 @!p0 $0x108  }
0x21: {  	s3 =	sadd.s32 s3, s9;
	s6 =	sadd.s32 @!p0 $0x88, s6;
	s7 =	simm.s32 @p2 $0x1082  }
0x22: {  	[simem:s7], [sflag:s8] =	dma.local @!p0 [hbm:s6], $0xF7A  }
0x23: {  	s9 =	sor.u32 $0xD0000000, s2;
	s6 =	simm.s32 $0x108;
	_ =	swait.ge @!p0 [sflag:s8], $0x0  }
0x24: {  	s3 =	sadd.s32 $0x88, s3;
	s6 =	simm.s32 @!p1 $0x1082;
	[sflag:s4] =	ssyncset.s32 $0xFFFFF086  }
0x25: {  	[simem:s6], [sflag:s4] =	dma.local [hbm:s3], $0xF7A  }
0x26: {  	[smem:$0x3F99] =	sst s1;
	(tag) =	ssettag s2;
	_ =	strace s9  }
0x27: {  	s1 =	sld [smem:$0x3FA9]  }
0x28: {  	s2 =	sld [smem:$0x3FAA]  }
0x29: {  	s4 =	sld [smem:$0x3FAC]  }
0x2a: {  	p0 =	seq.s32 s5, $0x0;
	s5 =	sld [smem:$0x3FAD]  }
0x2b: {  	s6 =	sld [smem:$0x3FAE]  }
0x2c: {  	s7 =	sld [smem:$0x3FAF]  }
0x2d: {  	s3 =	simm.s32 $0x108;
	s8 =	sld [smem:$0x3FB0]  }
0x2e: {  	s3 =	simm.s32 @!p0 $0x1082;
	s9 =	sld [smem:$0x3FB1]  }
0x2f: {  	lr =	sadd.s32 s0, s3;
	s0 =	sld [smem:$0x3FA8]  }
0x30: {  	s3 =	sld [smem:$0x3FAB]  }
0x31: {  	[smem:$0x3FB4] =	sst s10  }
0x32: {  	s10 =	sld [smem:$0x3FB2];
	_ =	sdelay $0x3  }
0x33: {  	p0 =	seq.s32 s10, $0x1;
	s10 =	sld [smem:$0x3FB4];
	_ =	sdelay $0x3  }
0x34: {  	[smem:$0x3FB4] =	sst s10  }
0x35: {  	s10 =	sld [smem:$0x3FB3];
	_ =	sdelay $0x3  }
0x36: {  	p1 =	seq.s32 s10, $0x1;
	s10 =	sld [smem:$0x3FB4];
	_ =	sdelay $0x3  }
0x37: {  	[smem:$0x3FB4] =	sst s10  }
0x38: {  	s10 =	sld [smem:$0x3FB5]  }
0x39: {  	_ = 	snop;
	(pc) =	sbr.ind lr, $3  }
0x3a: {  	_ = 	snop  }
0x3b: {  	_ = 	snop  }
0x3c: {  	p2 =	seq.s32 s10, $0x1;
	s10 =	sld [smem:$0x3FB4]  }
0x3d: {  	_ =	shalt  }
0x3e: {  	_ =	shalt  }
0x3f: {  	_ =	shalt  }
0x40: {  	_ =	shalt  }
0x41: {  	_ =	shalt  }
0x42: {  	_ =	shalt  }
0x43: {  	_ =	shalt  }
0x44: {  	_ =	shalt  }
0x45: {  	_ =	shalt  }
0x46: {  	_ =	shalt  }
0x47: {  	_ =	shalt  }
0x48: {  	_ =	shalt  }
0x49: {  	_ =	shalt  }
0x4a: {  	_ =	shalt  }
0x4b: {  	_ =	shalt  }
0x4c: {  	_ =	shalt  }
0x4d: {  	_ =	shalt  }
0x4e: {  	_ =	shalt  }
0x4f: {  	_ =	shalt  }
0x50: {  	_ =	shalt  }
0x51: {  	_ =	shalt  }
0x52: {  	_ =	shalt  }
0x53: {  	_ =	shalt  }
0x54: {  	_ =	shalt  }
0x55: {  	_ =	shalt  }
0x56: {  	_ =	shalt  }
0x57: {  	_ =	shalt  }
0x58: {  	_ =	shalt  }
0x59: {  	_ =	shalt  }
0x5a: {  	_ =	shalt  }
0x5b: {  	_ =	shalt  }
0x5c: {  	_ =	shalt  }
0x5d: {  	_ =	shalt  }
0x5e: {  	_ =	shalt  }
0x5f: {  	_ =	shalt  }
0x60: {  	_ =	shalt  }
0x61: {  	_ =	shalt  }
0x62: {  	_ =	shalt  }
0x63: {  	_ =	shalt  }
0x64: {  	_ =	shalt  }
0x65: {  	_ =	shalt  }
0x66: {  	_ =	shalt  }
0x67: {  	_ =	shalt  }
0x68: {  	_ =	shalt  }
0x69: {  	_ =	shalt  }
0x6a: {  	_ =	shalt  }
0x6b: {  	_ =	shalt  }
0x6c: {  	_ =	shalt  }
0x6d: {  	_ =	shalt  }
0x6e: {  	_ =	shalt  }
0x6f: {  	_ =	shalt  }
0x70: {  	_ =	shalt  }
0x71: {  	_ =	shalt  }
0x72: {  	_ =	shalt  }
0x73: {  	_ =	shalt  }
0x74: {  	_ =	shalt  }
0x75: {  	_ =	shalt  }
0x76: {  	_ =	shalt  }
0x77: {  	_ =	shalt  }
0x78: {  	_ =	shalt  }
0x79: {  	_ =	shalt  }
0x7a: {  	_ =	shalt  }
0x7b: {  	_ =	shalt  }
0x7c: {  	_ =	shalt  }
0x7d: {  	_ =	shalt  }
0x7e: {  	_ =	shalt  }
0x7f: {  	_ =	shalt  }
0x80: {  	_ =	shalt  }
0x81: {  	_ =	shalt  }
0x82: {  	_ =	shalt  }
0x83: {  	_ =	shalt  }
0x84: {  	_ =	shalt  }
0x85: {  	_ =	shalt  }
0x86: {  	_ =	shalt  }
0x87: {  	_ =	shalt  }
.Lfunc_end0:
.L_simem_size_0:
called_computation.1_lowered:
.L_overlay_start_0:
0x88: {  	s2 =	sld [smem:$0x3FD9]  }
0x89: {  	s3 =	sld [smem:$0x3FFE];
	_ =	sdelay $0x1  }
0x8a: {  	s1 =	srdreg.scid  }
0x8b: {  	s0 =	sand.u32 $0x1, s1  }
0x8c: {  	s17 =	sshll.u32 s0, $0xA;
	s2 =	sadd.s32 s3, s2  }
0x8d: {  	s2 =	sadd.s32 s2, s17  }
0x8e: {  	[smem:$0x3FC0] =	sst s2  }
0x8f: {  	_ = 	snop  }
0x90: {  	s2 =	sld [smem:$0x3FD0];
	(tm) =	ssettm $0x1  }
0x91: {  	s18 =	sld [smem:$0x3FFB];
	_ =	sdelay $0x3  }
0x92: {  	_ =	strace s18  }
0x93: {  	s3 =	sld [smem:$0x3FFC];
	_ =	sdelay $0x3  }
0x94: {  	_ =	strace s3  }
0x95: {  	s3 =	sld [smem:$0x3FFD];
	_ =	sdelay $0x3  }
0x96: {  	_ =	strace s3  }
0x97: {  	_ =	strace $0x8FFFFFFF  }
0x98: {  	s19 =	sld [smem:$0x3FDB];
	_ =	sdelay $0x1  }
0x99: {  	s4 =	simm.s32 $_scs_section_size  }
0x9a: {  	s5 =	simm.s32 $_size__tile_overlayer_lowered;
	s6 =	simm.s32 $_tile_overlayer_lowered  }
0x9b: {  	s22 =	simm.s32 $0x1BFF;
	s21 =	sshll.u32 s6, $0x1;
	s3 =	sadd.s32 s4, s19  }
0x9c: {  	s7 =	simm.s32 $0x0;
	s20 =	sshll.u32 s5, $0x1;
	s5 =	sadd.s32 s21, s3  }
0x9d: {  	[timem:s7], [sflag:s22] =	dma.local [hbm:s5], s20  }
0x9e: {  	_ =	swait.ge [sflag:s22], s20  }
0x9f: {  	s4 =	ssub.s32 $0x0, s20;
	[sflag:s22] =	ssyncset.done $0x0  }
0xa0: {  	[sflag:s22] =	ssyncadd.s32 s4;
	_ =	sdelay $0x1  }
0xa1: {  	s23 =	simm.s32 $0x1B8B  }
0xa2: {  	_ =	swait.ge [sflag:s23], $0x1  }
0xa3: {  	[sflag:s23] =	ssyncset.done $0x0  }
0xa4: {  	s25 =	simm.s32 $0x1B8E;
	s24 =	sld [smem:$0x3FFE];
	[sflag:s23] =	ssyncadd.s32 $0xFFFFFFFF  }
0xa5: {  	s26 =	simm.s32 $execute0_lowered;
	[smem:$0x3FD2] =	sst s25  }
0xa6: {  	s5 =	sshll.u32 s26, $0x1;
	_ =	strace $0x80000049;
	[dreg:$0x1] =	wrdreg $0xFFFFFFFF  }
0xa7: {  	s28 =	simm.s32 $_size_execute0_lowered;
	s3 =	sadd.s32 s3, s5;
	[dreg:$0x0] =	wrdreg $0x0  }
0xa8: {  	s5 =	sshll.u32 s28, $0x1;
	[dreg:$0x2] =	wrdreg s3  }
0xa9: {  	[dreg:$0x3] =	wrdreg s5  }
0xaa: {  	[dreg:$0x4] =	wrdreg $0xC0  }
0xab: {  	_ =	task [dreg:s7], $0x5FFFF  }
0xac: {  	[dreg:$0x1] =	wrdreg $0xFFFFFFFF  }
0xad: {  	[dreg:$0x0] =	wrdreg $0x60  }
0xae: {  	[dreg:$0x2] =	wrdreg s24  }
0xaf: {  	[dreg:$0x3] =	wrdreg s2  }
0xb0: {  	[dreg:$0x4] =	wrdreg $0x140000  }
0xb1: {  	[dreg:$0x5] =	wrdreg $0x9  }
0xb2: {  	_ =	task.clear_ibuf [dreg:s7], $0x6FFFF;
	_ =	strace $0x90000049  }
0xb3: {  	s29 =	simm.s32 $0x9;
	_ =	strace $0x8000004B  }
0xb4: {  	_ =	swait.ge [sflag:s29], $0x1  }
0xb5: {  	[sflag:s29] =	ssyncadd.s32 $0xFFFFFFFF  }
0xb6: {  	_ =	strace $0x9000004B  }
0xb7: {  	_ =	sfence  }
0xb8: {  	s30 =	sld [smem:$0x0];
	_ =	sdelay $0x2  }
0xb9: {  	s31 =	sshll.u32 s1, $0xD;
	s1 =	sshrl.u32 s1, $0x2  }
0xba: {  	s3 =	sand.u32 $0x4000, s31;
	s1 =	sadd.s32 s1, s30  }
0xbb: {  	s0 =	sor.u32 s3, s0;
	s1 =	sshll.u32 s1, $0x11  }
0xbc: {  	s0 =	sor.u32 s1, s0  }
0xbd: {  	s0 =	sadd.s32 $0x8F2B, s0  }
0xbe: {  	[sflag:s0] =	ssyncadd.remote.s32 $0x1  }
0xbf: {  	_ =	sfence.sel $0xFFFF  }
0xc0: {  	[dreg:$0x0] =	wrdreg $0xFFFFFFFF;
	(pc) =	sbr.abs _section_cstart, $3  }
0xc1: {  	[dreg:$0x1] =	wrdreg $0xFFFFFFFF  }
0xc2: {  	_ =	task.clear_ibuf [dreg:s7], $0x2FFFF;
	_ =	strace $0x9FFFFFFF  }
0xc3: {  	(tm) =	ssettm $0x7FFFFFFF  }
tec
execute0_lowered:
.L_overlay_start_1:
0x0: {  	(tag) =	ssettag $0x1  }
0x1: {  	s0 =	rddreg [dreg:$0x0]  }
0x2: {  	s2 =	rddreg [dreg:$0x1]  }
0x3: {  	s1 =	rddreg [dreg:$0x2];
	s3 =	srdreg.scid  }
0x4: {  	s6 =	stileid.u32;
	s19 =	simm.s32 $0x9;
	s28 =	simm.s32 $0x10000  }
0x5: {  	s29 =	simm.s32 $0x1;
	s30 =	simm.s32 $0x2;
	s10 =	smul.u32 $0xA00, s6  }
0x6: {  	s4 =	sand.u32 $0x1, s3;
	s3 =	simm.s32 $0x0;
	s11 =	smul.u32 $0xA000, s6  }
0x7: {  	s31 =	simm.s32 $0x3;
	s9 =	smul.u32 $0xA0000, s4;
	[smem:$0x7FF] =	sst s3  }
0x8: {  	s4 =	ssub.s32 $0x2, s4;
	_ =	strace $0x8000004A;
	s13 =	sadd.s32 s10, s0  }
0x9: {  	s20 =	sshrl.u32 s4, $0x1;
	s14 =	sadd.s32 $0x2000, s11;
	s15 =	sadd.s32 $0x4000, s11  }
0xa: {  	s16 =	sadd.s32 $0x6000, s11;
	s18 =	sadd.s32 $0x8000, s11;
	s2 =	sadd.s32 s2, s10  }
0xb: {  	s5 =	sshrl.u32 s9, $0x3;
	s17 =	ssub.s32 s4, s20;
	s4 =	sadd.s32 s11, s1  }
0xc: {  	s6 =	sadd.s32 s15, s1;
	s7 =	sadd.s32 s16, s1;
	s8 =	sadd.s32 s18, s1  }
0xd: {  	s13 =	sadd.s32 $0xC000, s13;
	s11 =	sadd.s32 s11, s9;
	s21 =	sadd.s32 s9, s14  }
0xe: {  	[dreg:$0x5] =	wrdreg s2;
	s25 =	sadd.s32 s9, s15;
	s26 =	sadd.s32 s9, s16  }
0xf: {  	s9 =	sadd.s32 s9, s18;
	s18 =	simm.s32 $0x12000;
	s20 =	simm.s32 $0x6  }
0x10: {  	s12 =	sadd.s32 s5, s0;
	s0 =	sadd.s32 $0xB6000, s0;
	s5 =	sadd.s32 s14, s1  }
0x11: {  	[dreg:$0x4] =	wrdreg s13;
	s22 =	sshrl.u32 s11, $0x3;
	s23 =	sshrl.u32 s21, $0x3  }
0x12: {  	s10 =	sshrl.u32 s26, $0x3;
	s9 =	sshrl.u32 s9, $0x3;
	s17 =	smax.u32 s17, $0x1  }
0x13: {  	s21 =	simm.s32 $0x80;
	s26 =	simm.s32 $0x8;
	s11 =	sadd.s32 $0x8E000, s12  }
0x14: {  	s2 =	sadd.s32 s0, s22;
	s24 =	sadd.s32 s0, s23;
	s15 =	sadd.s32 s0, s10  }
0x15: {  	s16 =	sadd.s32 s0, s9;
	s22 =	simm.s32 $0xA000;
	[dreg:$0x6] =	wrdreg s2  }
0x16: {  	s23 =	simm.s32 $0xC000;
	s9 =	simm.s32 $0x0;
	[dreg:$0x7] =	wrdreg s24  }
0x17: {  	s2 =	sshrl.u32 s25, $0x3;
	s25 =	simm.s32 $0xE000;
	s24 =	simm.s32 $0x7  }
0x18: {  	v0 =	vimm.f32 $0.0e+00;
	s14 =	sadd.s32 s0, s2;
	s0 =	simm.s32 $0x4;
	s2 =	simm.s32 $0x5  }
.LBB2_1:
0x19: {  	s12 =	simm.s32 $0x100;
	s10 =	simm.s32 $0x0  }
.LBB2_2:
0x1a: {  	p0 =	sne.s32 s12, $0x7F00;
	[tilespmem:s10+$0x12030] =	vst v0;
	s13 =	smov.u32 s12;
	s12 =	sadd.s32 $0x100, s12  }
.Ltmp0:
0x1b: {  	[tilespmem:s10+$0x12020] =	vst v0;
	(pc) =	sbr.rel @p0 .LBB2_2-.Ltmp0, $3  }
0x1c: {  	[tilespmem:s10+$0x12000] =	vst v0  }
0x1d: {  	[tilespmem:s10+$0x12010] =	vst v0;
	_ =	sdelay $0x1  }
0x1e: {  	s10 =	sshra.s32 s13, $0x2  }
0x1f: {  	[tilespmem:s10+$0x12030] =	vst v0  }
0x20: {  	[tilespmem:s10+$0x12020] =	vst v0  }
0x21: {  	[tilespmem:s10+$0x12000] =	vst v0  }
0x22: {  	[tilespmem:s10+$0x12010] =	vst v0  }
0x23: {  	[spmem:s4] =	stream.linear.scatter [tilespmem:s18], [sflag:$0x9], $0x2000, $0x38;
	[tilespmem:$0x1E000] =	vst v63  }
0x24: {  	_ =	swait.ge [sflag:s19], $0x2000  }
0x25: {  	[sflag:s19] =	ssyncset.done $0x0  }
0x26: {  	[sflag:s19] =	ssyncadd.s32 $0xFFFFE000  }
0x27: {  	[spmem:s5] =	stream.linear.scatter [tilespmem:s18], [sflag:$0x9], $0x2000, $0x38;
	[tilespmem:$0x1E000] =	vst v63  }
0x28: {  	_ =	swait.ge [sflag:s19], $0x2000  }
0x29: {  	[sflag:s19] =	ssyncset.done $0x0  }
0x2a: {  	[sflag:s19] =	ssyncadd.s32 $0xFFFFE000  }
0x2b: {  	[spmem:s6] =	stream.linear.scatter [tilespmem:s18], [sflag:$0x9], $0x2000, $0x38;
	[tilespmem:$0x1E000] =	vst v63  }
0x2c: {  	_ =	swait.ge [sflag:s19], $0x2000  }
0x2d: {  	[sflag:s19] =	ssyncset.done $0x0  }
0x2e: {  	[sflag:s19] =	ssyncadd.s32 $0xFFFFE000  }
0x2f: {  	[spmem:s7] =	stream.linear.scatter [tilespmem:s18], [sflag:$0x9], $0x2000, $0x38;
	[tilespmem:$0x1E000] =	vst v63  }
0x30: {  	_ =	swait.ge [sflag:s19], $0x2000  }
0x31: {  	[sflag:s19] =	ssyncset.done $0x0  }
0x32: {  	[sflag:s19] =	ssyncadd.s32 $0xFFFFE000  }
0x33: {  	[spmem:s8] =	stream.linear.scatter [tilespmem:s18], [sflag:$0x9], $0x2000, $0x38;
	[tilespmem:$0x1E000] =	vst v63  }
0x34: {  	_ =	swait.ge [sflag:s19], $0x2000  }
0x35: {  	[sflag:s19] =	ssyncset.done $0x0  }
0x36: {  	[sflag:s19] =	ssyncadd.s32 $0xFFFFE000  }
0x37: {  	[bflag:$0x0] =	sbarrier.arrive $0xFFFF  }
0x38: {  	s10 =	simm.s32 $0x0;
	s12 =	rddreg [dreg:$0x4]  }
0x39: {  	[tilespmem:s10], [sflag:$0x9] =	stream.linear.gather [hbm4b:s12+s10], $0x5000, $0x38;
	[tilespmem:$0x1E000] =	vst v63  }
0x3a: {  	_ =	swait.ge [sflag:s19], $0x5000  }
0x3b: {  	[sflag:s19] =	ssyncset.done $0x0  }
0x3c: {  	s13 =	simm.s32 $0x5000;
	s12 =	rddreg [dreg:$0x5];
	[sflag:s19] =	ssyncadd.s32 $0xFFFFB000  }
0x3d: {  	[tilespmem:s13], [sflag:$0x9] =	stream.linear.gather [hbm4b:s12+s10], $0x5000, $0x38;
	[tilespmem:$0x1E000] =	vst v63  }
0x3e: {  	_ =	swait.ge [sflag:s19], $0x5000  }
0x3f: {  	[sflag:s19] =	ssyncset.done $0x0  }
0x40: {  	[sflag:s19] =	ssyncadd.s32 $0xFFFFB000  }
0x41: {  	[tilespmem:s22], [sflag:$0x1] =	stream.indirect.gather [hbm4b:s11+s21], $0x40, s10, s21, $0xb8;
	[tilespmem:$0x1E000] =	vst v63  }
0x42: {  	_ = 	snop  }
0x43: {  	[tilespmem:s23], [sflag:$0x2] =	stream.indirect.gather [hbm4b:s11+s21], $0x40, s21, s21, $0xb8;
	[tilespmem:$0x1E000] =	vst v63  }
0x44: {  	s13 =	simm.s32 $0x100  }
0x45: {  	[tilespmem:s25], [sflag:$0x3] =	stream.indirect.gather [hbm4b:s11+s21], $0x40, s13, s21, $0xb8;
	[tilespmem:$0x1E000] =	vst v63  }
0x46: {  	s12 =	simm.s32 $0x180  }
0x47: {  	[tilespmem:s28], [sflag:$0x4] =	stream.indirect.gather [hbm4b:s11+s21], $0x40, s12, s21, $0xb8;
	[tilespmem:$0x1E000] =	vst v63  }
0x48: {  	_ =	swait.ge [sflag:s29], $0x2000  }
0x49: {  	[sflag:s29] =	ssyncset.done $0x0  }
0x4a: {  	s13 =	simm.s32 $0x5000;
	[sflag:s29] =	ssyncadd.s32 $0xFFFFE000  }
0x4b: {  	[spmem:s1] =	stream.indirect.scatter.add.f32 [tilespmem:s22], [sflag:$0x5], $0x40, s13, s21, $0xb8;
	[tilespmem:$0x1E000] =	vst v63  }
0x4c: {  	_ =	swait.ge [sflag:s30], $0x2000  }
0x4d: {  	[sflag:s30] =	ssyncset.done $0x0  }
0x4e: {  	s12 =	simm.s32 $0x5080;
	[sflag:s30] =	ssyncadd.s32 $0xFFFFE000  }
0x4f: {  	[spmem:s1] =	stream.indirect.scatter.add.f32 [tilespmem:s23], [sflag:$0x6], $0x40, s12, s21, $0xb8;
	[tilespmem:$0x1E000] =	vst v63  }
0x50: {  	_ =	swait.ge [sflag:s31], $0x2000  }
0x51: {  	[sflag:s31] =	ssyncset.done $0x0  }
0x52: {  	s13 =	simm.s32 $0x5100;
	[sflag:s31] =	ssyncadd.s32 $0xFFFFE000  }
0x53: {  	[spmem:s1] =	stream.indirect.scatter.add.f32 [tilespmem:s25], [sflag:$0x7], $0x40, s13, s21, $0xb8;
	[tilespmem:$0x1E000] =	vst v63  }
0x54: {  	_ =	swait.ge [sflag:s0], $0x2000  }
0x55: {  	[sflag:s0] =	ssyncset.done $0x0  }
0x56: {  	s12 =	simm.s32 $0x5180;
	[sflag:s0] =	ssyncadd.s32 $0xFFFFE000  }
0x57: {  	[spmem:s1] =	stream.indirect.scatter.add.f32 [tilespmem:s28], [sflag:$0x8], $0x40, s12, s21, $0xb8;
	[tilespmem:$0x1E000] =	vst v63  }
0x58: {  	_ =	swait.ge [sflag:s2], $0x2000  }
0x59: {  	[sflag:s2] =	ssyncset.done $0x0  }
0x5a: {  	s13 =	simm.s32 $0x200;
	[sflag:s2] =	ssyncadd.s32 $0xFFFFE000  }
0x5b: {  	[tilespmem:s22], [sflag:$0x1] =	stream.indirect.gather [hbm4b:s11+s21], $0x40, s13, s21, $0xb8;
	[tilespmem:$0x1E000] =	vst v63  }
0x5c: {  	_ =	swait.ge [sflag:s20], $0x2000  }
0x5d: {  	[sflag:s20] =	ssyncset.done $0x0  }
0x5e: {  	s12 =	simm.s32 $0x280;
	[sflag:s20] =	ssyncadd.s32 $0xFFFFE000  }
0x5f: {  	[tilespmem:s23], [sflag:$0x2] =	stream.indirect.gather [hbm4b:s11+s21], $0x40, s12, s21, $0xb8;
	[tilespmem:$0x1E000] =	vst v63  }
0x60: {  	_ =	swait.ge [sflag:s24], $0x2000  }
0x61: {  	[sflag:s24] =	ssyncset.done $0x0  }
0x62: {  	s13 =	simm.s32 $0x300;
	[sflag:s24] =	ssyncadd.s32 $0xFFFFE000  }
0x63: {  	[tilespmem:s25], [sflag:$0x3] =	stream.indirect.gather [hbm4b:s11+s21], $0x40, s13, s21, $0xb8;
	[tilespmem:$0x1E000] =	vst v63  }
0x64: {  	_ =	swait.ge [sflag:s26], $0x2000  }
0x65: {  	[sflag:s26] =	ssyncset.done $0x0  }
0x66: {  	s10 =	simm.s32 $0x800;
	s12 =	simm.s32 $0x380;
	[sflag:s26] =	ssyncadd.s32 $0xFFFFE000  }
.LBB2_4:
0x67: {  	[tilespmem:s28], [sflag:$0x4] =	stream.indirect.gather [hbm4b:s11+s21], $0x40, s12, s21, $0xb8;
	[tilespmem:$0x1E000] =	vst v63  }
0x68: {  	s12 =	smov.u32 s10  }
0x69: {  	p0 =	sne.s32 s10, $0x13000;
	s10 =	sadd.s32 $0x800, s10;
	_ =	swait.ge [sflag:s29], $0x2000  }
0x6a: {  	s12 =	sshra.s32 s12, $0x2;
	[sflag:s29] =	ssyncset.done $0x0  }
0x6b: {  	s13 =	sadd.s32 $0x5000, s12;
	[sflag:s29] =	ssyncadd.s32 $0xFFFFE000  }
0x6c: {  	[spmem:s1] =	stream.indirect.scatter.add.f32 [tilespmem:s22], [sflag:$0x5], $0x40, s13, s21, $0xb8;
	[tilespmem:$0x1E000] =	vst v63  }
0x6d: {  	_ =	swait.ge [sflag:s30], $0x2000  }
0x6e: {  	[sflag:s30] =	ssyncset.done $0x0  }
0x6f: {  	s13 =	sadd.s32 $0x5080, s12;
	[sflag:s30] =	ssyncadd.s32 $0xFFFFE000  }
0x70: {  	[spmem:s1] =	stream.indirect.scatter.add.f32 [tilespmem:s23], [sflag:$0x6], $0x40, s13, s21, $0xb8;
	[tilespmem:$0x1E000] =	vst v63  }
0x71: {  	_ =	swait.ge [sflag:s31], $0x2000  }
0x72: {  	[sflag:s31] =	ssyncset.done $0x0  }
0x73: {  	s13 =	sadd.s32 $0x5100, s12;
	[sflag:s31] =	ssyncadd.s32 $0xFFFFE000  }
0x74: {  	[spmem:s1] =	stream.indirect.scatter.add.f32 [tilespmem:s25], [sflag:$0x7], $0x40, s13, s21, $0xb8;
	[tilespmem:$0x1E000] =	vst v63  }
0x75: {  	_ =	swait.ge [sflag:s0], $0x2000  }
0x76: {  	[sflag:s0] =	ssyncset.done $0x0  }
0x77: {  	s13 =	sadd.s32 $0x5180, s12;
	[sflag:s0] =	ssyncadd.s32 $0xFFFFE000  }
0x78: {  	[spmem:s1] =	stream.indirect.scatter.add.f32 [tilespmem:s28], [sflag:$0x8], $0x40, s13, s21, $0xb8;
	[tilespmem:$0x1E000] =	vst v63  }
0x79: {  	_ =	swait.ge [sflag:s2], $0x2000  }
0x7a: {  	[sflag:s2] =	ssyncset.done $0x0  }
0x7b: {  	s13 =	sadd.s32 $0x200, s12;
	[sflag:s2] =	ssyncadd.s32 $0xFFFFE000  }
0x7c: {  	[tilespmem:s22], [sflag:$0x1] =	stream.indirect.gather [hbm4b:s11+s21], $0x40, s13, s21, $0xb8;
	[tilespmem:$0x1E000] =	vst v63  }
0x7d: {  	_ =	swait.ge [sflag:s20], $0x2000  }
0x7e: {  	[sflag:s20] =	ssyncset.done $0x0  }
0x7f: {  	s13 =	sadd.s32 $0x280, s12;
	[sflag:s20] =	ssyncadd.s32 $0xFFFFE000  }
0x80: {  	[tilespmem:s23], [sflag:$0x2] =	stream.indirect.gather [hbm4b:s11+s21], $0x40, s13, s21, $0xb8;
	[tilespmem:$0x1E000] =	vst v63  }
0x81: {  	_ =	swait.ge [sflag:s24], $0x2000  }
0x82: {  	[sflag:s24] =	ssyncset.done $0x0  }
.Ltmp1:
0x83: {  	s13 =	sadd.s32 $0x300, s12;
	[sflag:s24] =	ssyncadd.s32 $0xFFFFE000;
	(pc) =	sbr.rel @p0 .LBB2_4-.Ltmp1, $4  }
0x84: {  	[tilespmem:s25], [sflag:$0x3] =	stream.indirect.gather [hbm4b:s11+s21], $0x40, s13, s21, $0xb8;
	[tilespmem:$0x1E000] =	vst v63  }
0x85: {  	_ =	swait.ge [sflag:s26], $0x2000  }
0x86: {  	[sflag:s26] =	ssyncset.done $0x0  }
0x87: {  	s12 =	sadd.s32 $0x380, s12;
	[sflag:s26] =	ssyncadd.s32 $0xFFFFE000  }
0x88: {  	[tilespmem:s28], [sflag:$0x4] =	stream.indirect.gather [hbm4b:s11+s21], $0x40, s12, s21, $0xb8;
	[tilespmem:$0x1E000] =	vst v63  }
0x89: {  	_ =	swait.ge [sflag:s29], $0x2000  }
0x8a: {  	[sflag:s29] =	ssyncset.done $0x0  }
0x8b: {  	s10 =	simm.s32 $0x9E00;
	[sflag:s29] =	ssyncadd.s32 $0xFFFFE000  }
0x8c: {  	[spmem:s1] =	stream.indirect.scatter.add.f32 [tilespmem:s22], [sflag:$0x5], $0x40, s10, s21, $0xb8;
	[tilespmem:$0x1E000] =	vst v63  }
0x8d: {  	_ =	swait.ge [sflag:s30], $0x2000  }
0x8e: {  	[sflag:s30] =	ssyncset.done $0x0  }
0x8f: {  	s13 =	simm.s32 $0x9E80;
	[sflag:s30] =	ssyncadd.s32 $0xFFFFE000  }
0x90: {  	[spmem:s1] =	stream.indirect.scatter.add.f32 [tilespmem:s23], [sflag:$0x6], $0x40, s13, s21, $0xb8;
	[tilespmem:$0x1E000] =	vst v63  }
0x91: {  	_ =	swait.ge [sflag:s31], $0x2000  }
0x92: {  	[sflag:s31] =	ssyncset.done $0x0  }
0x93: {  	s12 =	simm.s32 $0x9F00;
	[sflag:s31] =	ssyncadd.s32 $0xFFFFE000  }
0x94: {  	[spmem:s1] =	stream.indirect.scatter.add.f32 [tilespmem:s25], [sflag:$0x7], $0x40, s12, s21, $0xb8;
	[tilespmem:$0x1E000] =	vst v63  }
0x95: {  	_ =	swait.ge [sflag:s0], $0x2000  }
0x96: {  	[sflag:s0] =	ssyncset.done $0x0  }
0x97: {  	s13 =	simm.s32 $0x9F80;
	[sflag:s0] =	ssyncadd.s32 $0xFFFFE000  }
0x98: {  	[spmem:s1] =	stream.indirect.scatter.add.f32 [tilespmem:s28], [sflag:$0x8], $0x40, s13, s21, $0xb8;
	[tilespmem:$0x1E000] =	vst v63  }
0x99: {  	_ =	swait.ge [sflag:s2], $0x2000  }
0x9a: {  	[sflag:s2] =	ssyncset.done $0x0  }
0x9b: {  	[sflag:s2] =	ssyncadd.s32 $0xFFFFE000  }
0x9c: {  	_ =	swait.ge [sflag:s20], $0x2000  }
0x9d: {  	[sflag:s20] =	ssyncset.done $0x0  }
0x9e: {  	[sflag:s20] =	ssyncadd.s32 $0xFFFFE000  }
0x9f: {  	_ =	swait.ge [sflag:s24], $0x2000  }
0xa0: {  	[sflag:s24] =	ssyncset.done $0x0  }
0xa1: {  	[sflag:s24] =	ssyncadd.s32 $0xFFFFE000  }
0xa2: {  	_ =	swait.ge [sflag:s26], $0x2000  }
0xa3: {  	[sflag:s26] =	ssyncset.done $0x0  }
0xa4: {  	[sflag:s26] =	ssyncadd.s32 $0xFFFFE000  }
0xa5: {  	[bflag:$0x0] =	sbarrier.arrive $0xFFFF  }
0xa6: {  	[tilespmem:s18], [sflag:$0x9] =	stream.linear.gather [spmem:s4], $0x2000, $0x38;
	[tilespmem:$0x1E000] =	vst v63  }
0xa7: {  	_ =	swait.ge [sflag:s19], $0x2000  }
0xa8: {  	[sflag:s19] =	ssyncset.done $0x0  }
0xa9: {  	s12 =	rddreg [dreg:$0x6];
	[sflag:s19] =	ssyncadd.s32 $0xFFFFE000  }
0xaa: {  	[hbm4b:s12+s3] =	stream.linear.scatter [tilespmem:s18], [sflag:$0x9], $0x2000, $0x38;
	[tilespmem:$0x1E000] =	vst v63  }
0xab: {  	_ =	swait.ge [sflag:s19], $0x2000  }
0xac: {  	[sflag:s19] =	ssyncset.done $0x0  }
0xad: {  	[sflag:s19] =	ssyncadd.s32 $0xFFFFE000  }
0xae: {  	[tilespmem:s18], [sflag:$0x9] =	stream.linear.gather [spmem:s5], $0x2000, $0x38;
	[tilespmem:$0x1E000] =	vst v63  }
0xaf: {  	_ =	swait.ge [sflag:s19], $0x2000  }
0xb0: {  	[sflag:s19] =	ssyncset.done $0x0  }
0xb1: {  	s13 =	rddreg [dreg:$0x7];
	[sflag:s19] =	ssyncadd.s32 $0xFFFFE000  }
0xb2: {  	[hbm4b:s13+s3] =	stream.linear.scatter [tilespmem:s18], [sflag:$0x9], $0x2000, $0x38;
	[tilespmem:$0x1E000] =	vst v63  }
0xb3: {  	_ =	swait.ge [sflag:s19], $0x2000  }
0xb4: {  	[sflag:s19] =	ssyncset.done $0x0  }
0xb5: {  	[sflag:s19] =	ssyncadd.s32 $0xFFFFE000  }
0xb6: {  	[tilespmem:s18], [sflag:$0x9] =	stream.linear.gather [spmem:s6], $0x2000, $0x38;
	[tilespmem:$0x1E000] =	vst v63  }
0xb7: {  	_ =	swait.ge [sflag:s19], $0x2000  }
0xb8: {  	[sflag:s19] =	ssyncset.done $0x0  }
0xb9: {  	[sflag:s19] =	ssyncadd.s32 $0xFFFFE000  }
0xba: {  	[hbm4b:s14+s3] =	stream.linear.scatter [tilespmem:s18], [sflag:$0x9], $0x2000, $0x38;
	[tilespmem:$0x1E000] =	vst v63  }
0xbb: {  	_ =	swait.ge [sflag:s19], $0x2000  }
0xbc: {  	[sflag:s19] =	ssyncset.done $0x0  }
0xbd: {  	[sflag:s19] =	ssyncadd.s32 $0xFFFFE000  }
0xbe: {  	[tilespmem:s18], [sflag:$0x9] =	stream.linear.gather [spmem:s7], $0x2000, $0x38;
	[tilespmem:$0x1E000] =	vst v63  }
0xbf: {  	_ =	swait.ge [sflag:s19], $0x2000  }
0xc0: {  	[sflag:s19] =	ssyncset.done $0x0  }
0xc1: {  	[sflag:s19] =	ssyncadd.s32 $0xFFFFE000  }
0xc2: {  	[hbm4b:s15+s3] =	stream.linear.scatter [tilespmem:s18], [sflag:$0x9], $0x2000, $0x38;
	[tilespmem:$0x1E000] =	vst v63  }
0xc3: {  	_ =	swait.ge [sflag:s19], $0x2000  }
0xc4: {  	[sflag:s19] =	ssyncset.done $0x0  }
0xc5: {  	[sflag:s19] =	ssyncadd.s32 $0xFFFFE000  }
0xc6: {  	[tilespmem:s18], [sflag:$0x9] =	stream.linear.gather [spmem:s8], $0x2000, $0x38;
	[tilespmem:$0x1E000] =	vst v63  }
0xc7: {  	s9 =	sadd.s32 $0x1, s9;
	_ =	swait.ge [sflag:s19], $0x2000  }
0xc8: {  	p0 =	sne.s32 s9, s17;
	[sflag:s19] =	ssyncset.done $0x0  }
.Ltmp2:
0xc9: {  	[sflag:s19] =	ssyncadd.s32 $0xFFFFE000;
	(pc) =	sbr.rel @p0 .LBB2_1-.Ltmp2, $4  }
0xca: {  	[hbm4b:s16+s3] =	stream.linear.scatter [tilespmem:s18], [sflag:$0x9], $0x2000, $0x38;
	[tilespmem:$0x1E000] =	vst v63  }
0xcb: {  	_ =	swait.ge [sflag:s19], $0x2000  }
0xcc: {  	[sflag:s19] =	ssyncset.done $0x0  }
0xcd: {  	[sflag:s19] =	ssyncadd.s32 $0xFFFFE000  }
0xce: {  	_ =	sfence.sel $0x180000  }
0xcf: {  	[bflag:$0x0] =	sbarrier.arrive $0xFFFF  }
0xd0: {  	_ =	strace $0x9000004A  }
0xd1: {  	s0 =	stileid.u32;
	[bflag:$0x2] =	sbarrier.arrive $0xFFFF  }
0xd2: {  	p0 =	sne.s32 s0, $0x0;
	s0 =	rddreg [dreg:$0x3]  }
0xd3: {  	s0 =	sadd.s32 @!p0 $0x100000, s0  }
0xd4: {  	[sflag:s0] =	ssyncadd.tile.s32 @!p0 $0x1;
	_ =	shalt  }
.Lfunc_end2:
_tile_overlayer_lowered:
.L_overlay_start_2:
0xd5: {  	(tag) =	ssettag $0x2  }
0xd6: {  	s0 =	rddreg [dreg:$0x0];
	s2 =	stileid.u32  }
0xd7: {  	s1 =	rddreg [dreg:$0x1];
	p0 =	sne.s32 s2, $0x0  }
0xd8: {  	s3 =	rddreg [dreg:$0x2];
	[bflag:$0x3] =	sbarrier.arrive $0xFFFF;
	s2 =	simm.s32 @!p0 $0x1C09  }
0xd9: {  	[timem:s3], [sflag:s2] =	dma.local @!p0 [hbm:s0], s1  }
0xda: {  	s0 =	simm.s32 @!p0 $0x9  }
0xdb: {  	_ =	swait.ge @!p0 [sflag:s0], s1  }
0xdc: {  	s1 =	ssub.s32 @!p0 $0x0, s1;
	[sflag:s0] =	ssyncset.done @!p0 $0x0  }
0xdd: {  	[sflag:s0] =	ssyncadd.s32 @!p0 s1  }
0xde: {  	[bflag:$0x3] =	sbarrier.arrive $0xFFFF  }
0xdf: {  	_ =	shalt  }

// kernel: kernel.14.cloned.1.call-start
scs
__scs_entry_jumppad:
0x0: {  	(pc) =	sbr.rel $0x88, $3  }
0x1: {  	(tag) =	ssettag $0x0;
	lr =	simm.s32 $0x1  }
0x2: {  	[smem:$0x3F99] =	sst lr;
	_ =	strace $0xD0000000  }
0x3: {  	_ = 	snop  }
0x4: {  	_ = 	snop  }
0x5: {  	_ = 	snop  }
0x6: {  	_ = 	snop  }
0x7: {  	_ = 	snop  }
__scs_overlays_trampoline_lowered:
0x8: {  	[smem:$0x3FA8] =	sst s0  }
0x9: {  	[smem:$0x3FA9] =	sst s1  }
0xa: {  	[smem:$0x3FAA] =	sst s2  }
0xb: {  	[smem:$0x3FAB] =	sst s3  }
0xc: {  	[smem:$0x3FAC] =	sst s4  }
0xd: {  	[smem:$0x3FAD] =	sst s5  }
0xe: {  	[smem:$0x3FAE] =	sst s6  }
0xf: {  	[smem:$0x3FAF] =	sst s7  }
0x10: {  	[smem:$0x3FB0] =	sst s8  }
0x11: {  	[smem:$0x3FB1] =	sst s9;
	s0 =	simm.s32 @!p0 $0x0  }
0x12: {  	s1 =	sld [smem:$0x3F97];
	s0 =	simm.s32 @p0 $0x1  }
0x13: {  	[smem:$0x3FB2] =	sst s0;
	s0 =	simm.s32 @!p1 $0x0  }
0x14: {  	s2 =	sld [smem:$0x3F96];
	s0 =	simm.s32 @p1 $0x1  }
0x15: {  	[smem:$0x3FB3] =	sst s0;
	s0 =	simm.s32 @!p2 $0x0  }
0x16: {  	s3 =	sld [smem:$0x3FDB];
	s0 =	simm.s32 @p2 $0x1  }
0x17: {  	s4 =	simm.s32 $0x1BF5;
	[smem:$0x3FB5] =	sst s0  }
0x18: {  	s0 =	sld [smem:$0x3F98];
	_ =	swait.ge [sflag:s4], $0x0  }
0x19: {  	s7 =	sld [smem:$0x3F99]  }
0x1a: {  	s8 =	sadd.s32 $0xFFFFE003, lr  }
0x1b: {  	s9 =	sadd.s32 $0xFFFFFEF7, lr;
	s5 =	simm.s32 $0xFFFFFFFF;
	p2 =	slt.u32 s8, $0xFFFFF086  }
0x1c: {  	p1 =	slt.u32 s9, $0xF7A;
	s5 =	simm.s32 @!p2 $0x0  }
0x1d: {  	s5 =	simm.s32 @p1 $0x1;
	p0 =	seq.s32 s7, s2  }
0x1e: {  	s7 =	smul.u32 @!p0 $0xF7A, s2;
	p2 =	seq.s32 @!p0 s5, $0x0  }
0x1f: {  	s9 =	smul.u32 $0xF7A, s1;
	s8 =	simm.s32 @!p0 $0x1BF5;
	p2 =	por !p2, p0  }
0x20: {  	[sflag:s8] =	ssyncset.s32 @!p0 $0xFFFFF086;
	s6 =	sadd.s32 @!p0 s3, s7;
	s7 =	simm.s32 @!p0 $0x108  }
0x21: {  	s3 =	sadd.s32 s3, s9;
	s6 =	sadd.s32 @!p0 $0x88, s6;
	s7 =	simm.s32 @p2 $0x1082  }
0x22: {  	[simem:s7], [sflag:s8] =	dma.local @!p0 [hbm:s6], $0xF7A  }
0x23: {  	s9 =	sor.u32 $0xD0000000, s2;
	s6 =	simm.s32 $0x108;
	_ =	swait.ge @!p0 [sflag:s8], $0x0  }
0x24: {  	s3 =	sadd.s32 $0x88, s3;
	s6 =	simm.s32 @!p1 $0x1082;
	[sflag:s4] =	ssyncset.s32 $0xFFFFF086  }
0x25: {  	[simem:s6], [sflag:s4] =	dma.local [hbm:s3], $0xF7A  }
0x26: {  	[smem:$0x3F99] =	sst s1;
	(tag) =	ssettag s2;
	_ =	strace s9  }
0x27: {  	s1 =	sld [smem:$0x3FA9]  }
0x28: {  	s2 =	sld [smem:$0x3FAA]  }
0x29: {  	s4 =	sld [smem:$0x3FAC]  }
0x2a: {  	p0 =	seq.s32 s5, $0x0;
	s5 =	sld [smem:$0x3FAD]  }
0x2b: {  	s6 =	sld [smem:$0x3FAE]  }
0x2c: {  	s7 =	sld [smem:$0x3FAF]  }
0x2d: {  	s3 =	simm.s32 $0x108;
	s8 =	sld [smem:$0x3FB0]  }
0x2e: {  	s3 =	simm.s32 @!p0 $0x1082;
	s9 =	sld [smem:$0x3FB1]  }
0x2f: {  	lr =	sadd.s32 s0, s3;
	s0 =	sld [smem:$0x3FA8]  }
0x30: {  	s3 =	sld [smem:$0x3FAB]  }
0x31: {  	[smem:$0x3FB4] =	sst s10  }
0x32: {  	s10 =	sld [smem:$0x3FB2];
	_ =	sdelay $0x3  }
0x33: {  	p0 =	seq.s32 s10, $0x1;
	s10 =	sld [smem:$0x3FB4];
	_ =	sdelay $0x3  }
0x34: {  	[smem:$0x3FB4] =	sst s10  }
0x35: {  	s10 =	sld [smem:$0x3FB3];
	_ =	sdelay $0x3  }
0x36: {  	p1 =	seq.s32 s10, $0x1;
	s10 =	sld [smem:$0x3FB4];
	_ =	sdelay $0x3  }
0x37: {  	[smem:$0x3FB4] =	sst s10  }
0x38: {  	s10 =	sld [smem:$0x3FB5]  }
0x39: {  	_ = 	snop;
	(pc) =	sbr.ind lr, $3  }
0x3a: {  	_ = 	snop  }
0x3b: {  	_ = 	snop  }
0x3c: {  	p2 =	seq.s32 s10, $0x1;
	s10 =	sld [smem:$0x3FB4]  }
0x3d: {  	_ =	shalt  }
0x3e: {  	_ =	shalt  }
0x3f: {  	_ =	shalt  }
0x40: {  	_ =	shalt  }
0x41: {  	_ =	shalt  }
0x42: {  	_ =	shalt  }
0x43: {  	_ =	shalt  }
0x44: {  	_ =	shalt  }
0x45: {  	_ =	shalt  }
0x46: {  	_ =	shalt  }
0x47: {  	_ =	shalt  }
0x48: {  	_ =	shalt  }
0x49: {  	_ =	shalt  }
0x4a: {  	_ =	shalt  }
0x4b: {  	_ =	shalt  }
0x4c: {  	_ =	shalt  }
0x4d: {  	_ =	shalt  }
0x4e: {  	_ =	shalt  }
0x4f: {  	_ =	shalt  }
0x50: {  	_ =	shalt  }
0x51: {  	_ =	shalt  }
0x52: {  	_ =	shalt  }
0x53: {  	_ =	shalt  }
0x54: {  	_ =	shalt  }
0x55: {  	_ =	shalt  }
0x56: {  	_ =	shalt  }
0x57: {  	_ =	shalt  }
0x58: {  	_ =	shalt  }
0x59: {  	_ =	shalt  }
0x5a: {  	_ =	shalt  }
0x5b: {  	_ =	shalt  }
0x5c: {  	_ =	shalt  }
0x5d: {  	_ =	shalt  }
0x5e: {  	_ =	shalt  }
0x5f: {  	_ =	shalt  }
0x60: {  	_ =	shalt  }
0x61: {  	_ =	shalt  }
0x62: {  	_ =	shalt  }
0x63: {  	_ =	shalt  }
0x64: {  	_ =	shalt  }
0x65: {  	_ =	shalt  }
0x66: {  	_ =	shalt  }
0x67: {  	_ =	shalt  }
0x68: {  	_ =	shalt  }
0x69: {  	_ =	shalt  }
0x6a: {  	_ =	shalt  }
0x6b: {  	_ =	shalt  }
0x6c: {  	_ =	shalt  }
0x6d: {  	_ =	shalt  }
0x6e: {  	_ =	shalt  }
0x6f: {  	_ =	shalt  }
0x70: {  	_ =	shalt  }
0x71: {  	_ =	shalt  }
0x72: {  	_ =	shalt  }
0x73: {  	_ =	shalt  }
0x74: {  	_ =	shalt  }
0x75: {  	_ =	shalt  }
0x76: {  	_ =	shalt  }
0x77: {  	_ =	shalt  }
0x78: {  	_ =	shalt  }
0x79: {  	_ =	shalt  }
0x7a: {  	_ =	shalt  }
0x7b: {  	_ =	shalt  }
0x7c: {  	_ =	shalt  }
0x7d: {  	_ =	shalt  }
0x7e: {  	_ =	shalt  }
0x7f: {  	_ =	shalt  }
0x80: {  	_ =	shalt  }
0x81: {  	_ =	shalt  }
0x82: {  	_ =	shalt  }
0x83: {  	_ =	shalt  }
0x84: {  	_ =	shalt  }
0x85: {  	_ =	shalt  }
0x86: {  	_ =	shalt  }
0x87: {  	_ =	shalt  }
.Lfunc_end0:
.L_simem_size_0:
called_computation.2_lowered:
.L_overlay_start_0:
0x88: {  	s2 =	sld [smem:$0x3FD9]  }
0x89: {  	s3 =	sld [smem:$0x3FFE];
	_ =	sdelay $0x1  }
0x8a: {  	s1 =	srdreg.scid  }
0x8b: {  	s0 =	sand.u32 $0x1, s1  }
0x8c: {  	s17 =	sshll.u32 s0, $0xA;
	s2 =	sadd.s32 s3, s2  }
0x8d: {  	s2 =	sadd.s32 s2, s17  }
0x8e: {  	[smem:$0x3FC0] =	sst s2  }
0x8f: {  	_ = 	snop  }
0x90: {  	s2 =	sld [smem:$0x3FD0];
	(tm) =	ssettm $0x1  }
0x91: {  	s18 =	sld [smem:$0x3FFB];
	_ =	sdelay $0x3  }
0x92: {  	_ =	strace s18  }
0x93: {  	s3 =	sld [smem:$0x3FFC];
	_ =	sdelay $0x3  }
0x94: {  	_ =	strace s3  }
0x95: {  	s3 =	sld [smem:$0x3FFD];
	_ =	sdelay $0x3  }
0x96: {  	_ =	strace s3  }
0x97: {  	_ =	strace $0x8FFFFFFF  }
0x98: {  	s19 =	sld [smem:$0x3FDB];
	_ =	sdelay $0x1  }
0x99: {  	s4 =	simm.s32 $_scs_section_size  }
0x9a: {  	s5 =	simm.s32 $_size__tile_overlayer_lowered;
	s6 =	simm.s32 $_tile_overlayer_lowered  }
0x9b: {  	s22 =	simm.s32 $0x1BFF;
	s21 =	sshll.u32 s6, $0x1;
	s3 =	sadd.s32 s4, s19  }
0x9c: {  	s7 =	simm.s32 $0x0;
	s20 =	sshll.u32 s5, $0x1;
	s5 =	sadd.s32 s21, s3  }
0x9d: {  	[timem:s7], [sflag:s22] =	dma.local [hbm:s5], s20  }
0x9e: {  	_ =	swait.ge [sflag:s22], s20  }
0x9f: {  	s4 =	ssub.s32 $0x0, s20;
	[sflag:s22] =	ssyncset.done $0x0  }
0xa0: {  	[sflag:s22] =	ssyncadd.s32 s4;
	_ =	sdelay $0x1  }
0xa1: {  	s23 =	simm.s32 $0x1B8B  }
0xa2: {  	_ =	swait.ge [sflag:s23], $0x1  }
0xa3: {  	[sflag:s23] =	ssyncset.done $0x0  }
0xa4: {  	s25 =	simm.s32 $0x1B8E;
	s24 =	sld [smem:$0x3FFE];
	[sflag:s23] =	ssyncadd.s32 $0xFFFFFFFF  }
0xa5: {  	s26 =	simm.s32 $execute0_lowered;
	[smem:$0x3FD2] =	sst s25  }
0xa6: {  	s5 =	sshll.u32 s26, $0x1;
	_ =	strace $0x8000004C;
	[dreg:$0x1] =	wrdreg $0xFFFFFFFF  }
0xa7: {  	s28 =	simm.s32 $_size_execute0_lowered;
	s3 =	sadd.s32 s3, s5;
	[dreg:$0x0] =	wrdreg $0x0  }
0xa8: {  	s5 =	sshll.u32 s28, $0x1;
	[dreg:$0x2] =	wrdreg s3  }
0xa9: {  	[dreg:$0x3] =	wrdreg s5  }
0xaa: {  	[dreg:$0x4] =	wrdreg $0xC0  }
0xab: {  	_ =	task [dreg:s7], $0x5FFFF  }
0xac: {  	[dreg:$0x1] =	wrdreg $0xFFFFFFFF  }
0xad: {  	[dreg:$0x0] =	wrdreg $0x60  }
0xae: {  	[dreg:$0x2] =	wrdreg s24  }
0xaf: {  	[dreg:$0x3] =	wrdreg s2  }
0xb0: {  	[dreg:$0x4] =	wrdreg $0x140000  }
0xb1: {  	[dreg:$0x5] =	wrdreg $0x9  }
0xb2: {  	_ =	task.clear_ibuf [dreg:s7], $0x6FFFF;
	_ =	strace $0x9000004C  }
0xb3: {  	s29 =	simm.s32 $0x9;
	_ =	strace $0x8000004E  }
0xb4: {  	_ =	swait.ge [sflag:s29], $0x1  }
0xb5: {  	[sflag:s29] =	ssyncadd.s32 $0xFFFFFFFF  }
0xb6: {  	_ =	strace $0x9000004E  }
0xb7: {  	_ =	sfence  }
0xb8: {  	s30 =	sld [smem:$0x0];
	_ =	sdelay $0x2  }
0xb9: {  	s31 =	sshll.u32 s1, $0xD;
	s1 =	sshrl.u32 s1, $0x2  }
0xba: {  	s3 =	sand.u32 $0x4000, s31;
	s1 =	sadd.s32 s1, s30  }
0xbb: {  	s0 =	sor.u32 s3, s0;
	s1 =	sshll.u32 s1, $0x11  }
0xbc: {  	s0 =	sor.u32 s1, s0  }
0xbd: {  	s0 =	sadd.s32 $0x8F2B, s0  }
0xbe: {  	[sflag:s0] =	ssyncadd.remote.s32 $0x1  }
0xbf: {  	_ =	sfence.sel $0xFFFF  }
0xc0: {  	[dreg:$0x0] =	wrdreg $0xFFFFFFFF;
	(pc) =	sbr.abs _section_cstart, $3  }
0xc1: {  	[dreg:$0x1] =	wrdreg $0xFFFFFFFF  }
0xc2: {  	_ =	task.clear_ibuf [dreg:s7], $0x2FFFF;
	_ =	strace $0x9FFFFFFF  }
0xc3: {  	(tm) =	ssettm $0x7FFFFFFF  }
tec
execute0_lowered:
.L_overlay_start_1:
0x0: {  	(tag) =	ssettag $0x1  }
0x1: {  	s0 =	rddreg [dreg:$0x0]  }
0x2: {  	s2 =	rddreg [dreg:$0x1]  }
0x3: {  	s1 =	rddreg [dreg:$0x2];
	s3 =	srdreg.scid  }
0x4: {  	s6 =	stileid.u32;
	s19 =	simm.s32 $0x9;
	s28 =	simm.s32 $0x10000  }
0x5: {  	s29 =	simm.s32 $0x1;
	s30 =	simm.s32 $0x2;
	s10 =	smul.u32 $0xA00, s6  }
0x6: {  	s4 =	sand.u32 $0x1, s3;
	s3 =	simm.s32 $0x0;
	s11 =	smul.u32 $0xA000, s6  }
0x7: {  	s31 =	simm.s32 $0x3;
	s9 =	smul.u32 $0xA0000, s4;
	[smem:$0x7FF] =	sst s3  }
0x8: {  	s4 =	ssub.s32 $0x2, s4;
	_ =	strace $0x8000004D;
	s13 =	sadd.s32 s10, s0  }
0x9: {  	s20 =	sshrl.u32 s4, $0x1;
	s14 =	sadd.s32 $0x2000, s11;
	s15 =	sadd.s32 $0x4000, s11  }
0xa: {  	s16 =	sadd.s32 $0x6000, s11;
	s18 =	sadd.s32 $0x8000, s11;
	s2 =	sadd.s32 s2, s10  }
0xb: {  	s5 =	sshrl.u32 s9, $0x3;
	s17 =	ssub.s32 s4, s20;
	s4 =	sadd.s32 s11, s1  }
0xc: {  	s6 =	sadd.s32 s15, s1;
	s7 =	sadd.s32 s16, s1;
	s8 =	sadd.s32 s18, s1  }
0xd: {  	s13 =	sadd.s32 $0xC000, s13;
	s11 =	sadd.s32 s11, s9;
	s21 =	sadd.s32 s9, s14  }
0xe: {  	[dreg:$0x5] =	wrdreg s2;
	s25 =	sadd.s32 s9, s15;
	s26 =	sadd.s32 s9, s16  }
0xf: {  	s9 =	sadd.s32 s9, s18;
	s18 =	simm.s32 $0x12000;
	s20 =	simm.s32 $0x6  }
0x10: {  	s12 =	sadd.s32 s5, s0;
	s0 =	sadd.s32 $0x3E000, s0;
	s5 =	sadd.s32 s14, s1  }
0x11: {  	[dreg:$0x4] =	wrdreg s13;
	s22 =	sshrl.u32 s11, $0x3;
	s23 =	sshrl.u32 s21, $0x3  }
0x12: {  	s10 =	sshrl.u32 s26, $0x3;
	s9 =	sshrl.u32 s9, $0x3;
	s17 =	smax.u32 s17, $0x1  }
0x13: {  	s21 =	simm.s32 $0x80;
	s26 =	simm.s32 $0x8;
	s11 =	sadd.s32 $0x16000, s12  }
0x14: {  	s2 =	sadd.s32 s0, s22;
	s24 =	sadd.s32 s0, s23;
	s15 =	sadd.s32 s0, s10  }
0x15: {  	s16 =	sadd.s32 s0, s9;
	s22 =	simm.s32 $0xA000;
	[dreg:$0x6] =	wrdreg s2  }
0x16: {  	s23 =	simm.s32 $0xC000;
	s9 =	simm.s32 $0x0;
	[dreg:$0x7] =	wrdreg s24  }
0x17: {  	s2 =	sshrl.u32 s25, $0x3;
	s25 =	simm.s32 $0xE000;
	s24 =	simm.s32 $0x7  }
0x18: {  	v0 =	vimm.f32 $0.0e+00;
	s14 =	sadd.s32 s0, s2;
	s0 =	simm.s32 $0x4;
	s2 =	simm.s32 $0x5  }
.LBB2_1:
0x19: {  	s12 =	simm.s32 $0x100;
	s10 =	simm.s32 $0x0  }
.LBB2_2:
0x1a: {  	p0 =	sne.s32 s12, $0x7F00;
	[tilespmem:s10+$0x12030] =	vst v0;
	s13 =	smov.u32 s12;
	s12 =	sadd.s32 $0x100, s12  }
.Ltmp0:
0x1b: {  	[tilespmem:s10+$0x12020] =	vst v0;
	(pc) =	sbr.rel @p0 .LBB2_2-.Ltmp0, $3  }
0x1c: {  	[tilespmem:s10+$0x12000] =	vst v0  }
0x1d: {  	[tilespmem:s10+$0x12010] =	vst v0;
	_ =	sdelay $0x1  }
0x1e: {  	s10 =	sshra.s32 s13, $0x2  }
0x1f: {  	[tilespmem:s10+$0x12030] =	vst v0  }
0x20: {  	[tilespmem:s10+$0x12020] =	vst v0  }
0x21: {  	[tilespmem:s10+$0x12000] =	vst v0  }
0x22: {  	[tilespmem:s10+$0x12010] =	vst v0  }
0x23: {  	[spmem:s4] =	stream.linear.scatter [tilespmem:s18], [sflag:$0x9], $0x2000, $0x38;
	[tilespmem:$0x1E000] =	vst v63  }
0x24: {  	_ =	swait.ge [sflag:s19], $0x2000  }
0x25: {  	[sflag:s19] =	ssyncset.done $0x0  }
0x26: {  	[sflag:s19] =	ssyncadd.s32 $0xFFFFE000  }
0x27: {  	[spmem:s5] =	stream.linear.scatter [tilespmem:s18], [sflag:$0x9], $0x2000, $0x38;
	[tilespmem:$0x1E000] =	vst v63  }
0x28: {  	_ =	swait.ge [sflag:s19], $0x2000  }
0x29: {  	[sflag:s19] =	ssyncset.done $0x0  }
0x2a: {  	[sflag:s19] =	ssyncadd.s32 $0xFFFFE000  }
0x2b: {  	[spmem:s6] =	stream.linear.scatter [tilespmem:s18], [sflag:$0x9], $0x2000, $0x38;
	[tilespmem:$0x1E000] =	vst v63  }
0x2c: {  	_ =	swait.ge [sflag:s19], $0x2000  }
0x2d: {  	[sflag:s19] =	ssyncset.done $0x0  }
0x2e: {  	[sflag:s19] =	ssyncadd.s32 $0xFFFFE000  }
0x2f: {  	[spmem:s7] =	stream.linear.scatter [tilespmem:s18], [sflag:$0x9], $0x2000, $0x38;
	[tilespmem:$0x1E000] =	vst v63  }
0x30: {  	_ =	swait.ge [sflag:s19], $0x2000  }
0x31: {  	[sflag:s19] =	ssyncset.done $0x0  }
0x32: {  	[sflag:s19] =	ssyncadd.s32 $0xFFFFE000  }
0x33: {  	[spmem:s8] =	stream.linear.scatter [tilespmem:s18], [sflag:$0x9], $0x2000, $0x38;
	[tilespmem:$0x1E000] =	vst v63  }
0x34: {  	_ =	swait.ge [sflag:s19], $0x2000  }
0x35: {  	[sflag:s19] =	ssyncset.done $0x0  }
0x36: {  	[sflag:s19] =	ssyncadd.s32 $0xFFFFE000  }
0x37: {  	[bflag:$0x0] =	sbarrier.arrive $0xFFFF  }
0x38: {  	s10 =	simm.s32 $0x0;
	s12 =	rddreg [dreg:$0x4]  }
0x39: {  	[tilespmem:s10], [sflag:$0x9] =	stream.linear.gather [hbm4b:s12+s10], $0x5000, $0x38;
	[tilespmem:$0x1E000] =	vst v63  }
0x3a: {  	_ =	swait.ge [sflag:s19], $0x5000  }
0x3b: {  	[sflag:s19] =	ssyncset.done $0x0  }
0x3c: {  	s13 =	simm.s32 $0x5000;
	s12 =	rddreg [dreg:$0x5];
	[sflag:s19] =	ssyncadd.s32 $0xFFFFB000  }
0x3d: {  	[tilespmem:s13], [sflag:$0x9] =	stream.linear.gather [hbm4b:s12+s10], $0x5000, $0x38;
	[tilespmem:$0x1E000] =	vst v63  }
0x3e: {  	_ =	swait.ge [sflag:s19], $0x5000  }
0x3f: {  	[sflag:s19] =	ssyncset.done $0x0  }
0x40: {  	[sflag:s19] =	ssyncadd.s32 $0xFFFFB000  }
0x41: {  	[tilespmem:s22], [sflag:$0x1] =	stream.indirect.gather [hbm4b:s11+s21], $0x40, s10, s21, $0xb8;
	[tilespmem:$0x1E000] =	vst v63  }
0x42: {  	_ = 	snop  }
0x43: {  	[tilespmem:s23], [sflag:$0x2] =	stream.indirect.gather [hbm4b:s11+s21], $0x40, s21, s21, $0xb8;
	[tilespmem:$0x1E000] =	vst v63  }
0x44: {  	s13 =	simm.s32 $0x100  }
0x45: {  	[tilespmem:s25], [sflag:$0x3] =	stream.indirect.gather [hbm4b:s11+s21], $0x40, s13, s21, $0xb8;
	[tilespmem:$0x1E000] =	vst v63  }
0x46: {  	s12 =	simm.s32 $0x180  }
0x47: {  	[tilespmem:s28], [sflag:$0x4] =	stream.indirect.gather [hbm4b:s11+s21], $0x40, s12, s21, $0xb8;
	[tilespmem:$0x1E000] =	vst v63  }
0x48: {  	_ =	swait.ge [sflag:s29], $0x2000  }
0x49: {  	[sflag:s29] =	ssyncset.done $0x0  }
0x4a: {  	s13 =	simm.s32 $0x5000;
	[sflag:s29] =	ssyncadd.s32 $0xFFFFE000  }
0x4b: {  	[spmem:s1] =	stream.indirect.scatter.add.f32 [tilespmem:s22], [sflag:$0x5], $0x40, s13, s21, $0xb8;
	[tilespmem:$0x1E000] =	vst v63  }
0x4c: {  	_ =	swait.ge [sflag:s30], $0x2000  }
0x4d: {  	[sflag:s30] =	ssyncset.done $0x0  }
0x4e: {  	s12 =	simm.s32 $0x5080;
	[sflag:s30] =	ssyncadd.s32 $0xFFFFE000  }
0x4f: {  	[spmem:s1] =	stream.indirect.scatter.add.f32 [tilespmem:s23], [sflag:$0x6], $0x40, s12, s21, $0xb8;
	[tilespmem:$0x1E000] =	vst v63  }
0x50: {  	_ =	swait.ge [sflag:s31], $0x2000  }
0x51: {  	[sflag:s31] =	ssyncset.done $0x0  }
0x52: {  	s13 =	simm.s32 $0x5100;
	[sflag:s31] =	ssyncadd.s32 $0xFFFFE000  }
0x53: {  	[spmem:s1] =	stream.indirect.scatter.add.f32 [tilespmem:s25], [sflag:$0x7], $0x40, s13, s21, $0xb8;
	[tilespmem:$0x1E000] =	vst v63  }
0x54: {  	_ =	swait.ge [sflag:s0], $0x2000  }
0x55: {  	[sflag:s0] =	ssyncset.done $0x0  }
0x56: {  	s12 =	simm.s32 $0x5180;
	[sflag:s0] =	ssyncadd.s32 $0xFFFFE000  }
0x57: {  	[spmem:s1] =	stream.indirect.scatter.add.f32 [tilespmem:s28], [sflag:$0x8], $0x40, s12, s21, $0xb8;
	[tilespmem:$0x1E000] =	vst v63  }
0x58: {  	_ =	swait.ge [sflag:s2], $0x2000  }
0x59: {  	[sflag:s2] =	ssyncset.done $0x0  }
0x5a: {  	s13 =	simm.s32 $0x200;
	[sflag:s2] =	ssyncadd.s32 $0xFFFFE000  }
0x5b: {  	[tilespmem:s22], [sflag:$0x1] =	stream.indirect.gather [hbm4b:s11+s21], $0x40, s13, s21, $0xb8;
	[tilespmem:$0x1E000] =	vst v63  }
0x5c: {  	_ =	swait.ge [sflag:s20], $0x2000  }
0x5d: {  	[sflag:s20] =	ssyncset.done $0x0  }
0x5e: {  	s12 =	simm.s32 $0x280;
	[sflag:s20] =	ssyncadd.s32 $0xFFFFE000  }
0x5f: {  	[tilespmem:s23], [sflag:$0x2] =	stream.indirect.gather [hbm4b:s11+s21], $0x40, s12, s21, $0xb8;
	[tilespmem:$0x1E000] =	vst v63  }
0x60: {  	_ =	swait.ge [sflag:s24], $0x2000  }
0x61: {  	[sflag:s24] =	ssyncset.done $0x0  }
0x62: {  	s13 =	simm.s32 $0x300;
	[sflag:s24] =	ssyncadd.s32 $0xFFFFE000  }
0x63: {  	[tilespmem:s25], [sflag:$0x3] =	stream.indirect.gather [hbm4b:s11+s21], $0x40, s13, s21, $0xb8;
	[tilespmem:$0x1E000] =	vst v63  }
0x64: {  	_ =	swait.ge [sflag:s26], $0x2000  }
0x65: {  	[sflag:s26] =	ssyncset.done $0x0  }
0x66: {  	s10 =	simm.s32 $0x800;
	s12 =	simm.s32 $0x380;
	[sflag:s26] =	ssyncadd.s32 $0xFFFFE000  }
.LBB2_4:
0x67: {  	[tilespmem:s28], [sflag:$0x4] =	stream.indirect.gather [hbm4b:s11+s21], $0x40, s12, s21, $0xb8;
	[tilespmem:$0x1E000] =	vst v63  }
0x68: {  	s12 =	smov.u32 s10  }
0x69: {  	p0 =	sne.s32 s10, $0x13000;
	s10 =	sadd.s32 $0x800, s10;
	_ =	swait.ge [sflag:s29], $0x2000  }
0x6a: {  	s12 =	sshra.s32 s12, $0x2;
	[sflag:s29] =	ssyncset.done $0x0  }
0x6b: {  	s13 =	sadd.s32 $0x5000, s12;
	[sflag:s29] =	ssyncadd.s32 $0xFFFFE000  }
0x6c: {  	[spmem:s1] =	stream.indirect.scatter.add.f32 [tilespmem:s22], [sflag:$0x5], $0x40, s13, s21, $0xb8;
	[tilespmem:$0x1E000] =	vst v63  }
0x6d: {  	_ =	swait.ge [sflag:s30], $0x2000  }
0x6e: {  	[sflag:s30] =	ssyncset.done $0x0  }
0x6f: {  	s13 =	sadd.s32 $0x5080, s12;
	[sflag:s30] =	ssyncadd.s32 $0xFFFFE000  }
0x70: {  	[spmem:s1] =	stream.indirect.scatter.add.f32 [tilespmem:s23], [sflag:$0x6], $0x40, s13, s21, $0xb8;
	[tilespmem:$0x1E000] =	vst v63  }
0x71: {  	_ =	swait.ge [sflag:s31], $0x2000  }
0x72: {  	[sflag:s31] =	ssyncset.done $0x0  }
0x73: {  	s13 =	sadd.s32 $0x5100, s12;
	[sflag:s31] =	ssyncadd.s32 $0xFFFFE000  }
0x74: {  	[spmem:s1] =	stream.indirect.scatter.add.f32 [tilespmem:s25], [sflag:$0x7], $0x40, s13, s21, $0xb8;
	[tilespmem:$0x1E000] =	vst v63  }
0x75: {  	_ =	swait.ge [sflag:s0], $0x2000  }
0x76: {  	[sflag:s0] =	ssyncset.done $0x0  }
0x77: {  	s13 =	sadd.s32 $0x5180, s12;
	[sflag:s0] =	ssyncadd.s32 $0xFFFFE000  }
0x78: {  	[spmem:s1] =	stream.indirect.scatter.add.f32 [tilespmem:s28], [sflag:$0x8], $0x40, s13, s21, $0xb8;
	[tilespmem:$0x1E000] =	vst v63  }
0x79: {  	_ =	swait.ge [sflag:s2], $0x2000  }
0x7a: {  	[sflag:s2] =	ssyncset.done $0x0  }
0x7b: {  	s13 =	sadd.s32 $0x200, s12;
	[sflag:s2] =	ssyncadd.s32 $0xFFFFE000  }
0x7c: {  	[tilespmem:s22], [sflag:$0x1] =	stream.indirect.gather [hbm4b:s11+s21], $0x40, s13, s21, $0xb8;
	[tilespmem:$0x1E000] =	vst v63  }
0x7d: {  	_ =	swait.ge [sflag:s20], $0x2000  }
0x7e: {  	[sflag:s20] =	ssyncset.done $0x0  }
0x7f: {  	s13 =	sadd.s32 $0x280, s12;
	[sflag:s20] =	ssyncadd.s32 $0xFFFFE000  }
0x80: {  	[tilespmem:s23], [sflag:$0x2] =	stream.indirect.gather [hbm4b:s11+s21], $0x40, s13, s21, $0xb8;
	[tilespmem:$0x1E000] =	vst v63  }
0x81: {  	_ =	swait.ge [sflag:s24], $0x2000  }
0x82: {  	[sflag:s24] =	ssyncset.done $0x0  }
.Ltmp1:
0x83: {  	s13 =	sadd.s32 $0x300, s12;
	[sflag:s24] =	ssyncadd.s32 $0xFFFFE000;
	(pc) =	sbr.rel @p0 .LBB2_4-.Ltmp1, $4  }
0x84: {  	[tilespmem:s25], [sflag:$0x3] =	stream.indirect.gather [hbm4b:s11+s21], $0x40, s13, s21, $0xb8;
	[tilespmem:$0x1E000] =	vst v63  }
0x85: {  	_ =	swait.ge [sflag:s26], $0x2000  }
0x86: {  	[sflag:s26] =	ssyncset.done $0x0  }
0x87: {  	s12 =	sadd.s32 $0x380, s12;
	[sflag:s26] =	ssyncadd.s32 $0xFFFFE000  }
0x88: {  	[tilespmem:s28], [sflag:$0x4] =	stream.indirect.gather [hbm4b:s11+s21], $0x40, s12, s21, $0xb8;
	[tilespmem:$0x1E000] =	vst v63  }
0x89: {  	_ =	swait.ge [sflag:s29], $0x2000  }
0x8a: {  	[sflag:s29] =	ssyncset.done $0x0  }
0x8b: {  	s10 =	simm.s32 $0x9E00;
	[sflag:s29] =	ssyncadd.s32 $0xFFFFE000  }
0x8c: {  	[spmem:s1] =	stream.indirect.scatter.add.f32 [tilespmem:s22], [sflag:$0x5], $0x40, s10, s21, $0xb8;
	[tilespmem:$0x1E000] =	vst v63  }
0x8d: {  	_ =	swait.ge [sflag:s30], $0x2000  }
0x8e: {  	[sflag:s30] =	ssyncset.done $0x0  }
0x8f: {  	s13 =	simm.s32 $0x9E80;
	[sflag:s30] =	ssyncadd.s32 $0xFFFFE000  }
0x90: {  	[spmem:s1] =	stream.indirect.scatter.add.f32 [tilespmem:s23], [sflag:$0x6], $0x40, s13, s21, $0xb8;
	[tilespmem:$0x1E000] =	vst v63  }
0x91: {  	_ =	swait.ge [sflag:s31], $0x2000  }
0x92: {  	[sflag:s31] =	ssyncset.done $0x0  }
0x93: {  	s12 =	simm.s32 $0x9F00;
	[sflag:s31] =	ssyncadd.s32 $0xFFFFE000  }
0x94: {  	[spmem:s1] =	stream.indirect.scatter.add.f32 [tilespmem:s25], [sflag:$0x7], $0x40, s12, s21, $0xb8;
	[tilespmem:$0x1E000] =	vst v63  }
0x95: {  	_ =	swait.ge [sflag:s0], $0x2000  }
0x96: {  	[sflag:s0] =	ssyncset.done $0x0  }
0x97: {  	s13 =	simm.s32 $0x9F80;
	[sflag:s0] =	ssyncadd.s32 $0xFFFFE000  }
0x98: {  	[spmem:s1] =	stream.indirect.scatter.add.f32 [tilespmem:s28], [sflag:$0x8], $0x40, s13, s21, $0xb8;
	[tilespmem:$0x1E000] =	vst v63  }
0x99: {  	_ =	swait.ge [sflag:s2], $0x2000  }
0x9a: {  	[sflag:s2] =	ssyncset.done $0x0  }
0x9b: {  	[sflag:s2] =	ssyncadd.s32 $0xFFFFE000  }
0x9c: {  	_ =	swait.ge [sflag:s20], $0x2000  }
0x9d: {  	[sflag:s20] =	ssyncset.done $0x0  }
0x9e: {  	[sflag:s20] =	ssyncadd.s32 $0xFFFFE000  }
0x9f: {  	_ =	swait.ge [sflag:s24], $0x2000  }
0xa0: {  	[sflag:s24] =	ssyncset.done $0x0  }
0xa1: {  	[sflag:s24] =	ssyncadd.s32 $0xFFFFE000  }
0xa2: {  	_ =	swait.ge [sflag:s26], $0x2000  }
0xa3: {  	[sflag:s26] =	ssyncset.done $0x0  }
0xa4: {  	[sflag:s26] =	ssyncadd.s32 $0xFFFFE000  }
0xa5: {  	[bflag:$0x0] =	sbarrier.arrive $0xFFFF  }
0xa6: {  	[tilespmem:s18], [sflag:$0x9] =	stream.linear.gather [spmem:s4], $0x2000, $0x38;
	[tilespmem:$0x1E000] =	vst v63  }
0xa7: {  	_ =	swait.ge [sflag:s19], $0x2000  }
0xa8: {  	[sflag:s19] =	ssyncset.done $0x0  }
0xa9: {  	s12 =	rddreg [dreg:$0x6];
	[sflag:s19] =	ssyncadd.s32 $0xFFFFE000  }
0xaa: {  	[hbm4b:s12+s3] =	stream.linear.scatter [tilespmem:s18], [sflag:$0x9], $0x2000, $0x38;
	[tilespmem:$0x1E000] =	vst v63  }
0xab: {  	_ =	swait.ge [sflag:s19], $0x2000  }
0xac: {  	[sflag:s19] =	ssyncset.done $0x0  }
0xad: {  	[sflag:s19] =	ssyncadd.s32 $0xFFFFE000  }
0xae: {  	[tilespmem:s18], [sflag:$0x9] =	stream.linear.gather [spmem:s5], $0x2000, $0x38;
	[tilespmem:$0x1E000] =	vst v63  }
0xaf: {  	_ =	swait.ge [sflag:s19], $0x2000  }
0xb0: {  	[sflag:s19] =	ssyncset.done $0x0  }
0xb1: {  	s13 =	rddreg [dreg:$0x7];
	[sflag:s19] =	ssyncadd.s32 $0xFFFFE000  }
0xb2: {  	[hbm4b:s13+s3] =	stream.linear.scatter [tilespmem:s18], [sflag:$0x9], $0x2000, $0x38;
	[tilespmem:$0x1E000] =	vst v63  }
0xb3: {  	_ =	swait.ge [sflag:s19], $0x2000  }
0xb4: {  	[sflag:s19] =	ssyncset.done $0x0  }
0xb5: {  	[sflag:s19] =	ssyncadd.s32 $0xFFFFE000  }
0xb6: {  	[tilespmem:s18], [sflag:$0x9] =	stream.linear.gather [spmem:s6], $0x2000, $0x38;
	[tilespmem:$0x1E000] =	vst v63  }
0xb7: {  	_ =	swait.ge [sflag:s19], $0x2000  }
0xb8: {  	[sflag:s19] =	ssyncset.done $0x0  }
0xb9: {  	[sflag:s19] =	ssyncadd.s32 $0xFFFFE000  }
0xba: {  	[hbm4b:s14+s3] =	stream.linear.scatter [tilespmem:s18], [sflag:$0x9], $0x2000, $0x38;
	[tilespmem:$0x1E000] =	vst v63  }
0xbb: {  	_ =	swait.ge [sflag:s19], $0x2000  }
0xbc: {  	[sflag:s19] =	ssyncset.done $0x0  }
0xbd: {  	[sflag:s19] =	ssyncadd.s32 $0xFFFFE000  }
0xbe: {  	[tilespmem:s18], [sflag:$0x9] =	stream.linear.gather [spmem:s7], $0x2000, $0x38;
	[tilespmem:$0x1E000] =	vst v63  }
0xbf: {  	_ =	swait.ge [sflag:s19], $0x2000  }
0xc0: {  	[sflag:s19] =	ssyncset.done $0x0  }
0xc1: {  	[sflag:s19] =	ssyncadd.s32 $0xFFFFE000  }
0xc2: {  	[hbm4b:s15+s3] =	stream.linear.scatter [tilespmem:s18], [sflag:$0x9], $0x2000, $0x38;
	[tilespmem:$0x1E000] =	vst v63  }
0xc3: {  	_ =	swait.ge [sflag:s19], $0x2000  }
0xc4: {  	[sflag:s19] =	ssyncset.done $0x0  }
0xc5: {  	[sflag:s19] =	ssyncadd.s32 $0xFFFFE000  }
0xc6: {  	[tilespmem:s18], [sflag:$0x9] =	stream.linear.gather [spmem:s8], $0x2000, $0x38;
	[tilespmem:$0x1E000] =	vst v63  }
0xc7: {  	s9 =	sadd.s32 $0x1, s9;
	_ =	swait.ge [sflag:s19], $0x2000  }
0xc8: {  	p0 =	sne.s32 s9, s17;
	[sflag:s19] =	ssyncset.done $0x0  }
.Ltmp2:
0xc9: {  	[sflag:s19] =	ssyncadd.s32 $0xFFFFE000;
	(pc) =	sbr.rel @p0 .LBB2_1-.Ltmp2, $4  }
0xca: {  	[hbm4b:s16+s3] =	stream.linear.scatter [tilespmem:s18], [sflag:$0x9], $0x2000, $0x38;
	[tilespmem:$0x1E000] =	vst v63  }
0xcb: {  	_ =	swait.ge [sflag:s19], $0x2000  }
0xcc: {  	[sflag:s19] =	ssyncset.done $0x0  }
0xcd: {  	[sflag:s19] =	ssyncadd.s32 $0xFFFFE000  }
0xce: {  	_ =	sfence.sel $0x180000  }
0xcf: {  	[bflag:$0x0] =	sbarrier.arrive $0xFFFF  }
0xd0: {  	_ =	strace $0x9000004D  }
0xd1: {  	s0 =	stileid.u32;
	[bflag:$0x2] =	sbarrier.arrive $0xFFFF  }
0xd2: {  	p0 =	sne.s32 s0, $0x0;
	s0 =	rddreg [dreg:$0x3]  }
0xd3: {  	s0 =	sadd.s32 @!p0 $0x100000, s0  }
0xd4: {  	[sflag:s0] =	ssyncadd.tile.s32 @!p0 $0x1;
	_ =	shalt  }
.Lfunc_end2:
_tile_overlayer_lowered:
.L_overlay_start_2:
0xd5: {  	(tag) =	ssettag $0x2  }
0xd6: {  	s0 =	rddreg [dreg:$0x0];
	s2 =	stileid.u32  }
0xd7: {  	s1 =	rddreg [dreg:$0x1];
	p0 =	sne.s32 s2, $0x0  }
0xd8: {  	s3 =	rddreg [dreg:$0x2];
	[bflag:$0x3] =	sbarrier.arrive $0xFFFF;
	s2 =	simm.s32 @!p0 $0x1C09  }
0xd9: {  	[timem:s3], [sflag:s2] =	dma.local @!p0 [hbm:s0], s1  }
0xda: {  	s0 =	simm.s32 @!p0 $0x9  }
0xdb: {  	_ =	swait.ge @!p0 [sflag:s0], s1  }
0xdc: {  	s1 =	ssub.s32 @!p0 $0x0, s1;
	[sflag:s0] =	ssyncset.done @!p0 $0x0  }
0xdd: {  	[sflag:s0] =	ssyncadd.s32 @!p0 s1  }
0xde: {  	[bflag:$0x3] =	sbarrier.arrive $0xFFFF  }
0xdf: {  	_ =	shalt  }

// kernel: kernel.8.cloned.1.call-start
scs
__scs_entry_jumppad:
0x0: {  	(pc) =	sbr.rel $0x88, $3  }
0x1: {  	(tag) =	ssettag $0x0;
	lr =	simm.s32 $0x1  }
0x2: {  	[smem:$0x3F99] =	sst lr;
	_ =	strace $0xD0000000  }
0x3: {  	_ = 	snop  }
0x4: {  	_ = 	snop  }
0x5: {  	_ = 	snop  }
0x6: {  	_ = 	snop  }
0x7: {  	_ = 	snop  }
__scs_overlays_trampoline_lowered:
0x8: {  	[smem:$0x3FA8] =	sst s0  }
0x9: {  	[smem:$0x3FA9] =	sst s1  }
0xa: {  	[smem:$0x3FAA] =	sst s2  }
0xb: {  	[smem:$0x3FAB] =	sst s3  }
0xc: {  	[smem:$0x3FAC] =	sst s4  }
0xd: {  	[smem:$0x3FAD] =	sst s5  }
0xe: {  	[smem:$0x3FAE] =	sst s6  }
0xf: {  	[smem:$0x3FAF] =	sst s7  }
0x10: {  	[smem:$0x3FB0] =	sst s8  }
0x11: {  	[smem:$0x3FB1] =	sst s9;
	s0 =	simm.s32 @!p0 $0x0  }
0x12: {  	s1 =	sld [smem:$0x3F97];
	s0 =	simm.s32 @p0 $0x1  }
0x13: {  	[smem:$0x3FB2] =	sst s0;
	s0 =	simm.s32 @!p1 $0x0  }
0x14: {  	s2 =	sld [smem:$0x3F96];
	s0 =	simm.s32 @p1 $0x1  }
0x15: {  	[smem:$0x3FB3] =	sst s0;
	s0 =	simm.s32 @!p2 $0x0  }
0x16: {  	s3 =	sld [smem:$0x3FDB];
	s0 =	simm.s32 @p2 $0x1  }
0x17: {  	s4 =	simm.s32 $0x1BF5;
	[smem:$0x3FB5] =	sst s0  }
0x18: {  	s0 =	sld [smem:$0x3F98];
	_ =	swait.ge [sflag:s4], $0x0  }
0x19: {  	s7 =	sld [smem:$0x3F99]  }
0x1a: {  	s8 =	sadd.s32 $0xFFFFE003, lr  }
0x1b: {  	s9 =	sadd.s32 $0xFFFFFEF7, lr;
	s5 =	simm.s32 $0xFFFFFFFF;
	p2 =	slt.u32 s8, $0xFFFFF086  }
0x1c: {  	p1 =	slt.u32 s9, $0xF7A;
	s5 =	simm.s32 @!p2 $0x0  }
0x1d: {  	s5 =	simm.s32 @p1 $0x1;
	p0 =	seq.s32 s7, s2  }
0x1e: {  	s7 =	smul.u32 @!p0 $0xF7A, s2;
	p2 =	seq.s32 @!p0 s5, $0x0  }
0x1f: {  	s9 =	smul.u32 $0xF7A, s1;
	s8 =	simm.s32 @!p0 $0x1BF5;
	p2 =	por !p2, p0  }
0x20: {  	[sflag:s8] =	ssyncset.s32 @!p0 $0xFFFFF086;
	s6 =	sadd.s32 @!p0 s3, s7;
	s7 =	simm.s32 @!p0 $0x108  }
0x21: {  	s3 =	sadd.s32 s3, s9;
	s6 =	sadd.s32 @!p0 $0x88, s6;
	s7 =	simm.s32 @p2 $0x1082  }
0x22: {  	[simem:s7], [sflag:s8] =	dma.local @!p0 [hbm:s6], $0xF7A  }
0x23: {  	s9 =	sor.u32 $0xD0000000, s2;
	s6 =	simm.s32 $0x108;
	_ =	swait.ge @!p0 [sflag:s8], $0x0  }
0x24: {  	s3 =	sadd.s32 $0x88, s3;
	s6 =	simm.s32 @!p1 $0x1082;
	[sflag:s4] =	ssyncset.s32 $0xFFFFF086  }
0x25: {  	[simem:s6], [sflag:s4] =	dma.local [hbm:s3], $0xF7A  }
0x26: {  	[smem:$0x3F99] =	sst s1;
	(tag) =	ssettag s2;
	_ =	strace s9  }
0x27: {  	s1 =	sld [smem:$0x3FA9]  }
0x28: {  	s2 =	sld [smem:$0x3FAA]  }
0x29: {  	s4 =	sld [smem:$0x3FAC]  }
0x2a: {  	p0 =	seq.s32 s5, $0x0;
	s5 =	sld [smem:$0x3FAD]  }
0x2b: {  	s6 =	sld [smem:$0x3FAE]  }
0x2c: {  	s7 =	sld [smem:$0x3FAF]  }
0x2d: {  	s3 =	simm.s32 $0x108;
	s8 =	sld [smem:$0x3FB0]  }
0x2e: {  	s3 =	simm.s32 @!p0 $0x1082;
	s9 =	sld [smem:$0x3FB1]  }
0x2f: {  	lr =	sadd.s32 s0, s3;
	s0 =	sld [smem:$0x3FA8]  }
0x30: {  	s3 =	sld [smem:$0x3FAB]  }
0x31: {  	[smem:$0x3FB4] =	sst s10  }
0x32: {  	s10 =	sld [smem:$0x3FB2];
	_ =	sdelay $0x3  }
0x33: {  	p0 =	seq.s32 s10, $0x1;
	s10 =	sld [smem:$0x3FB4];
	_ =	sdelay $0x3  }
0x34: {  	[smem:$0x3FB4] =	sst s10  }
0x35: {  	s10 =	sld [smem:$0x3FB3];
	_ =	sdelay $0x3  }
0x36: {  	p1 =	seq.s32 s10, $0x1;
	s10 =	sld [smem:$0x3FB4];
	_ =	sdelay $0x3  }
0x37: {  	[smem:$0x3FB4] =	sst s10  }
0x38: {  	s10 =	sld [smem:$0x3FB5]  }
0x39: {  	_ = 	snop;
	(pc) =	sbr.ind lr, $3  }
0x3a: {  	_ = 	snop  }
0x3b: {  	_ = 	snop  }
0x3c: {  	p2 =	seq.s32 s10, $0x1;
	s10 =	sld [smem:$0x3FB4]  }
0x3d: {  	_ =	shalt  }
0x3e: {  	_ =	shalt  }
0x3f: {  	_ =	shalt  }
0x40: {  	_ =	shalt  }
0x41: {  	_ =	shalt  }
0x42: {  	_ =	shalt  }
0x43: {  	_ =	shalt  }
0x44: {  	_ =	shalt  }
0x45: {  	_ =	shalt  }
0x46: {  	_ =	shalt  }
0x47: {  	_ =	shalt  }
0x48: {  	_ =	shalt  }
0x49: {  	_ =	shalt  }
0x4a: {  	_ =	shalt  }
0x4b: {  	_ =	shalt  }
0x4c: {  	_ =	shalt  }
0x4d: {  	_ =	shalt  }
0x4e: {  	_ =	shalt  }
0x4f: {  	_ =	shalt  }
0x50: {  	_ =	shalt  }
0x51: {  	_ =	shalt  }
0x52: {  	_ =	shalt  }
0x53: {  	_ =	shalt  }
0x54: {  	_ =	shalt  }
0x55: {  	_ =	shalt  }
0x56: {  	_ =	shalt  }
0x57: {  	_ =	shalt  }
0x58: {  	_ =	shalt  }
0x59: {  	_ =	shalt  }
0x5a: {  	_ =	shalt  }
0x5b: {  	_ =	shalt  }
0x5c: {  	_ =	shalt  }
0x5d: {  	_ =	shalt  }
0x5e: {  	_ =	shalt  }
0x5f: {  	_ =	shalt  }
0x60: {  	_ =	shalt  }
0x61: {  	_ =	shalt  }
0x62: {  	_ =	shalt  }
0x63: {  	_ =	shalt  }
0x64: {  	_ =	shalt  }
0x65: {  	_ =	shalt  }
0x66: {  	_ =	shalt  }
0x67: {  	_ =	shalt  }
0x68: {  	_ =	shalt  }
0x69: {  	_ =	shalt  }
0x6a: {  	_ =	shalt  }
0x6b: {  	_ =	shalt  }
0x6c: {  	_ =	shalt  }
0x6d: {  	_ =	shalt  }
0x6e: {  	_ =	shalt  }
0x6f: {  	_ =	shalt  }
0x70: {  	_ =	shalt  }
0x71: {  	_ =	shalt  }
0x72: {  	_ =	shalt  }
0x73: {  	_ =	shalt  }
0x74: {  	_ =	shalt  }
0x75: {  	_ =	shalt  }
0x76: {  	_ =	shalt  }
0x77: {  	_ =	shalt  }
0x78: {  	_ =	shalt  }
0x79: {  	_ =	shalt  }
0x7a: {  	_ =	shalt  }
0x7b: {  	_ =	shalt  }
0x7c: {  	_ =	shalt  }
0x7d: {  	_ =	shalt  }
0x7e: {  	_ =	shalt  }
0x7f: {  	_ =	shalt  }
0x80: {  	_ =	shalt  }
0x81: {  	_ =	shalt  }
0x82: {  	_ =	shalt  }
0x83: {  	_ =	shalt  }
0x84: {  	_ =	shalt  }
0x85: {  	_ =	shalt  }
0x86: {  	_ =	shalt  }
0x87: {  	_ =	shalt  }
.Lfunc_end0:
.L_simem_size_0:
called_computation_lowered:
.L_overlay_start_0:
0x88: {  	s2 =	sld [smem:$0x3FD9]  }
0x89: {  	s3 =	sld [smem:$0x3FFE];
	_ =	sdelay $0x1  }
0x8a: {  	s1 =	srdreg.scid  }
0x8b: {  	s0 =	sand.u32 $0x1, s1  }
0x8c: {  	s17 =	sshll.u32 s0, $0xA;
	s2 =	sadd.s32 s3, s2  }
0x8d: {  	s2 =	sadd.s32 s2, s17  }
0x8e: {  	[smem:$0x3FC0] =	sst s2  }
0x8f: {  	_ = 	snop  }
0x90: {  	s2 =	sld [smem:$0x3FD0];
	(tm) =	ssettm $0x1  }
0x91: {  	s18 =	sld [smem:$0x3FFB];
	_ =	sdelay $0x3  }
0x92: {  	_ =	strace s18  }
0x93: {  	s3 =	sld [smem:$0x3FFC];
	_ =	sdelay $0x3  }
0x94: {  	_ =	strace s3  }
0x95: {  	s3 =	sld [smem:$0x3FFD];
	_ =	sdelay $0x3  }
0x96: {  	_ =	strace s3  }
0x97: {  	_ =	strace $0x8FFFFFFF  }
0x98: {  	s19 =	sld [smem:$0x3FDB];
	_ =	sdelay $0x1  }
0x99: {  	s4 =	simm.s32 $_scs_section_size  }
0x9a: {  	s5 =	simm.s32 $_size__tile_overlayer_lowered;
	s6 =	simm.s32 $_tile_overlayer_lowered  }
0x9b: {  	s22 =	simm.s32 $0x1BFF;
	s21 =	sshll.u32 s6, $0x1;
	s3 =	sadd.s32 s4, s19  }
0x9c: {  	s7 =	simm.s32 $0x0;
	s20 =	sshll.u32 s5, $0x1;
	s5 =	sadd.s32 s21, s3  }
0x9d: {  	[timem:s7], [sflag:s22] =	dma.local [hbm:s5], s20  }
0x9e: {  	_ =	swait.ge [sflag:s22], s20  }
0x9f: {  	s4 =	ssub.s32 $0x0, s20;
	[sflag:s22] =	ssyncset.done $0x0  }
0xa0: {  	[sflag:s22] =	ssyncadd.s32 s4;
	_ =	sdelay $0x1  }
0xa1: {  	s23 =	simm.s32 $0x1B8B  }
0xa2: {  	_ =	swait.ge [sflag:s23], $0x1  }
0xa3: {  	[sflag:s23] =	ssyncset.done $0x0  }
0xa4: {  	s25 =	simm.s32 $0x1B8E;
	s24 =	sld [smem:$0x3FFE];
	[sflag:s23] =	ssyncadd.s32 $0xFFFFFFFF  }
0xa5: {  	s26 =	simm.s32 $execute0_lowered;
	[smem:$0x3FD2] =	sst s25  }
0xa6: {  	s5 =	sshll.u32 s26, $0x1;
	_ =	strace $0x80000046;
	[dreg:$0x1] =	wrdreg $0xFFFFFFFF  }
0xa7: {  	s28 =	simm.s32 $_size_execute0_lowered;
	s3 =	sadd.s32 s3, s5;
	[dreg:$0x0] =	wrdreg $0x0  }
0xa8: {  	s5 =	sshll.u32 s28, $0x1;
	[dreg:$0x2] =	wrdreg s3  }
0xa9: {  	[dreg:$0x3] =	wrdreg s5  }
0xaa: {  	[dreg:$0x4] =	wrdreg $0xC0  }
0xab: {  	_ =	task [dreg:s7], $0x5FFFF  }
0xac: {  	[dreg:$0x1] =	wrdreg $0xFFFFFFFF  }
0xad: {  	[dreg:$0x0] =	wrdreg $0x60  }
0xae: {  	[dreg:$0x2] =	wrdreg s2  }
0xaf: {  	[dreg:$0x3] =	wrdreg s24  }
0xb0: {  	[dreg:$0x4] =	wrdreg $0x30000  }
0xb1: {  	[dreg:$0x5] =	wrdreg $0x9  }
0xb2: {  	_ =	task.clear_ibuf [dreg:s7], $0x6FFFF;
	_ =	strace $0x90000046  }
0xb3: {  	s29 =	simm.s32 $0x9;
	_ =	strace $0x80000048  }
0xb4: {  	_ =	swait.ge [sflag:s29], $0x1  }
0xb5: {  	[sflag:s29] =	ssyncadd.s32 $0xFFFFFFFF  }
0xb6: {  	_ =	strace $0x90000048  }
0xb7: {  	_ =	sfence  }
0xb8: {  	s30 =	sld [smem:$0x0];
	_ =	sdelay $0x2  }
0xb9: {  	s31 =	sshll.u32 s1, $0xD;
	s1 =	sshrl.u32 s1, $0x2  }
0xba: {  	s3 =	sand.u32 $0x4000, s31;
	s1 =	sadd.s32 s1, s30  }
0xbb: {  	s0 =	sor.u32 s3, s0;
	s1 =	sshll.u32 s1, $0x11  }
0xbc: {  	s0 =	sor.u32 s1, s0  }
0xbd: {  	s0 =	sadd.s32 $0x8F2B, s0  }
0xbe: {  	[sflag:s0] =	ssyncadd.remote.s32 $0x1  }
0xbf: {  	_ =	sfence.sel $0xFFFF  }
0xc0: {  	[dreg:$0x0] =	wrdreg $0xFFFFFFFF;
	(pc) =	sbr.abs _section_cstart, $3  }
0xc1: {  	[dreg:$0x1] =	wrdreg $0xFFFFFFFF  }
0xc2: {  	_ =	task.clear_ibuf [dreg:s7], $0x2FFFF;
	_ =	strace $0x9FFFFFFF  }
0xc3: {  	(tm) =	ssettm $0x7FFFFFFF  }
tec
execute0_lowered:
.L_overlay_start_1:
0x0: {  	(tag) =	ssettag $0x1  }
0x1: {  	s9 =	rddreg [dreg:$0x0]  }
0x2: {  	s4 =	rddreg [dreg:$0x1]  }
0x3: {  	s2 =	rddreg [dreg:$0x2]  }
0x4: {  	s0 =	rddreg [dreg:$0x3];
	s1 =	stileid.u32  }
0x5: {  	s5 =	srdreg.scid;
	s3 =	simm.s32 $0x0;
	s10 =	smul.u32 $0x2800, s1  }
0x6: {  	s6 =	sand.u32 $0x1, s5;
	[smem:$0x7FF] =	sst s3;
	s12 =	smul.u32 $0x5000, s1  }
0x7: {  	s14 =	sadd.s32 $0x2000, s4;
	s5 =	ssub.s32 $0x2, s6;
	s13 =	smul.u32 $0x2800, s6  }
0x8: {  	_ =	strace $0x80000047;
	s18 =	smul.u32 $0x28000, s6;
	s28 =	sshrl.u32 s5, $0x1  }
0x9: {  	s11 =	sadd.s32 $0x800, s10;
	s4 =	sadd.s32 s10, s2;
	s16 =	sadd.s32 $0x1000, s10  }
0xa: {  	s17 =	sadd.s32 $0x1800, s10;
	s19 =	sadd.s32 $0x2000, s10;
	s15 =	ssub.s32 s5, s28  }
0xb: {  	s5 =	sadd.s32 s11, s2;
	s6 =	sadd.s32 s16, s2;
	s7 =	sadd.s32 s17, s2  }
0xc: {  	s8 =	sadd.s32 s19, s2;
	s12 =	sadd.s32 s13, s12;
	s10 =	sadd.s32 s10, s18  }
0xd: {  	s11 =	sadd.s32 s18, s11;
	s29 =	sadd.s32 s18, s16;
	s30 =	sadd.s32 s18, s17  }
0xe: {  	s31 =	sadd.s32 s18, s19;
	s17 =	simm.s32 $0x1;
	s18 =	simm.s32 $0x80  }
0xf: {  	s19 =	simm.s32 $0x0;
	s12 =	sshrl.u32 s12, $0x3;
	s10 =	sshrl.u32 s10, $0x3  }
0x10: {  	s11 =	sshrl.u32 s11, $0x3;
	s13 =	sshrl.u32 s30, $0x3;
	s16 =	sshrl.u32 s31, $0x3  }
0x11: {  	s15 =	smax.u32 s15, $0x1;
	s9 =	sadd.s32 s9, s12;
	s10 =	sadd.s32 s14, s10  }
0x12: {  	s11 =	sadd.s32 s14, s11;
	s12 =	sshrl.u32 s29, $0x3;
	s13 =	sadd.s32 s14, s13  }
0x13: {  	v0 =	vimm.f32 $0.0e+00;
	v1 =	vimm.f32 $1.000000000e+00;
	s12 =	sadd.s32 s14, s12;
	s14 =	sadd.s32 s14, s16;
	s16 =	simm.s32 $0x2800  }
.LBB2_1:
0x14: {  	s20 =	simm.s32 $0x40;
	s21 =	simm.s32 $0x0  }
.LBB2_2:
0x15: {  	p0 =	sne.s32 s20, $0x1FC0;
	[tilespmem:s21+$0x2800] =	vst v0;
	s21 =	smov.u32 s20;
	s20 =	sadd.s32 $0x40, s20  }
.Ltmp0:
0x16: {  	(pc) =	sbr.rel @p0 .LBB2_2-.Ltmp0, $2  }
0x17: {  	_ =	sdelay $0x2  }
0x18: {  	s21 =	sshra.s32 s21, $0x2  }
0x19: {  	[tilespmem:s21+$0x2800] =	vst v0  }
0x1a: {  	[spmem:s4] =	stream.linear.scatter [tilespmem:s16], [sflag:$0x1], $0x800, $0x38;
	[tilespmem:$0x5800] =	vst v63  }
0x1b: {  	_ =	swait.ge [sflag:s17], $0x800  }
0x1c: {  	[sflag:s17] =	ssyncset.done $0x0  }
0x1d: {  	[sflag:s17] =	ssyncadd.s32 $0xFFFFF800  }
0x1e: {  	[spmem:s5] =	stream.linear.scatter [tilespmem:s16], [sflag:$0x1], $0x800, $0x38;
	[tilespmem:$0x5800] =	vst v63  }
0x1f: {  	_ =	swait.ge [sflag:s17], $0x800  }
0x20: {  	[sflag:s17] =	ssyncset.done $0x0  }
0x21: {  	[sflag:s17] =	ssyncadd.s32 $0xFFFFF800  }
0x22: {  	[spmem:s6] =	stream.linear.scatter [tilespmem:s16], [sflag:$0x1], $0x800, $0x38;
	[tilespmem:$0x5800] =	vst v63  }
0x23: {  	_ =	swait.ge [sflag:s17], $0x800  }
0x24: {  	[sflag:s17] =	ssyncset.done $0x0  }
0x25: {  	[sflag:s17] =	ssyncadd.s32 $0xFFFFF800  }
0x26: {  	[spmem:s7] =	stream.linear.scatter [tilespmem:s16], [sflag:$0x1], $0x800, $0x38;
	[tilespmem:$0x5800] =	vst v63  }
0x27: {  	_ =	swait.ge [sflag:s17], $0x800  }
0x28: {  	[sflag:s17] =	ssyncset.done $0x0  }
0x29: {  	[sflag:s17] =	ssyncadd.s32 $0xFFFFF800  }
0x2a: {  	[spmem:s8] =	stream.linear.scatter [tilespmem:s16], [sflag:$0x1], $0x800, $0x38;
	[tilespmem:$0x5800] =	vst v63  }
0x2b: {  	_ =	swait.ge [sflag:s17], $0x800  }
0x2c: {  	[sflag:s17] =	ssyncset.done $0x0  }
0x2d: {  	[sflag:s17] =	ssyncadd.s32 $0xFFFFF800  }
0x2e: {  	s20 =	simm.s32 $0x0;
	[bflag:$0x0] =	sbarrier.arrive $0xFFFF  }
0x2f: {  	[tilespmem:s20], [sflag:$0x1] =	stream.linear.gather [hbm4b:s9+s20], $0x2800, $0x38;
	[tilespmem:$0x5800] =	vst v63  }
0x30: {  	_ =	swait.ge [sflag:s17], $0x2800  }
0x31: {  	[sflag:s17] =	ssyncset.done $0x0  }
0x32: {  	s21 =	simm.s32 $0x0;
	s20 =	simm.s32 $0x40;
	[sflag:s17] =	ssyncadd.s32 $0xFFFFD800  }
.LBB2_4:
0x33: {  	p0 =	sne.s32 s20, $0x1FC0;
	[tilespmem:s21+$0x2800] =	vst v1;
	s21 =	smov.u32 s20;
	s20 =	sadd.s32 $0x40, s20  }
.Ltmp1:
0x34: {  	(pc) =	sbr.rel @p0 .LBB2_4-.Ltmp1, $2  }
0x35: {  	_ =	sdelay $0x2  }
0x36: {  	s21 =	sshra.s32 s21, $0x2  }
0x37: {  	[tilespmem:s21+$0x2800] =	vst v1;
	s20 =	simm.s32 $0x0  }
0x38: {  	[spmem:s2] =	stream.indirect.scatter.add.f32 [tilespmem:s16], [sflag:$0x1], $0x10, s20, s18, $0xb8;
	[tilespmem:$0x5800] =	vst v63  }
0x39: {  	_ =	swait.ge [sflag:s17], $0x800  }
0x3a: {  	s20 =	simm.s32 $0x200;
	[sflag:s17] =	ssyncset.done $0x0  }
.LBB2_6:
0x3b: {  	s21 =	sshra.s32 s20, $0x2;
	[sflag:s17] =	ssyncadd.s32 $0xFFFFF800;
	p0 =	sne.s32 s20, $0x9E00  }
0x3c: {  	[spmem:s2] =	stream.indirect.scatter.add.f32 [tilespmem:s16], [sflag:$0x1], $0x10, s21, s18, $0xb8;
	[tilespmem:$0x5800] =	vst v63  }
.Ltmp2:
0x3d: {  	_ = 	snop;
	(pc) =	sbr.rel @p0 .LBB2_6-.Ltmp2, $4  }
0x3e: {  	_ = 	snop  }
0x3f: {  	s20 =	sadd.s32 $0x200, s20  }
0x40: {  	_ =	swait.ge [sflag:s17], $0x800  }
0x41: {  	[sflag:s17] =	ssyncset.done $0x0  }
0x42: {  	[sflag:s17] =	ssyncadd.s32 $0xFFFFF800  }
0x43: {  	[bflag:$0x0] =	sbarrier.arrive $0xFFFF  }
0x44: {  	[tilespmem:s16], [sflag:$0x1] =	stream.linear.gather [spmem:s4], $0x800, $0x38;
	[tilespmem:$0x5800] =	vst v63  }
0x45: {  	_ =	swait.ge [sflag:s17], $0x800  }
0x46: {  	[sflag:s17] =	ssyncset.done $0x0  }
0x47: {  	[sflag:s17] =	ssyncadd.s32 $0xFFFFF800  }
0x48: {  	[hbm4b:s10+s3] =	stream.linear.scatter [tilespmem:s16], [sflag:$0x1], $0x800, $0x38;
	[tilespmem:$0x5800] =	vst v63  }
0x49: {  	_ =	swait.ge [sflag:s17], $0x800  }
0x4a: {  	[sflag:s17] =	ssyncset.done $0x0  }
0x4b: {  	[sflag:s17] =	ssyncadd.s32 $0xFFFFF800  }
0x4c: {  	[tilespmem:s16], [sflag:$0x1] =	stream.linear.gather [spmem:s5], $0x800, $0x38;
	[tilespmem:$0x5800] =	vst v63  }
0x4d: {  	_ =	swait.ge [sflag:s17], $0x800  }
0x4e: {  	[sflag:s17] =	ssyncset.done $0x0  }
0x4f: {  	[sflag:s17] =	ssyncadd.s32 $0xFFFFF800  }
0x50: {  	[hbm4b:s11+s3] =	stream.linear.scatter [tilespmem:s16], [sflag:$0x1], $0x800, $0x38;
	[tilespmem:$0x5800] =	vst v63  }
0x51: {  	_ =	swait.ge [sflag:s17], $0x800  }
0x52: {  	[sflag:s17] =	ssyncset.done $0x0  }
0x53: {  	[sflag:s17] =	ssyncadd.s32 $0xFFFFF800  }
0x54: {  	[tilespmem:s16], [sflag:$0x1] =	stream.linear.gather [spmem:s6], $0x800, $0x38;
	[tilespmem:$0x5800] =	vst v63  }
0x55: {  	_ =	swait.ge [sflag:s17], $0x800  }
0x56: {  	[sflag:s17] =	ssyncset.done $0x0  }
0x57: {  	[sflag:s17] =	ssyncadd.s32 $0xFFFFF800  }
0x58: {  	[hbm4b:s12+s3] =	stream.linear.scatter [tilespmem:s16], [sflag:$0x1], $0x800, $0x38;
	[tilespmem:$0x5800] =	vst v63  }
0x59: {  	_ =	swait.ge [sflag:s17], $0x800  }
0x5a: {  	[sflag:s17] =	ssyncset.done $0x0  }
0x5b: {  	[sflag:s17] =	ssyncadd.s32 $0xFFFFF800  }
0x5c: {  	[tilespmem:s16], [sflag:$0x1] =	stream.linear.gather [spmem:s7], $0x800, $0x38;
	[tilespmem:$0x5800] =	vst v63  }
0x5d: {  	_ =	swait.ge [sflag:s17], $0x800  }
0x5e: {  	[sflag:s17] =	ssyncset.done $0x0  }
0x5f: {  	[sflag:s17] =	ssyncadd.s32 $0xFFFFF800  }
0x60: {  	[hbm4b:s13+s3] =	stream.linear.scatter [tilespmem:s16], [sflag:$0x1], $0x800, $0x38;
	[tilespmem:$0x5800] =	vst v63  }
0x61: {  	_ =	swait.ge [sflag:s17], $0x800  }
0x62: {  	[sflag:s17] =	ssyncset.done $0x0  }
0x63: {  	[sflag:s17] =	ssyncadd.s32 $0xFFFFF800  }
0x64: {  	[tilespmem:s16], [sflag:$0x1] =	stream.linear.gather [spmem:s8], $0x800, $0x38;
	[tilespmem:$0x5800] =	vst v63  }
0x65: {  	s19 =	sadd.s32 $0x1, s19;
	_ =	swait.ge [sflag:s17], $0x800  }
0x66: {  	p0 =	sne.s32 s19, s15;
	[sflag:s17] =	ssyncset.done $0x0  }
.Ltmp3:
0x67: {  	[sflag:s17] =	ssyncadd.s32 $0xFFFFF800;
	(pc) =	sbr.rel @p0 .LBB2_1-.Ltmp3, $4  }
0x68: {  	[hbm4b:s14+s3] =	stream.linear.scatter [tilespmem:s16], [sflag:$0x1], $0x800, $0x38;
	[tilespmem:$0x5800] =	vst v63  }
0x69: {  	_ =	swait.ge [sflag:s17], $0x800  }
0x6a: {  	[sflag:s17] =	ssyncset.done $0x0  }
0x6b: {  	[sflag:s17] =	ssyncadd.s32 $0xFFFFF800  }
0x6c: {  	_ =	sfence.sel $0x180000  }
0x6d: {  	[bflag:$0x0] =	sbarrier.arrive $0xFFFF  }
0x6e: {  	p0 =	sne.s32 s1, $0x0;
	_ =	strace $0x90000047  }
0x6f: {  	s0 =	sadd.s32 @!p0 $0x100000, s0;
	[bflag:$0x2] =	sbarrier.arrive $0xFFFF  }
0x70: {  	[sflag:s0] =	ssyncadd.tile.s32 @!p0 $0x1;
	_ =	shalt  }
.Lfunc_end2:
_tile_overlayer_lowered:
.L_overlay_start_2:
0x71: {  	(tag) =	ssettag $0x2  }
0x72: {  	s0 =	rddreg [dreg:$0x0];
	s2 =	stileid.u32  }
0x73: {  	s1 =	rddreg [dreg:$0x1];
	p0 =	sne.s32 s2, $0x0  }
0x74: {  	s3 =	rddreg [dreg:$0x2];
	[bflag:$0x3] =	sbarrier.arrive $0xFFFF;
	s2 =	simm.s32 @!p0 $0x1C01  }
0x75: {  	[timem:s3], [sflag:s2] =	dma.local @!p0 [hbm:s0], s1  }
0x76: {  	s0 =	simm.s32 @!p0 $0x1  }
0x77: {  	_ =	swait.ge @!p0 [sflag:s0], s1  }
0x78: {  	s1 =	ssub.s32 @!p0 $0x0, s1;
	[sflag:s0] =	ssyncset.done @!p0 $0x0  }
0x79: {  	[sflag:s0] =	ssyncadd.s32 @!p0 s1  }
0x7a: {  	[bflag:$0x3] =	sbarrier.arrive $0xFFFF  }
0x7b: {  	_ =	shalt  }

</sc_bundles>
